<compile_context>
chip_gen: v7x
topology: tpu7x:2x2x1
jax: 0.10.2.dev20260603
libtpu: 0.0.44.dev20260713+nightly
codegen_flags: <defaults>
</compile_context>

<pallas_src>
import jax
import jax.numpy as jnp
from jax import lax
from jax.experimental import pallas as pl
from jax.experimental.pallas import tpu as pltpu
from jax.experimental.pallas import tpu_sc as plsc

_T = 32
_B = 32
_N = 32768
_L = 16
_CHUNKS = _N // _L
_K = _T - 1
_SUB = 256
_LANES = 128
_UNROLL = 4



def _topk_sc_body(x_hbm, idx_hbm, row_v, candv_v, candi_v, res_v):
    wid = lax.axis_index("s") * 2 + lax.axis_index("c")
    pltpu.sync_copy(x_hbm.at[wid], row_v)

    lanes = jnp.arange(_L, dtype=jnp.int32)
    neg1 = jnp.full((_L,), -1.0, dtype=jnp.float32)

    def pass_a(j, carry):
        out = []
        for u in range(_UNROLL):
            t1, t2 = carry[u]
            v = jnp.abs(row_v[pl.ds((j * _UNROLL + u) * _L, _L)])
            t2 = jnp.maximum(t2, jnp.minimum(t1, v))
            t1 = jnp.maximum(t1, v)
            out.append((t1, t2))
        return tuple(out)

    accs = lax.fori_loop(0, _CHUNKS // _UNROLL, pass_a,
                         tuple((neg1, neg1) for _ in range(_UNROLL)))

    def merge(a, b):
        t1a, t2a = a
        t1b, t2b = b
        t1 = jnp.maximum(t1a, t1b)
        t2 = jnp.maximum(jnp.minimum(t1a, t1b),
                         jnp.where(t1a >= t1b, t2a, t2b))
        return t1, t2

    _, top2 = merge(merge(accs[0], accs[1]), merge(accs[2], accs[3]))
    theta = jnp.min(top2)

    def pass_b(j, off):
        for u in range(_UNROLL):
            base = (j * _UNROLL + u) * _L
            v = jnp.abs(row_v[pl.ds(base, _L)])
            mask = v >= theta
            pos = off + plsc.cumsum(mask.astype(jnp.int32)) - 1
            plsc.store_scatter(candv_v, [pos], v, mask=mask)
            plsc.store_scatter(candi_v, [pos], lanes + base, mask=mask)
            off = off + plsc.all_reduce_population_count(mask)
        return off

    off = lax.fori_loop(0, _CHUNKS // _UNROLL, pass_b,
                        jnp.zeros((_L,), jnp.int32))
    tail = off + lanes
    plsc.store_scatter(candv_v, [tail], neg1, mask=tail < _N)
    ncand = jnp.max(off)
    nv = (ncand + _L - 1) // _L

    lane0 = lanes == 0
    big = jnp.full((_L,), _N, dtype=jnp.int32)

    def extract(t, carry):
        def scan_max(j, vm):
            return jnp.maximum(vm, candv_v[pl.ds(j * _L, _L)])

        vm = lax.fori_loop(0, nv, scan_max, neg1)
        m = jnp.max(vm)

        def scan_pos(j, pm):
            v = candv_v[pl.ds(j * _L, _L)]
            return jnp.minimum(pm, jnp.where(v == m, lanes + j * _L, big))

        pos = jnp.min(lax.fori_loop(0, nv, scan_pos, big))
        pos_v = jnp.full((_L,), pos, dtype=jnp.int32)
        idx = plsc.load_gather(candi_v, [pos_v])
        plsc.store_scatter(res_v, [jnp.full((_L,), t, dtype=jnp.int32)],
                           idx, mask=lane0)
        plsc.store_scatter(candv_v, [pos_v], neg1, mask=lane0)
        return carry

    lax.fori_loop(0, _K, extract, jnp.int32(0))
    plsc.store_scatter(res_v, [jnp.full((_L,), _K, dtype=jnp.int32)],
                       jnp.zeros((_L,), jnp.int32), mask=lane0)
    pltpu.sync_copy(res_v, idx_hbm.at[wid])


def _topk_sc(data):
    mesh = plsc.VectorSubcoreMesh(core_axis_name="c", subcore_axis_name="s")
    return pl.kernel(
        _topk_sc_body,
        out_type=jax.ShapeDtypeStruct((_B, _T), jnp.int32),
        mesh=mesh,
        compiler_params=pltpu.CompilerParams(needs_layout_passes=False),
        scratch_types=[
            pltpu.VMEM((_N,), jnp.float32),
            pltpu.VMEM((_N,), jnp.float32),
            pltpu.VMEM((_N,), jnp.int32),
            pltpu.VMEM((_T,), jnp.int32),
        ],
    )(data)



_NBUF = 4


def _expand_tc_kernel(idx_ref, out_ref, buf, ones_scr, sems):
    b = pl.program_id(0)
    slot = lax.rem(b, _NBUF)

    @pl.when(b >= _NBUF)
    def _():
        pltpu.make_async_copy(buf.at[slot], out_ref.at[b], sems.at[slot]).wait()

    buf[slot] = jnp.zeros((_T, _SUB, _LANES), jnp.float32)
    ones_scr[...] = jnp.ones((_SUB, _LANES), jnp.float32)
    lane = lax.broadcasted_iota(jnp.int32, (1, _LANES), 1)
    for t in range(_K):
        idx = idx_ref[0, 0, t]
        r = idx // _LANES
        c = idx % _LANES
        buf[slot, t, pl.ds(r, 1), :] = (lane == c).astype(jnp.float32)
        srow = ones_scr[pl.ds(r, 1), :]
        ones_scr[pl.ds(r, 1), :] = jnp.where(lane == c, 0.0, srow)

    buf[slot, _K] = ones_scr[...]

    pltpu.make_async_copy(buf.at[slot], out_ref.at[b], sems.at[slot]).start()

    @pl.when(b == _B - 1)
    def _():
        for k in range(_NBUF):
            pltpu.make_async_copy(buf.at[k], out_ref.at[b],
                                  sems.at[k]).wait()


def _expand_tc(idx):
    out = pl.pallas_call(
        _expand_tc_kernel,
        grid=(_B,),
        in_specs=[pl.BlockSpec((1, 1, _T), lambda i: (i, 0, 0),
                               memory_space=pltpu.SMEM)],
        out_specs=pl.BlockSpec(memory_space=pl.ANY),
        out_shape=jax.ShapeDtypeStruct((_B, _T, _SUB, _LANES), jnp.float32),
        scratch_shapes=[
            pltpu.VMEM((_NBUF, _T, _SUB, _LANES), jnp.float32),
            pltpu.VMEM((_SUB, _LANES), jnp.float32),
            pltpu.SemaphoreType.DMA((_NBUF,)),
        ],
        compiler_params=pltpu.CompilerParams(
            dimension_semantics=("arbitrary",)),
    )(idx.reshape(_B, 1, _T))
    return out.reshape(_B, _T, _N)


def kernel(data):
    return _expand_tc(_topk_sc(data))

# --- scband reference (transcript-rebuilt; emitter-appended) ---
"""Pipeline reference for scband-rank-order-coding-32521492365351 (READ-ONLY COPY).

The authoritative reference and input builder live on the scoring server;
editing this copy changes nothing except your own understanding.
"""

import jax, jax.numpy as jnp
import numpy as np

TIMESTEPS = 32


def setup_inputs(seed: int = 0) -> dict:
    key = jax.random.key(seed)
    data = jax.random.normal(key, (32, 32768), dtype=jnp.float32)
    return {"data": data}


def reference(data):
    T = TIMESTEPS
    B = data.shape[0]
    flat = data.reshape(B, -1)
    # descending sort by |x|: order[b, r] = index of rank-r element
    order = jnp.argsort(-jnp.abs(flat), axis=-1)
    # ranks[b, i] = rank of element i (0 = largest magnitude)
    ranks = jnp.argsort(order, axis=-1)
    # elements with rank >= T-1 all spike at the last timestep (matches torch loop:
    # rank < timesteps -> spike_time=rank (so rank T-1 -> T-1), rank >= T -> T-1)
    spike_time = jnp.minimum(ranks, T - 1)
    # one spike per element at its spike time
    spike_train = (spike_time[:, None, :] == jnp.arange(T, dtype=spike_time.dtype)[None, :, None]).astype(jnp.float32)
    return spike_train.reshape(B, T, *data.shape[1:])

if __name__ == "__main__":
    import jax
    _d = setup_inputs()
    print(jax.jit(kernel)(*tuple(_d.values())))

</pallas_src>

<mosaic_0001>
#map = affine_map<(d0, d1) -> (0, 0)>
module attributes {stable_mosaic.version = 14 : i64} {
  func.func @_topk_sc_body(%arg0: i32, %arg1: i32, %arg2: memref<32x32768xf32, #tpu.memory_space<hbm>>, %arg3: memref<32x32xi32, #tpu.memory_space<hbm>>, %arg4: memref<32768xf32, #tpu.memory_space<vmem>>, %arg5: memref<32768xf32, #tpu.memory_space<vmem>>, %arg6: memref<32768xi32, #tpu.memory_space<vmem>>, %arg7: memref<32xi32, #tpu.memory_space<vmem>>) attributes {dimension_semantics = [#tpu.dimension_semantics<core_parallel>, #tpu.dimension_semantics<subcore_parallel>], iteration_bounds = array<i64: 2, 16>, scalar_prefetch = 0 : i64, scratch_operands = 4 : i64, tpu.core_type = #tpu.core_type<sc_vector_subcore>, window_params = [{transform_indices = #map}, {transform_indices = #map}]} {
    %mul3A = arith.constant 2 : i32
    %mul3A_0 = arith.muli %arg1, %mul3A : i32
    %add3A = arith.addi %mul3A_0, %arg0 : i32
    "tpu.region"() ({
      %run_scoped3A = tpu.sem_alloc : memref<!tpu.dma_semaphore, #tpu.memory_space<semaphore_mem>>
      %dma_start3A = arith.constant 0 : i32
      %dma_start3A_74 = tpu.memref_slice %arg2[%add3A, %dma_start3A] : memref<32x32768xf32, #tpu.memory_space<hbm>> -> memref<1x32768xf32, #tpu.memory_space<hbm>>
      %dma_start3A_75 = tpu.memref_squeeze %dma_start3A_74 : memref<1x32768xf32, #tpu.memory_space<hbm>> -> memref<32768xf32, #tpu.memory_space<hbm>>
      %dma_start3A_76 = arith.constant 0 : i32
      %dma_start3A_77 = tpu.memref_slice %arg2[%add3A, %dma_start3A_76] : memref<32x32768xf32, #tpu.memory_space<hbm>> -> memref<1x32768xf32, #tpu.memory_space<hbm>>
      %dma_start3A_78 = tpu.memref_squeeze %dma_start3A_77 : memref<1x32768xf32, #tpu.memory_space<hbm>> -> memref<32768xf32, #tpu.memory_space<hbm>>
      tpu.enqueue_dma source(%dma_start3A_78 : memref<32768xf32, #tpu.memory_space<hbm>>) target(%arg4 : memref<32768xf32, #tpu.memory_space<vmem>>) target_semaphore(%run_scoped3A : memref<!tpu.dma_semaphore, #tpu.memory_space<semaphore_mem>>)
      %dma_wait3A = arith.constant 0 : i32
      %dma_wait3A_79 = tpu.memref_slice %arg2[%add3A, %dma_wait3A] : memref<32x32768xf32, #tpu.memory_space<hbm>> -> memref<1x32768xf32, #tpu.memory_space<hbm>>
      %dma_wait3A_80 = tpu.memref_squeeze %dma_wait3A_79 : memref<1x32768xf32, #tpu.memory_space<hbm>> -> memref<32768xf32, #tpu.memory_space<hbm>>
      %dma_wait3A_81 = arith.constant 0 : i32
      %dma_wait3A_82 = tpu.memref_slice %arg2[%add3A, %dma_wait3A_81] : memref<32x32768xf32, #tpu.memory_space<hbm>> -> memref<1x32768xf32, #tpu.memory_space<hbm>>
      %dma_wait3A_83 = tpu.memref_squeeze %dma_wait3A_82 : memref<1x32768xf32, #tpu.memory_space<hbm>> -> memref<32768xf32, #tpu.memory_space<hbm>>
      tpu.wait_dma2 semaphore(%run_scoped3A : memref<!tpu.dma_semaphore, #tpu.memory_space<semaphore_mem>>) src(%dma_wait3A_83 : memref<32768xf32, #tpu.memory_space<hbm>>) dst(%arg4 : memref<32768xf32, #tpu.memory_space<vmem>>)
      tpu.yield
    }) : () -> ()
    %iota3A = tpu.iota {dimensions = array<i32: 0>} : vector<16xi32>
    %broadcast_in_dim3A = arith.constant -1.000000e+00 : f32
    %broadcast_in_dim3A_1 = vector.broadcast %broadcast_in_dim3A : f32 to vector<16xf32>
    %scan3A = arith.constant 0 : i32
    %scan3A_2 = arith.constant 512 : i32
    %scan3A_3 = arith.addi %scan3A, %scan3A_2 : i32
    %scan3A_4 = arith.constant 1 : i32
    %scan3A_5:8 = scf.for %scan3A_74 = %scan3A to %scan3A_3 step %scan3A_4 iter_args(%scan3A_75 = %broadcast_in_dim3A_1, %scan3A_76 = %broadcast_in_dim3A_1, %scan3A_77 = %broadcast_in_dim3A_1, %scan3A_78 = %broadcast_in_dim3A_1, %scan3A_79 = %broadcast_in_dim3A_1, %scan3A_80 = %broadcast_in_dim3A_1, %scan3A_81 = %broadcast_in_dim3A_1, %scan3A_82 = %broadcast_in_dim3A_1) -> (vector<16xf32>, vector<16xf32>, vector<16xf32>, vector<16xf32>, vector<16xf32>, vector<16xf32>, vector<16xf32>, vector<16xf32>)  : i32 {
      %mul3A_83 = arith.constant 4 : i32
      %mul3A_84 = arith.muli %scan3A_74, %mul3A_83 : i32
      %add3A_85 = arith.constant 0 : i32
      %add3A_86 = arith.addi %mul3A_84, %add3A_85 : i32
      %mul3A_87 = arith.constant 16 : i32
      %mul3A_88 = arith.muli %add3A_86, %mul3A_87 : i32
      %get3A = arith.index_cast %mul3A_88 : i32 to index
      %get3A_89 = tpu.vector_load %arg4[%get3A] {strides = array<i32>} : memref<32768xf32, #tpu.memory_space<vmem>>, vector<16xf32>,
      %abs3A = math.absf %get3A_89 : vector<16xf32>
      %min3A_90 = arith.minimumf %scan3A_75, %abs3A : vector<16xf32>
      %max3A_91 = arith.maximumf %scan3A_76, %min3A_90 : vector<16xf32>
      %max3A_92 = arith.maximumf %scan3A_75, %abs3A : vector<16xf32>
      %mul3A_93 = arith.constant 4 : i32
      %mul3A_94 = arith.muli %scan3A_74, %mul3A_93 : i32
      %add3A_95 = arith.constant 1 : i32
      %add3A_96 = arith.addi %mul3A_94, %add3A_95 : i32
      %mul3A_97 = arith.constant 16 : i32
      %mul3A_98 = arith.muli %add3A_96, %mul3A_97 : i32
      %get3A_99 = arith.index_cast %mul3A_98 : i32 to index
      %get3A_100 = tpu.vector_load %arg4[%get3A_99] {strides = array<i32>} : memref<32768xf32, #tpu.memory_space<vmem>>, vector<16xf32>,
      %abs3A_101 = math.absf %get3A_100 : vector<16xf32>
      %min3A_102 = arith.minimumf %scan3A_77, %abs3A_101 : vector<16xf32>
      %max3A_103 = arith.maximumf %scan3A_78, %min3A_102 : vector<16xf32>
      %max3A_104 = arith.maximumf %scan3A_77, %abs3A_101 : vector<16xf32>
      %mul3A_105 = arith.constant 4 : i32
      %mul3A_106 = arith.muli %scan3A_74, %mul3A_105 : i32
      %add3A_107 = arith.constant 2 : i32
      %add3A_108 = arith.addi %mul3A_106, %add3A_107 : i32
      %mul3A_109 = arith.constant 16 : i32
      %mul3A_110 = arith.muli %add3A_108, %mul3A_109 : i32
      %get3A_111 = arith.index_cast %mul3A_110 : i32 to index
      %get3A_112 = tpu.vector_load %arg4[%get3A_111] {strides = array<i32>} : memref<32768xf32, #tpu.memory_space<vmem>>, vector<16xf32>,
      %abs3A_113 = math.absf %get3A_112 : vector<16xf32>
      %min3A_114 = arith.minimumf %scan3A_79, %abs3A_113 : vector<16xf32>
      %max3A_115 = arith.maximumf %scan3A_80, %min3A_114 : vector<16xf32>
      %max3A_116 = arith.maximumf %scan3A_79, %abs3A_113 : vector<16xf32>
      %mul3A_117 = arith.constant 4 : i32
      %mul3A_118 = arith.muli %scan3A_74, %mul3A_117 : i32
      %add3A_119 = arith.constant 3 : i32
      %add3A_120 = arith.addi %mul3A_118, %add3A_119 : i32
      %mul3A_121 = arith.constant 16 : i32
      %mul3A_122 = arith.muli %add3A_120, %mul3A_121 : i32
      %get3A_123 = arith.index_cast %mul3A_122 : i32 to index
      %get3A_124 = tpu.vector_load %arg4[%get3A_123] {strides = array<i32>} : memref<32768xf32, #tpu.memory_space<vmem>>, vector<16xf32>,
      %abs3A_125 = math.absf %get3A_124 : vector<16xf32>
      %min3A_126 = arith.minimumf %scan3A_81, %abs3A_125 : vector<16xf32>
      %max3A_127 = arith.maximumf %scan3A_82, %min3A_126 : vector<16xf32>
      %max3A_128 = arith.maximumf %scan3A_81, %abs3A_125 : vector<16xf32>
      scf.yield %max3A_92, %max3A_91, %max3A_104, %max3A_103, %max3A_116, %max3A_115, %max3A_128, %max3A_127 : vector<16xf32>, vector<16xf32>, vector<16xf32>, vector<16xf32>, vector<16xf32>, vector<16xf32>, vector<16xf32>, vector<16xf32>
    }
    %scan3A_6 = arith.constant 512 : i32
    %max3A = arith.maximumf %scan3A_5#0, %scan3A_5#2 : vector<16xf32>
    %min3A = arith.minimumf %scan3A_5#0, %scan3A_5#2 : vector<16xf32>
    %ge3A = arith.cmpf oge, %scan3A_5#0, %scan3A_5#2 : vector<16xf32>
    %select_n3A = arith.select %ge3A, %scan3A_5#1, %scan3A_5#3 : vector<16xi1>, vector<16xf32>
    %max3A_7 = arith.maximumf %min3A, %select_n3A : vector<16xf32>
    %max3A_8 = arith.maximumf %scan3A_5#4, %scan3A_5#6 : vector<16xf32>
    %min3A_9 = arith.minimumf %scan3A_5#4, %scan3A_5#6 : vector<16xf32>
    %ge3A_10 = arith.cmpf oge, %scan3A_5#4, %scan3A_5#6 : vector<16xf32>
    %select_n3A_11 = arith.select %ge3A_10, %scan3A_5#5, %scan3A_5#7 : vector<16xi1>, vector<16xf32>
    %max3A_12 = arith.maximumf %min3A_9, %select_n3A_11 : vector<16xf32>
    %max3A_13 = arith.maximumf %max3A, %max3A_8 : vector<16xf32>
    %min3A_14 = arith.minimumf %max3A, %max3A_8 : vector<16xf32>
    %ge3A_15 = arith.cmpf oge, %max3A, %max3A_8 : vector<16xf32>
    %select_n3A_16 = arith.select %ge3A_15, %max3A_7, %max3A_12 : vector<16xi1>, vector<16xf32>
    %max3A_17 = arith.maximumf %min3A_14, %select_n3A_16 : vector<16xf32>
    %reduce_min3A = arith.constant true
    %reduce_min3A_18 = vector.broadcast %reduce_min3A : i1 to vector<16xi1>
    %reduce_min3A_19 = tpu.scan <min>, %max3A_17 masked %reduce_min3A_18 : vector<16xf32>, vector<16xi1> -> vector<16xf32>
    %reduce_min3A_20 = vector.extract %reduce_min3A_19[15] : f32 from vector<16xf32>
    %broadcast_in_dim3A_21 = arith.constant 0 : i32
    %broadcast_in_dim3A_22 = vector.broadcast %broadcast_in_dim3A_21 : i32 to vector<16xi32>
    %scan3A_23 = arith.constant 0 : i32
    %scan3A_24 = arith.constant 512 : i32
    %scan3A_25 = arith.addi %scan3A_23, %scan3A_24 : i32
    %scan3A_26 = arith.constant 1 : i32
    %scan3A_27 = scf.for %scan3A_74 = %scan3A_23 to %scan3A_25 step %scan3A_26 iter_args(%scan3A_75 = %broadcast_in_dim3A_22) -> (vector<16xi32>)  : i32 {
      %mul3A_76 = arith.constant 4 : i32
      %mul3A_77 = arith.muli %scan3A_74, %mul3A_76 : i32
      %add3A_78 = arith.constant 0 : i32
      %add3A_79 = arith.addi %mul3A_77, %add3A_78 : i32
      %mul3A_80 = arith.constant 16 : i32
      %mul3A_81 = arith.muli %add3A_79, %mul3A_80 : i32
      %get3A = arith.index_cast %mul3A_81 : i32 to index
      %get3A_82 = tpu.vector_load %arg4[%get3A] {strides = array<i32>} : memref<32768xf32, #tpu.memory_space<vmem>>, vector<16xf32>,
      %abs3A = math.absf %get3A_82 : vector<16xf32>
      %ge3A_83 = vector.broadcast %reduce_min3A_20 : f32 to vector<16xf32>
      %ge3A_84 = arith.cmpf oge, %abs3A, %ge3A_83 : vector<16xf32>
      %convert_element_type3A = arith.extui %ge3A_84 : vector<16xi1> to vector<16xi32>
      %broadcast_in_dim3A_85 = arith.constant true
      %broadcast_in_dim3A_86 = vector.broadcast %broadcast_in_dim3A_85 : i1 to vector<16xi1>
      %masked_cumsum3A = tpu.scan <sum>, %convert_element_type3A masked %broadcast_in_dim3A_86 : vector<16xi32>, vector<16xi1> -> vector<16xi32>
      %add3A_87 = arith.addi %scan3A_75, %masked_cumsum3A : vector<16xi32>
      %sub3A_88 = arith.constant 1 : i32
      %sub3A_89 = vector.broadcast %sub3A_88 : i32 to vector<16xi32>
      %sub3A_90 = arith.subi %add3A_87, %sub3A_89 : vector<16xi32>
      tpu.vector_store_idx %arg5[%sub3A_90], %abs3A masked %ge3A_84 : memref<32768xf32, #tpu.memory_space<vmem>>[vector<16xi32>], vector<16xf32>, vector<16xi1>
      %add3A_91 = vector.broadcast %mul3A_81 : i32 to vector<16xi32>
      %add3A_92 = arith.addi %iota3A, %add3A_91 : vector<16xi32>
      tpu.vector_store_idx %arg6[%sub3A_90], %add3A_92 masked %ge3A_84 : memref<32768xi32, #tpu.memory_space<vmem>>[vector<16xi32>], vector<16xi32>, vector<16xi1>
      %all_reduce_population_count3A = tpu.all_reduce %ge3A_84 {dim = 0 : i64, kind = #tpu.reduction_kind<sum>} : vector<16xi1> -> vector<16xi32>
      %add3A_93 = arith.addi %scan3A_75, %all_reduce_population_count3A : vector<16xi32>
      %mul3A_94 = arith.constant 4 : i32
      %mul3A_95 = arith.muli %scan3A_74, %mul3A_94 : i32
      %add3A_96 = arith.constant 1 : i32
      %add3A_97 = arith.addi %mul3A_95, %add3A_96 : i32
      %mul3A_98 = arith.constant 16 : i32
      %mul3A_99 = arith.muli %add3A_97, %mul3A_98 : i32
      %get3A_100 = arith.index_cast %mul3A_99 : i32 to index
      %get3A_101 = tpu.vector_load %arg4[%get3A_100] {strides = array<i32>} : memref<32768xf32, #tpu.memory_space<vmem>>, vector<16xf32>,
      %abs3A_102 = math.absf %get3A_101 : vector<16xf32>
      %ge3A_103 = vector.broadcast %reduce_min3A_20 : f32 to vector<16xf32>
      %ge3A_104 = arith.cmpf oge, %abs3A_102, %ge3A_103 : vector<16xf32>
      %convert_element_type3A_105 = arith.extui %ge3A_104 : vector<16xi1> to vector<16xi32>
      %broadcast_in_dim3A_106 = arith.constant true
      %broadcast_in_dim3A_107 = vector.broadcast %broadcast_in_dim3A_106 : i1 to vector<16xi1>
      %masked_cumsum3A_108 = tpu.scan <sum>, %convert_element_type3A_105 masked %broadcast_in_dim3A_107 : vector<16xi32>, vector<16xi1> -> vector<16xi32>
      %add3A_109 = arith.addi %add3A_93, %masked_cumsum3A_108 : vector<16xi32>
      %sub3A_110 = arith.constant 1 : i32
      %sub3A_111 = vector.broadcast %sub3A_110 : i32 to vector<16xi32>
      %sub3A_112 = arith.subi %add3A_109, %sub3A_111 : vector<16xi32>
      tpu.vector_store_idx %arg5[%sub3A_112], %abs3A_102 masked %ge3A_104 : memref<32768xf32, #tpu.memory_space<vmem>>[vector<16xi32>], vector<16xf32>, vector<16xi1>
      %add3A_113 = vector.broadcast %mul3A_99 : i32 to vector<16xi32>
      %add3A_114 = arith.addi %iota3A, %add3A_113 : vector<16xi32>
      tpu.vector_store_idx %arg6[%sub3A_112], %add3A_114 masked %ge3A_104 : memref<32768xi32, #tpu.memory_space<vmem>>[vector<16xi32>], vector<16xi32>, vector<16xi1>
      %all_reduce_population_count3A_115 = tpu.all_reduce %ge3A_104 {dim = 0 : i64, kind = #tpu.reduction_kind<sum>} : vector<16xi1> -> vector<16xi32>
      %add3A_116 = arith.addi %add3A_93, %all_reduce_population_count3A_115 : vector<16xi32>
      %mul3A_117 = arith.constant 4 : i32
      %mul3A_118 = arith.muli %scan3A_74, %mul3A_117 : i32
      %add3A_119 = arith.constant 2 : i32
      %add3A_120 = arith.addi %mul3A_118, %add3A_119 : i32
      %mul3A_121 = arith.constant 16 : i32
      %mul3A_122 = arith.muli %add3A_120, %mul3A_121 : i32
      %get3A_123 = arith.index_cast %mul3A_122 : i32 to index
      %get3A_124 = tpu.vector_load %arg4[%get3A_123] {strides = array<i32>} : memref<32768xf32, #tpu.memory_space<vmem>>, vector<16xf32>,
      %abs3A_125 = math.absf %get3A_124 : vector<16xf32>
      %ge3A_126 = vector.broadcast %reduce_min3A_20 : f32 to vector<16xf32>
      %ge3A_127 = arith.cmpf oge, %abs3A_125, %ge3A_126 : vector<16xf32>
      %convert_element_type3A_128 = arith.extui %ge3A_127 : vector<16xi1> to vector<16xi32>
      %broadcast_in_dim3A_129 = arith.constant true
      %broadcast_in_dim3A_130 = vector.broadcast %broadcast_in_dim3A_129 : i1 to vector<16xi1>
      %masked_cumsum3A_131 = tpu.scan <sum>, %convert_element_type3A_128 masked %broadcast_in_dim3A_130 : vector<16xi32>, vector<16xi1> -> vector<16xi32>
      %add3A_132 = arith.addi %add3A_116, %masked_cumsum3A_131 : vector<16xi32>
      %sub3A_133 = arith.constant 1 : i32
      %sub3A_134 = vector.broadcast %sub3A_133 : i32 to vector<16xi32>
      %sub3A_135 = arith.subi %add3A_132, %sub3A_134 : vector<16xi32>
      tpu.vector_store_idx %arg5[%sub3A_135], %abs3A_125 masked %ge3A_127 : memref<32768xf32, #tpu.memory_space<vmem>>[vector<16xi32>], vector<16xf32>, vector<16xi1>
      %add3A_136 = vector.broadcast %mul3A_122 : i32 to vector<16xi32>
      %add3A_137 = arith.addi %iota3A, %add3A_136 : vector<16xi32>
      tpu.vector_store_idx %arg6[%sub3A_135], %add3A_137 masked %ge3A_127 : memref<32768xi32, #tpu.memory_space<vmem>>[vector<16xi32>], vector<16xi32>, vector<16xi1>
      %all_reduce_population_count3A_138 = tpu.all_reduce %ge3A_127 {dim = 0 : i64, kind = #tpu.reduction_kind<sum>} : vector<16xi1> -> vector<16xi32>
      %add3A_139 = arith.addi %add3A_116, %all_reduce_population_count3A_138 : vector<16xi32>
      %mul3A_140 = arith.constant 4 : i32
      %mul3A_141 = arith.muli %scan3A_74, %mul3A_140 : i32
      %add3A_142 = arith.constant 3 : i32
      %add3A_143 = arith.addi %mul3A_141, %add3A_142 : i32
      %mul3A_144 = arith.constant 16 : i32
      %mul3A_145 = arith.muli %add3A_143, %mul3A_144 : i32
      %get3A_146 = arith.index_cast %mul3A_145 : i32 to index
      %get3A_147 = tpu.vector_load %arg4[%get3A_146] {strides = array<i32>} : memref<32768xf32, #tpu.memory_space<vmem>>, vector<16xf32>,
      %abs3A_148 = math.absf %get3A_147 : vector<16xf32>
      %ge3A_149 = vector.broadcast %reduce_min3A_20 : f32 to vector<16xf32>
      %ge3A_150 = arith.cmpf oge, %abs3A_148, %ge3A_149 : vector<16xf32>
      %convert_element_type3A_151 = arith.extui %ge3A_150 : vector<16xi1> to vector<16xi32>
      %broadcast_in_dim3A_152 = arith.constant true
      %broadcast_in_dim3A_153 = vector.broadcast %broadcast_in_dim3A_152 : i1 to vector<16xi1>
      %masked_cumsum3A_154 = tpu.scan <sum>, %convert_element_type3A_151 masked %broadcast_in_dim3A_153 : vector<16xi32>, vector<16xi1> -> vector<16xi32>
      %add3A_155 = arith.addi %add3A_139, %masked_cumsum3A_154 : vector<16xi32>
      %sub3A_156 = arith.constant 1 : i32
      %sub3A_157 = vector.broadcast %sub3A_156 : i32 to vector<16xi32>
      %sub3A_158 = arith.subi %add3A_155, %sub3A_157 : vector<16xi32>
      tpu.vector_store_idx %arg5[%sub3A_158], %abs3A_148 masked %ge3A_150 : memref<32768xf32, #tpu.memory_space<vmem>>[vector<16xi32>], vector<16xf32>, vector<16xi1>
      %add3A_159 = vector.broadcast %mul3A_145 : i32 to vector<16xi32>
      %add3A_160 = arith.addi %iota3A, %add3A_159 : vector<16xi32>
      tpu.vector_store_idx %arg6[%sub3A_158], %add3A_160 masked %ge3A_150 : memref<32768xi32, #tpu.memory_space<vmem>>[vector<16xi32>], vector<16xi32>, vector<16xi1>
      %all_reduce_population_count3A_161 = tpu.all_reduce %ge3A_150 {dim = 0 : i64, kind = #tpu.reduction_kind<sum>} : vector<16xi1> -> vector<16xi32>
      %add3A_162 = arith.addi %add3A_139, %all_reduce_population_count3A_161 : vector<16xi32>
      scf.yield %add3A_162 : vector<16xi32>
    }
    %scan3A_28 = arith.constant 512 : i32
    %add3A_29 = arith.addi %scan3A_27, %iota3A : vector<16xi32>
    %lt3A = arith.constant 32768 : i32
    %lt3A_30 = vector.broadcast %lt3A : i32 to vector<16xi32>
    %lt3A_31 = arith.cmpi slt, %add3A_29, %lt3A_30 : vector<16xi32>
    tpu.vector_store_idx %arg5[%add3A_29], %broadcast_in_dim3A_1 masked %lt3A_31 : memref<32768xf32, #tpu.memory_space<vmem>>[vector<16xi32>], vector<16xf32>, vector<16xi1>
    %reduce_max3A = arith.constant true
    %reduce_max3A_32 = vector.broadcast %reduce_max3A : i1 to vector<16xi1>
    %reduce_max3A_33 = arith.constant -2147483648 : i32
    %reduce_max3A_34 = vector.broadcast %reduce_max3A_33 : i32 to vector<16xi32>
    %reduce_max3A_35 = arith.xori %scan3A_27, %reduce_max3A_34 : vector<16xi32>
    %reduce_max3A_36 = tpu.scan <max>, %reduce_max3A_35 masked %reduce_max3A_32 : vector<16xi32>, vector<16xi1> -> vector<16xi32>
    %reduce_max3A_37 = arith.xori %reduce_max3A_36, %reduce_max3A_34 : vector<16xi32>
    %reduce_max3A_38 = vector.extract %reduce_max3A_37[15] : i32 from vector<16xi32>
    %add3A_39 = arith.constant 16 : i32
    %add3A_40 = arith.addi %reduce_max3A_38, %add3A_39 : i32
    %sub3A = arith.constant 1 : i32
    %sub3A_41 = arith.subi %add3A_40, %sub3A : i32
    %jit3A = arith.constant 16 : i32
    %div3A = arith.divsi %sub3A_41, %jit3A : i32
    %sign3A = arith.constant 0 : i32
    %sign3A_42 = arith.cmpi sgt, %sub3A_41, %sign3A : i32
    %sign3A_43 = arith.extui %sign3A_42 : i1 to i32
    %sign3A_44 = arith.constant 0 : i32
    %sign3A_45 = arith.cmpi slt, %sub3A_41, %sign3A_44 : i32
    %sign3A_46 = arith.extui %sign3A_45 : i1 to i32
    %sign3A_47 = arith.subi %sign3A_43, %sign3A_46 : i32
    %sign3A_48 = arith.constant 0 : i32
    %sign3A_49 = arith.cmpi sgt, %jit3A, %sign3A_48 : i32
    %sign3A_50 = arith.extui %sign3A_49 : i1 to i32
    %sign3A_51 = arith.constant 0 : i32
    %sign3A_52 = arith.cmpi slt, %jit3A, %sign3A_51 : i32
    %sign3A_53 = arith.extui %sign3A_52 : i1 to i32
    %sign3A_54 = arith.subi %sign3A_50, %sign3A_53 : i32
    %ne3A = arith.cmpi ne, %sign3A_47, %sign3A_54 : i32
    %rem3A = arith.remsi %sub3A_41, %jit3A : i32
    %ne3A_55 = arith.constant 0 : i32
    %ne3A_56 = arith.cmpi ne, %rem3A, %ne3A_55 : i32
    %and3A = arith.andi %ne3A, %ne3A_56 : i1
    %sub3A_57 = arith.constant 1 : i32
    %sub3A_58 = arith.subi %div3A, %sub3A_57 : i32
    %select_n3A_59 = arith.select %and3A, %sub3A_58, %div3A : i32
    %eq3A = arith.constant 0 : i32
    %eq3A_60 = vector.broadcast %eq3A : i32 to vector<16xi32>
    %eq3A_61 = arith.cmpi eq, %iota3A, %eq3A_60 : vector<16xi32>
    %broadcast_in_dim3A_62 = arith.constant 32768 : i32
    %broadcast_in_dim3A_63 = vector.broadcast %broadcast_in_dim3A_62 : i32 to vector<16xi32>
    %scan3A_64 = arith.constant 0 : i32
    %scan3A_65 = arith.constant 0 : i32
    %scan3A_66 = arith.constant 31 : i32
    %scan3A_67 = arith.addi %scan3A_65, %scan3A_66 : i32
    %scan3A_68 = arith.constant 1 : i32
    scf.for %scan3A_74 = %scan3A_65 to %scan3A_67 step %scan3A_68  : i32 {
      %while3A = arith.constant 0 : i32
      %while3A_75 = arith.subi %select_n3A_59, %while3A : i32
      %while3A_76 = arith.addi %while3A, %while3A_75 : i32
      %while3A_77 = arith.constant 1 : i32
      %while3A_78 = arith.divsi %while3A_75, %while3A_77 : i32
      %while3A_79 = arith.muli %while3A_78, %while3A_77 : i32
      %while3A_80 = arith.addi %while3A, %while3A_79 : i32
      %while3A_81 = arith.constant 1 : i32
      %while3A_82 = scf.for %while3A_110 = %while3A to %while3A_80 step %while3A_81 iter_args(%while3A_111 = %broadcast_in_dim3A_1) -> (vector<16xf32>)  : i32 {
        %mul3A_112 = arith.constant 16 : i32
        %mul3A_113 = arith.muli %while3A_110, %mul3A_112 : i32
        %get3A = arith.index_cast %mul3A_113 : i32 to index
        %get3A_114 = tpu.vector_load %arg5[%get3A] {strides = array<i32>} : memref<32768xf32, #tpu.memory_space<vmem>>, vector<16xf32>,
        %max3A_115 = arith.maximumf %while3A_111, %get3A_114 : vector<16xf32>
        scf.yield %max3A_115 : vector<16xf32>
      }
      %while3A_83 = arith.constant 1 : i32
      %while3A_84 = scf.for %while3A_110 = %while3A_80 to %while3A_76 step %while3A_83 iter_args(%while3A_111 = %while3A_82) -> (vector<16xf32>)  : i32 {
        %mul3A_112 = arith.constant 16 : i32
        %mul3A_113 = arith.muli %while3A_110, %mul3A_112 : i32
        %get3A = arith.index_cast %mul3A_113 : i32 to index
        %get3A_114 = tpu.vector_load %arg5[%get3A] {strides = array<i32>} : memref<32768xf32, #tpu.memory_space<vmem>>, vector<16xf32>,
        %max3A_115 = arith.maximumf %while3A_111, %get3A_114 : vector<16xf32>
        scf.yield %max3A_115 : vector<16xf32>
      }
      %reduce_max3A_85 = arith.constant true
      %reduce_max3A_86 = vector.broadcast %reduce_max3A_85 : i1 to vector<16xi1>
      %reduce_max3A_87 = tpu.scan <max>, %while3A_84 masked %reduce_max3A_86 : vector<16xf32>, vector<16xi1> -> vector<16xf32>
      %reduce_max3A_88 = vector.extract %reduce_max3A_87[15] : f32 from vector<16xf32>
      %while3A_89 = arith.constant 0 : i32
      %while3A_90 = arith.subi %select_n3A_59, %while3A_89 : i32
      %while3A_91 = arith.addi %while3A_89, %while3A_90 : i32
      %while3A_92 = arith.constant 1 : i32
      %while3A_93 = arith.divsi %while3A_90, %while3A_92 : i32
      %while3A_94 = arith.muli %while3A_93, %while3A_92 : i32
      %while3A_95 = arith.addi %while3A_89, %while3A_94 : i32
      %while3A_96 = arith.constant 1 : i32
      %while3A_97 = scf.for %while3A_110 = %while3A_89 to %while3A_95 step %while3A_96 iter_args(%while3A_111 = %broadcast_in_dim3A_63) -> (vector<16xi32>)  : i32 {
        %mul3A_112 = arith.constant 16 : i32
        %mul3A_113 = arith.muli %while3A_110, %mul3A_112 : i32
        %get3A = arith.index_cast %mul3A_113 : i32 to index
        %get3A_114 = tpu.vector_load %arg5[%get3A] {strides = array<i32>} : memref<32768xf32, #tpu.memory_space<vmem>>, vector<16xf32>,
        %eq3A_115 = vector.broadcast %reduce_max3A_88 : f32 to vector<16xf32>
        %eq3A_116 = arith.cmpf oeq, %get3A_114, %eq3A_115 : vector<16xf32>
        %mul3A_117 = arith.constant 16 : i32
        %mul3A_118 = arith.muli %while3A_110, %mul3A_117 : i32
        %add3A_119 = vector.broadcast %mul3A_118 : i32 to vector<16xi32>
        %add3A_120 = arith.addi %iota3A, %add3A_119 : vector<16xi32>
        %select_n3A_121 = arith.select %eq3A_116, %add3A_120, %broadcast_in_dim3A_63 : vector<16xi1>, vector<16xi32>
        %min3A_122 = arith.minsi %while3A_111, %select_n3A_121 : vector<16xi32>
        scf.yield %min3A_122 : vector<16xi32>
      }
      %while3A_98 = arith.constant 1 : i32
      %while3A_99 = scf.for %while3A_110 = %while3A_95 to %while3A_91 step %while3A_98 iter_args(%while3A_111 = %while3A_97) -> (vector<16xi32>)  : i32 {
        %mul3A_112 = arith.constant 16 : i32
        %mul3A_113 = arith.muli %while3A_110, %mul3A_112 : i32
        %get3A = arith.index_cast %mul3A_113 : i32 to index
        %get3A_114 = tpu.vector_load %arg5[%get3A] {strides = array<i32>} : memref<32768xf32, #tpu.memory_space<vmem>>, vector<16xf32>,
        %eq3A_115 = vector.broadcast %reduce_max3A_88 : f32 to vector<16xf32>
        %eq3A_116 = arith.cmpf oeq, %get3A_114, %eq3A_115 : vector<16xf32>
        %mul3A_117 = arith.constant 16 : i32
        %mul3A_118 = arith.muli %while3A_110, %mul3A_117 : i32
        %add3A_119 = vector.broadcast %mul3A_118 : i32 to vector<16xi32>
        %add3A_120 = arith.addi %iota3A, %add3A_119 : vector<16xi32>
        %select_n3A_121 = arith.select %eq3A_116, %add3A_120, %broadcast_in_dim3A_63 : vector<16xi1>, vector<16xi32>
        %min3A_122 = arith.minsi %while3A_111, %select_n3A_121 : vector<16xi32>
        scf.yield %min3A_122 : vector<16xi32>
      }
      %reduce_min3A_100 = arith.constant true
      %reduce_min3A_101 = vector.broadcast %reduce_min3A_100 : i1 to vector<16xi1>
      %reduce_min3A_102 = arith.constant -2147483648 : i32
      %reduce_min3A_103 = vector.broadcast %reduce_min3A_102 : i32 to vector<16xi32>
      %reduce_min3A_104 = arith.xori %while3A_99, %reduce_min3A_103 : vector<16xi32>
      %reduce_min3A_105 = tpu.scan <min>, %reduce_min3A_104 masked %reduce_min3A_101 : vector<16xi32>, vector<16xi1> -> vector<16xi32>
      %reduce_min3A_106 = arith.xori %reduce_min3A_105, %reduce_min3A_103 : vector<16xi32>
      %reduce_min3A_107 = vector.extract %reduce_min3A_106[15] : i32 from vector<16xi32>
      %broadcast_in_dim3A_108 = vector.broadcast %reduce_min3A_107 : i32 to vector<16xi32>
      %gather3A = tpu.vector_load_idx %arg6[%broadcast_in_dim3A_108] : memref<32768xi32, #tpu.memory_space<vmem>>[vector<16xi32>], vector<16xi32>,
      %broadcast_in_dim3A_109 = vector.broadcast %scan3A_74 : i32 to vector<16xi32>
      tpu.vector_store_idx %arg7[%broadcast_in_dim3A_109], %gather3A masked %eq3A_61 : memref<32xi32, #tpu.memory_space<vmem>>[vector<16xi32>], vector<16xi32>, vector<16xi1>
      tpu.vector_store_idx %arg5[%broadcast_in_dim3A_108], %broadcast_in_dim3A_1 masked %eq3A_61 : memref<32768xf32, #tpu.memory_space<vmem>>[vector<16xi32>], vector<16xf32>, vector<16xi1>
    }
    %scan3A_69 = arith.constant 31 : i32
    %broadcast_in_dim3A_70 = arith.constant 31 : i32
    %broadcast_in_dim3A_71 = vector.broadcast %broadcast_in_dim3A_70 : i32 to vector<16xi32>
    %broadcast_in_dim3A_72 = arith.constant 0 : i32
    %broadcast_in_dim3A_73 = vector.broadcast %broadcast_in_dim3A_72 : i32 to vector<16xi32>
    tpu.vector_store_idx %arg7[%broadcast_in_dim3A_71], %broadcast_in_dim3A_73 masked %eq3A_61 : memref<32xi32, #tpu.memory_space<vmem>>[vector<16xi32>], vector<16xi32>, vector<16xi1>
    "tpu.region"() ({
      %run_scoped3A = tpu.sem_alloc : memref<!tpu.dma_semaphore, #tpu.memory_space<semaphore_mem>>
      %dma_start3A = arith.constant 0 : i32
      %dma_start3A_74 = tpu.memref_slice %arg3[%add3A, %dma_start3A] : memref<32x32xi32, #tpu.memory_space<hbm>> -> memref<1x32xi32, #tpu.memory_space<hbm>>
      %dma_start3A_75 = tpu.memref_squeeze %dma_start3A_74 : memref<1x32xi32, #tpu.memory_space<hbm>> -> memref<32xi32, #tpu.memory_space<hbm>>
      %dma_start3A_76 = arith.constant 0 : i32
      %dma_start3A_77 = tpu.memref_slice %arg3[%add3A, %dma_start3A_76] : memref<32x32xi32, #tpu.memory_space<hbm>> -> memref<1x32xi32, #tpu.memory_space<hbm>>
      %dma_start3A_78 = tpu.memref_squeeze %dma_start3A_77 : memref<1x32xi32, #tpu.memory_space<hbm>> -> memref<32xi32, #tpu.memory_space<hbm>>
      tpu.enqueue_dma source(%arg7 : memref<32xi32, #tpu.memory_space<vmem>>) target(%dma_start3A_78 : memref<32xi32, #tpu.memory_space<hbm>>) target_semaphore(%run_scoped3A : memref<!tpu.dma_semaphore, #tpu.memory_space<semaphore_mem>>)
      %dma_wait3A = arith.constant 0 : i32
      %dma_wait3A_79 = tpu.memref_slice %arg3[%add3A, %dma_wait3A] : memref<32x32xi32, #tpu.memory_space<hbm>> -> memref<1x32xi32, #tpu.memory_space<hbm>>
      %dma_wait3A_80 = tpu.memref_squeeze %dma_wait3A_79 : memref<1x32xi32, #tpu.memory_space<hbm>> -> memref<32xi32, #tpu.memory_space<hbm>>
      %dma_wait3A_81 = arith.constant 0 : i32
      %dma_wait3A_82 = tpu.memref_slice %arg3[%add3A, %dma_wait3A_81] : memref<32x32xi32, #tpu.memory_space<hbm>> -> memref<1x32xi32, #tpu.memory_space<hbm>>
      %dma_wait3A_83 = tpu.memref_squeeze %dma_wait3A_82 : memref<1x32xi32, #tpu.memory_space<hbm>> -> memref<32xi32, #tpu.memory_space<hbm>>
      tpu.wait_dma2 semaphore(%run_scoped3A : memref<!tpu.dma_semaphore, #tpu.memory_space<semaphore_mem>>) src(%arg7 : memref<32xi32, #tpu.memory_space<vmem>>) dst(%dma_wait3A_83 : memref<32xi32, #tpu.memory_space<hbm>>)
      tpu.yield
    }) : () -> ()
    return
  }
}

module attributes {stable_mosaic.version = 14 : i64} {
  func.func @_expand_tc_kernel(%arg0: i32, %arg1: memref<1x1x32xi32, #tpu.memory_space<smem>>, %arg2: memref<32x32x256x128xf32, #tpu.memory_space<any>>, %arg3: memref<4x32x256x128xf32, #tpu.memory_space<vmem>>, %arg4: memref<256x128xf32, #tpu.memory_space<vmem>>, %arg5: memref<4x!tpu.dma_semaphore, #tpu.memory_space<semaphore_mem>>) attributes {dimension_semantics = [#tpu.dimension_semantics<arbitrary>], iteration_bounds = array<i64: 32>, scalar_prefetch = 0 : i64, scratch_operands = 3 : i64, tpu.core_type = #tpu.core_type<tc>, window_params = [{transform_indices = @transform_0, window_bounds = array<i64: 1, 1, 32>}, {}]} {
    %rem3A = arith.constant 4 : i32
    %rem3A_0 = arith.remsi %arg0, %rem3A : i32
    %ge3A = arith.constant 4 : i32
    %ge3A_1 = arith.cmpi sge, %arg0, %ge3A : i32
    %convert_element_type3A = arith.extui %ge3A_1 : i1 to i32
    %cond3A = arith.constant 0 : i32
    %cond3A_2 = arith.cmpi ne, %convert_element_type3A, %cond3A : i32
    scf.if %cond3A_2 {
      %dma_wait3A = tpu.memref_slice %arg5[%rem3A_0] : memref<4x!tpu.dma_semaphore, #tpu.memory_space<semaphore_mem>> -> memref<1x!tpu.dma_semaphore, #tpu.memory_space<semaphore_mem>>
      %dma_wait3A_2076 = tpu.memref_squeeze %dma_wait3A : memref<1x!tpu.dma_semaphore, #tpu.memory_space<semaphore_mem>> -> memref<!tpu.dma_semaphore, #tpu.memory_space<semaphore_mem>>
      %dma_wait3A_2077 = arith.constant 0 : i32
      %dma_wait3A_2078 = arith.constant 0 : i32
      %dma_wait3A_2079 = arith.constant 0 : i32
      %dma_wait3A_2080 = tpu.memref_slice %arg2[%arg0, %dma_wait3A_2077, %dma_wait3A_2078, %dma_wait3A_2079] : memref<32x32x256x128xf32, #tpu.memory_space<any>> -> memref<1x32x256x128xf32, #tpu.memory_space<any>>
      %dma_wait3A_2081 = tpu.memref_squeeze %dma_wait3A_2080 : memref<1x32x256x128xf32, #tpu.memory_space<any>> -> memref<32x256x128xf32, #tpu.memory_space<any>>
      %dma_wait3A_2082 = arith.constant 0 : i32
      %dma_wait3A_2083 = arith.constant 0 : i32
      %dma_wait3A_2084 = arith.constant 0 : i32
      %dma_wait3A_2085 = tpu.memref_slice %arg3[%rem3A_0, %dma_wait3A_2082, %dma_wait3A_2083, %dma_wait3A_2084] : memref<4x32x256x128xf32, #tpu.memory_space<vmem>> -> memref<1x32x256x128xf32, #tpu.memory_space<vmem>>
      %dma_wait3A_2086 = tpu.memref_squeeze %dma_wait3A_2085 : memref<1x32x256x128xf32, #tpu.memory_space<vmem>> -> memref<32x256x128xf32, #tpu.memory_space<vmem>>
      tpu.wait_dma2 semaphore(%dma_wait3A_2076 : memref<!tpu.dma_semaphore, #tpu.memory_space<semaphore_mem>>) src(%dma_wait3A_2086 : memref<32x256x128xf32, #tpu.memory_space<vmem>>) dst(%dma_wait3A_2081 : memref<32x256x128xf32, #tpu.memory_space<any>>)
    } else {
    }
    %broadcast_in_dim3A = arith.constant 0.000000e+00 : f32
    %broadcast_in_dim3A_3 = vector.broadcast %broadcast_in_dim3A : f32 to vector<32x256x128xf32>
    %swap3A = arith.index_cast %rem3A_0 : i32 to index
    %swap3A_4 = arith.constant 0 : index
    %swap3A_5 = arith.constant 0 : index
    %swap3A_6 = arith.constant 0 : index
    %swap3A_7 = vector.load %arg3[%swap3A, %swap3A_4, %swap3A_5, %swap3A_6] : memref<4x32x256x128xf32, #tpu.memory_space<vmem>>, vector<1x32x256x128xf32>
    %swap3A_8 = vector.shape_cast %swap3A_7 : vector<1x32x256x128xf32> to vector<32x256x128xf32>
    %swap3A_9 = vector.shape_cast %broadcast_in_dim3A_3 : vector<32x256x128xf32> to vector<1x32x256x128xf32>
    tpu.vector_store %arg3[%swap3A, %swap3A_4, %swap3A_5, %swap3A_6], %swap3A_9 {strides = array<i32>} : memref<4x32x256x128xf32, #tpu.memory_space<vmem>>, vector<1x32x256x128xf32>,
    %broadcast_in_dim3A_10 = arith.constant 1.000000e+00 : f32
    %broadcast_in_dim3A_11 = vector.broadcast %broadcast_in_dim3A_10 : f32 to vector<256x128xf32>
    %swap3A_12 = arith.constant 0 : index
    %swap3A_13 = arith.constant 0 : index
    %swap3A_14 = vector.load %arg4[%swap3A_12, %swap3A_13] : memref<256x128xf32, #tpu.memory_space<vmem>>, vector<256x128xf32>
    tpu.vector_store %arg4[%swap3A_12, %swap3A_13], %broadcast_in_dim3A_11 {strides = array<i32>} : memref<256x128xf32, #tpu.memory_space<vmem>>, vector<256x128xf32>,
    %iota3A = tpu.iota {dimensions = array<i32: 1>} : vector<1x128xi32>
    %get3A = arith.constant 0 : index
    %get3A_15 = arith.constant 0 : index
    %get3A_16 = arith.constant 0 : index
    %get3A_17 = memref.load %arg1[%get3A, %get3A_15, %get3A_16] : memref<1x1x32xi32, #tpu.memory_space<smem>>
    %jit3A = arith.constant 128 : i32
    %div3A = arith.divsi %get3A_17, %jit3A : i32
    %sign3A = arith.constant 0 : i32
    %sign3A_18 = arith.cmpi sgt, %get3A_17, %sign3A : i32
    %sign3A_19 = arith.extui %sign3A_18 : i1 to i32
    %sign3A_20 = arith.constant 0 : i32
    %sign3A_21 = arith.cmpi slt, %get3A_17, %sign3A_20 : i32
    %sign3A_22 = arith.extui %sign3A_21 : i1 to i32
    %sign3A_23 = arith.subi %sign3A_19, %sign3A_22 : i32
    %sign3A_24 = arith.constant 0 : i32
    %sign3A_25 = arith.cmpi sgt, %jit3A, %sign3A_24 : i32
    %sign3A_26 = arith.extui %sign3A_25 : i1 to i32
    %sign3A_27 = arith.constant 0 : i32
    %sign3A_28 = arith.cmpi slt, %jit3A, %sign3A_27 : i32
    %sign3A_29 = arith.extui %sign3A_28 : i1 to i32
    %sign3A_30 = arith.subi %sign3A_26, %sign3A_29 : i32
    %ne3A = arith.cmpi ne, %sign3A_23, %sign3A_30 : i32
    %rem3A_31 = arith.remsi %get3A_17, %jit3A : i32
    %ne3A_32 = arith.constant 0 : i32
    %ne3A_33 = arith.cmpi ne, %rem3A_31, %ne3A_32 : i32
    %and3A = arith.andi %ne3A, %ne3A_33 : i1
    %sub3A = arith.constant 1 : i32
    %sub3A_34 = arith.subi %div3A, %sub3A : i32
    %select_n3A = arith.select %and3A, %sub3A_34, %div3A : i32
    %jit3A_35 = arith.constant 128 : i32
    %eq3A = arith.constant 0 : i32
    %eq3A_36 = arith.cmpi eq, %jit3A_35, %eq3A : i32
    %jit3A_37 = arith.constant 1 : i32
    %select_n3A_38 = arith.select %eq3A_36, %jit3A_37, %jit3A_35 : i32
    %rem3A_39 = arith.remsi %get3A_17, %select_n3A_38 : i32
    %ne3A_40 = arith.constant 0 : i32
    %ne3A_41 = arith.cmpi ne, %rem3A_39, %ne3A_40 : i32
    %lt3A = arith.constant 0 : i32
    %lt3A_42 = arith.cmpi slt, %rem3A_39, %lt3A : i32
    %lt3A_43 = arith.constant 0 : i32
    %lt3A_44 = arith.cmpi slt, %select_n3A_38, %lt3A_43 : i32
    %ne3A_45 = arith.xori %lt3A_42, %lt3A_44 : i1
    %and3A_46 = arith.andi %ne3A_45, %ne3A_41 : i1
    %add3A = arith.addi %rem3A_39, %select_n3A_38 : i32
    %select_n3A_47 = arith.select %and3A_46, %add3A, %rem3A_39 : i32
    %eq3A_48 = vector.broadcast %select_n3A_47 : i32 to vector<1x128xi32>
    %eq3A_49 = arith.cmpi eq, %iota3A, %eq3A_48 : vector<1x128xi32>
    %convert_element_type3A_50 = arith.extui %eq3A_49 : vector<1x128xi1> to vector<1x128xi32>
    %convert_element_type3A_51 = arith.sitofp %convert_element_type3A_50 : vector<1x128xi32> to vector<1x128xf32>
    %swap3A_52 = arith.index_cast %rem3A_0 : i32 to index
    %swap3A_53 = arith.constant 0 : index
    %swap3A_54 = arith.index_cast %select_n3A : i32 to index
    %swap3A_55 = arith.constant 0 : index
    %swap3A_56 = vector.load %arg3[%swap3A_52, %swap3A_53, %swap3A_54, %swap3A_55] : memref<4x32x256x128xf32, #tpu.memory_space<vmem>>, vector<1x1x1x128xf32>
    %swap3A_57 = vector.shape_cast %swap3A_56 : vector<1x1x1x128xf32> to vector<1x128xf32>
    %swap3A_58 = vector.shape_cast %convert_element_type3A_51 : vector<1x128xf32> to vector<1x1x1x128xf32>
    tpu.vector_store %arg3[%swap3A_52, %swap3A_53, %swap3A_54, %swap3A_55], %swap3A_58 {strides = array<i32>} : memref<4x32x256x128xf32, #tpu.memory_space<vmem>>, vector<1x1x1x128xf32>,
    %get3A_59 = arith.index_cast %select_n3A : i32 to index
    %get3A_60 = arith.constant 0 : index
    %get3A_61 = vector.load %arg4[%get3A_59, %get3A_60] : memref<256x128xf32, #tpu.memory_space<vmem>>, vector<1x128xf32>
    %eq3A_62 = vector.broadcast %select_n3A_47 : i32 to vector<1x128xi32>
    %eq3A_63 = arith.cmpi eq, %iota3A, %eq3A_62 : vector<1x128xi32>
    %jit3A_64 = arith.constant 0.000000e+00 : f32
    %broadcast_in_dim3A_65 = vector.broadcast %jit3A_64 : f32 to vector<1x128xf32>
    %select_n3A_66 = arith.select %eq3A_63, %broadcast_in_dim3A_65, %get3A_61 : vector<1x128xi1>, vector<1x128xf32>
    %swap3A_67 = arith.index_cast %select_n3A : i32 to index
    %swap3A_68 = arith.constant 0 : index
    %swap3A_69 = vector.load %arg4[%swap3A_67, %swap3A_68] : memref<256x128xf32, #tpu.memory_space<vmem>>, vector<1x128xf32>
    tpu.vector_store %arg4[%swap3A_67, %swap3A_68], %select_n3A_66 {strides = array<i32>} : memref<256x128xf32, #tpu.memory_space<vmem>>, vector<1x128xf32>,
    %get3A_70 = arith.constant 0 : index
    %get3A_71 = arith.constant 0 : index
    %get3A_72 = arith.constant 1 : index
    %get3A_73 = memref.load %arg1[%get3A_70, %get3A_71, %get3A_72] : memref<1x1x32xi32, #tpu.memory_space<smem>>
    %jit3A_74 = arith.constant 128 : i32
    %div3A_75 = arith.divsi %get3A_73, %jit3A_74 : i32
    %sign3A_76 = arith.constant 0 : i32
    %sign3A_77 = arith.cmpi sgt, %get3A_73, %sign3A_76 : i32
    %sign3A_78 = arith.extui %sign3A_77 : i1 to i32
    %sign3A_79 = arith.constant 0 : i32
    %sign3A_80 = arith.cmpi slt, %get3A_73, %sign3A_79 : i32
    %sign3A_81 = arith.extui %sign3A_80 : i1 to i32
    %sign3A_82 = arith.subi %sign3A_78, %sign3A_81 : i32
    %sign3A_83 = arith.constant 0 : i32
    %sign3A_84 = arith.cmpi sgt, %jit3A_74, %sign3A_83 : i32
    %sign3A_85 = arith.extui %sign3A_84 : i1 to i32
    %sign3A_86 = arith.constant 0 : i32
    %sign3A_87 = arith.cmpi slt, %jit3A_74, %sign3A_86 : i32
    %sign3A_88 = arith.extui %sign3A_87 : i1 to i32
    %sign3A_89 = arith.subi %sign3A_85, %sign3A_88 : i32
    %ne3A_90 = arith.cmpi ne, %sign3A_82, %sign3A_89 : i32
    %rem3A_91 = arith.remsi %get3A_73, %jit3A_74 : i32
    %ne3A_92 = arith.constant 0 : i32
    %ne3A_93 = arith.cmpi ne, %rem3A_91, %ne3A_92 : i32
    %and3A_94 = arith.andi %ne3A_90, %ne3A_93 : i1
    %sub3A_95 = arith.constant 1 : i32
    %sub3A_96 = arith.subi %div3A_75, %sub3A_95 : i32
    %select_n3A_97 = arith.select %and3A_94, %sub3A_96, %div3A_75 : i32
    %jit3A_98 = arith.constant 128 : i32
    %eq3A_99 = arith.constant 0 : i32
    %eq3A_100 = arith.cmpi eq, %jit3A_98, %eq3A_99 : i32
    %jit3A_101 = arith.constant 1 : i32
    %select_n3A_102 = arith.select %eq3A_100, %jit3A_101, %jit3A_98 : i32
    %rem3A_103 = arith.remsi %get3A_73, %select_n3A_102 : i32
    %ne3A_104 = arith.constant 0 : i32
    %ne3A_105 = arith.cmpi ne, %rem3A_103, %ne3A_104 : i32
    %lt3A_106 = arith.constant 0 : i32
    %lt3A_107 = arith.cmpi slt, %rem3A_103, %lt3A_106 : i32
    %lt3A_108 = arith.constant 0 : i32
    %lt3A_109 = arith.cmpi slt, %select_n3A_102, %lt3A_108 : i32
    %ne3A_110 = arith.xori %lt3A_107, %lt3A_109 : i1
    %and3A_111 = arith.andi %ne3A_110, %ne3A_105 : i1
    %add3A_112 = arith.addi %rem3A_103, %select_n3A_102 : i32
    %select_n3A_113 = arith.select %and3A_111, %add3A_112, %rem3A_103 : i32
    %eq3A_114 = vector.broadcast %select_n3A_113 : i32 to vector<1x128xi32>
    %eq3A_115 = arith.cmpi eq, %iota3A, %eq3A_114 : vector<1x128xi32>
    %convert_element_type3A_116 = arith.extui %eq3A_115 : vector<1x128xi1> to vector<1x128xi32>
    %convert_element_type3A_117 = arith.sitofp %convert_element_type3A_116 : vector<1x128xi32> to vector<1x128xf32>
    %swap3A_118 = arith.index_cast %rem3A_0 : i32 to index
    %swap3A_119 = arith.constant 1 : index
    %swap3A_120 = arith.index_cast %select_n3A_97 : i32 to index
    %swap3A_121 = arith.constant 0 : index
    %swap3A_122 = vector.load %arg3[%swap3A_118, %swap3A_119, %swap3A_120, %swap3A_121] : memref<4x32x256x128xf32, #tpu.memory_space<vmem>>, vector<1x1x1x128xf32>
    %swap3A_123 = vector.shape_cast %swap3A_122 : vector<1x1x1x128xf32> to vector<1x128xf32>
    %swap3A_124 = vector.shape_cast %convert_element_type3A_117 : vector<1x128xf32> to vector<1x1x1x128xf32>
    tpu.vector_store %arg3[%swap3A_118, %swap3A_119, %swap3A_120, %swap3A_121], %swap3A_124 {strides = array<i32>} : memref<4x32x256x128xf32, #tpu.memory_space<vmem>>, vector<1x1x1x128xf32>,
    %get3A_125 = arith.index_cast %select_n3A_97 : i32 to index
    %get3A_126 = arith.constant 0 : index
    %get3A_127 = vector.load %arg4[%get3A_125, %get3A_126] : memref<256x128xf32, #tpu.memory_space<vmem>>, vector<1x128xf32>
    %eq3A_128 = vector.broadcast %select_n3A_113 : i32 to vector<1x128xi32>
    %eq3A_129 = arith.cmpi eq, %iota3A, %eq3A_128 : vector<1x128xi32>
    %jit3A_130 = arith.constant 0.000000e+00 : f32
    %broadcast_in_dim3A_131 = vector.broadcast %jit3A_130 : f32 to vector<1x128xf32>
    %select_n3A_132 = arith.select %eq3A_129, %broadcast_in_dim3A_131, %get3A_127 : vector<1x128xi1>, vector<1x128xf32>
    %swap3A_133 = arith.index_cast %select_n3A_97 : i32 to index
    %swap3A_134 = arith.constant 0 : index
    %swap3A_135 = vector.load %arg4[%swap3A_133, %swap3A_134] : memref<256x128xf32, #tpu.memory_space<vmem>>, vector<1x128xf32>
    tpu.vector_store %arg4[%swap3A_133, %swap3A_134], %select_n3A_132 {strides = array<i32>} : memref<256x128xf32, #tpu.memory_space<vmem>>, vector<1x128xf32>,
    %get3A_136 = arith.constant 0 : index
    %get3A_137 = arith.constant 0 : index
    %get3A_138 = arith.constant 2 : index
    %get3A_139 = memref.load %arg1[%get3A_136, %get3A_137, %get3A_138] : memref<1x1x32xi32, #tpu.memory_space<smem>>
    %jit3A_140 = arith.constant 128 : i32
    %div3A_141 = arith.divsi %get3A_139, %jit3A_140 : i32
    %sign3A_142 = arith.constant 0 : i32
    %sign3A_143 = arith.cmpi sgt, %get3A_139, %sign3A_142 : i32
    %sign3A_144 = arith.extui %sign3A_143 : i1 to i32
    %sign3A_145 = arith.constant 0 : i32
    %sign3A_146 = arith.cmpi slt, %get3A_139, %sign3A_145 : i32
    %sign3A_147 = arith.extui %sign3A_146 : i1 to i32
    %sign3A_148 = arith.subi %sign3A_144, %sign3A_147 : i32
    %sign3A_149 = arith.constant 0 : i32
    %sign3A_150 = arith.cmpi sgt, %jit3A_140, %sign3A_149 : i32
    %sign3A_151 = arith.extui %sign3A_150 : i1 to i32
    %sign3A_152 = arith.constant 0 : i32
    %sign3A_153 = arith.cmpi slt, %jit3A_140, %sign3A_152 : i32
    %sign3A_154 = arith.extui %sign3A_153 : i1 to i32
    %sign3A_155 = arith.subi %sign3A_151, %sign3A_154 : i32
    %ne3A_156 = arith.cmpi ne, %sign3A_148, %sign3A_155 : i32
    %rem3A_157 = arith.remsi %get3A_139, %jit3A_140 : i32
    %ne3A_158 = arith.constant 0 : i32
    %ne3A_159 = arith.cmpi ne, %rem3A_157, %ne3A_158 : i32
    %and3A_160 = arith.andi %ne3A_156, %ne3A_159 : i1
    %sub3A_161 = arith.constant 1 : i32
    %sub3A_162 = arith.subi %div3A_141, %sub3A_161 : i32
    %select_n3A_163 = arith.select %and3A_160, %sub3A_162, %div3A_141 : i32
    %jit3A_164 = arith.constant 128 : i32
    %eq3A_165 = arith.constant 0 : i32
    %eq3A_166 = arith.cmpi eq, %jit3A_164, %eq3A_165 : i32
    %jit3A_167 = arith.constant 1 : i32
    %select_n3A_168 = arith.select %eq3A_166, %jit3A_167, %jit3A_164 : i32
    %rem3A_169 = arith.remsi %get3A_139, %select_n3A_168 : i32
    %ne3A_170 = arith.constant 0 : i32
    %ne3A_171 = arith.cmpi ne, %rem3A_169, %ne3A_170 : i32
    %lt3A_172 = arith.constant 0 : i32
    %lt3A_173 = arith.cmpi slt, %rem3A_169, %lt3A_172 : i32
    %lt3A_174 = arith.constant 0 : i32
    %lt3A_175 = arith.cmpi slt, %select_n3A_168, %lt3A_174 : i32
    %ne3A_176 = arith.xori %lt3A_173, %lt3A_175 : i1
    %and3A_177 = arith.andi %ne3A_176, %ne3A_171 : i1
    %add3A_178 = arith.addi %rem3A_169, %select_n3A_168 : i32
    %select_n3A_179 = arith.select %and3A_177, %add3A_178, %rem3A_169 : i32
    %eq3A_180 = vector.broadcast %select_n3A_179 : i32 to vector<1x128xi32>
    %eq3A_181 = arith.cmpi eq, %iota3A, %eq3A_180 : vector<1x128xi32>
    %convert_element_type3A_182 = arith.extui %eq3A_181 : vector<1x128xi1> to vector<1x128xi32>
    %convert_element_type3A_183 = arith.sitofp %convert_element_type3A_182 : vector<1x128xi32> to vector<1x128xf32>
    %swap3A_184 = arith.index_cast %rem3A_0 : i32 to index
    %swap3A_185 = arith.constant 2 : index
    %swap3A_186 = arith.index_cast %select_n3A_163 : i32 to index
    %swap3A_187 = arith.constant 0 : index
    %swap3A_188 = vector.load %arg3[%swap3A_184, %swap3A_185, %swap3A_186, %swap3A_187] : memref<4x32x256x128xf32, #tpu.memory_space<vmem>>, vector<1x1x1x128xf32>
    %swap3A_189 = vector.shape_cast %swap3A_188 : vector<1x1x1x128xf32> to vector<1x128xf32>
    %swap3A_190 = vector.shape_cast %convert_element_type3A_183 : vector<1x128xf32> to vector<1x1x1x128xf32>
    tpu.vector_store %arg3[%swap3A_184, %swap3A_185, %swap3A_186, %swap3A_187], %swap3A_190 {strides = array<i32>} : memref<4x32x256x128xf32, #tpu.memory_space<vmem>>, vector<1x1x1x128xf32>,
    %get3A_191 = arith.index_cast %select_n3A_163 : i32 to index
    %get3A_192 = arith.constant 0 : index
    %get3A_193 = vector.load %arg4[%get3A_191, %get3A_192] : memref<256x128xf32, #tpu.memory_space<vmem>>, vector<1x128xf32>
    %eq3A_194 = vector.broadcast %select_n3A_179 : i32 to vector<1x128xi32>
    %eq3A_195 = arith.cmpi eq, %iota3A, %eq3A_194 : vector<1x128xi32>
    %jit3A_196 = arith.constant 0.000000e+00 : f32
    %broadcast_in_dim3A_197 = vector.broadcast %jit3A_196 : f32 to vector<1x128xf32>
    %select_n3A_198 = arith.select %eq3A_195, %broadcast_in_dim3A_197, %get3A_193 : vector<1x128xi1>, vector<1x128xf32>
    %swap3A_199 = arith.index_cast %select_n3A_163 : i32 to index
    %swap3A_200 = arith.constant 0 : index
    %swap3A_201 = vector.load %arg4[%swap3A_199, %swap3A_200] : memref<256x128xf32, #tpu.memory_space<vmem>>, vector<1x128xf32>
    tpu.vector_store %arg4[%swap3A_199, %swap3A_200], %select_n3A_198 {strides = array<i32>} : memref<256x128xf32, #tpu.memory_space<vmem>>, vector<1x128xf32>,
    %get3A_202 = arith.constant 0 : index
    %get3A_203 = arith.constant 0 : index
    %get3A_204 = arith.constant 3 : index
    %get3A_205 = memref.load %arg1[%get3A_202, %get3A_203, %get3A_204] : memref<1x1x32xi32, #tpu.memory_space<smem>>
    %jit3A_206 = arith.constant 128 : i32
    %div3A_207 = arith.divsi %get3A_205, %jit3A_206 : i32
    %sign3A_208 = arith.constant 0 : i32
    %sign3A_209 = arith.cmpi sgt, %get3A_205, %sign3A_208 : i32
    %sign3A_210 = arith.extui %sign3A_209 : i1 to i32
    %sign3A_211 = arith.constant 0 : i32
    %sign3A_212 = arith.cmpi slt, %get3A_205, %sign3A_211 : i32
    %sign3A_213 = arith.extui %sign3A_212 : i1 to i32
    %sign3A_214 = arith.subi %sign3A_210, %sign3A_213 : i32
    %sign3A_215 = arith.constant 0 : i32
    %sign3A_216 = arith.cmpi sgt, %jit3A_206, %sign3A_215 : i32
    %sign3A_217 = arith.extui %sign3A_216 : i1 to i32
    %sign3A_218 = arith.constant 0 : i32
    %sign3A_219 = arith.cmpi slt, %jit3A_206, %sign3A_218 : i32
    %sign3A_220 = arith.extui %sign3A_219 : i1 to i32
    %sign3A_221 = arith.subi %sign3A_217, %sign3A_220 : i32
    %ne3A_222 = arith.cmpi ne, %sign3A_214, %sign3A_221 : i32
    %rem3A_223 = arith.remsi %get3A_205, %jit3A_206 : i32
    %ne3A_224 = arith.constant 0 : i32
    %ne3A_225 = arith.cmpi ne, %rem3A_223, %ne3A_224 : i32
    %and3A_226 = arith.andi %ne3A_222, %ne3A_225 : i1
    %sub3A_227 = arith.constant 1 : i32
    %sub3A_228 = arith.subi %div3A_207, %sub3A_227 : i32
    %select_n3A_229 = arith.select %and3A_226, %sub3A_228, %div3A_207 : i32
    %jit3A_230 = arith.constant 128 : i32
    %eq3A_231 = arith.constant 0 : i32
    %eq3A_232 = arith.cmpi eq, %jit3A_230, %eq3A_231 : i32
    %jit3A_233 = arith.constant 1 : i32
    %select_n3A_234 = arith.select %eq3A_232, %jit3A_233, %jit3A_230 : i32
    %rem3A_235 = arith.remsi %get3A_205, %select_n3A_234 : i32
    %ne3A_236 = arith.constant 0 : i32
    %ne3A_237 = arith.cmpi ne, %rem3A_235, %ne3A_236 : i32
    %lt3A_238 = arith.constant 0 : i32
    %lt3A_239 = arith.cmpi slt, %rem3A_235, %lt3A_238 : i32
    %lt3A_240 = arith.constant 0 : i32
    %lt3A_241 = arith.cmpi slt, %select_n3A_234, %lt3A_240 : i32
    %ne3A_242 = arith.xori %lt3A_239, %lt3A_241 : i1
    %and3A_243 = arith.andi %ne3A_242, %ne3A_237 : i1
    %add3A_244 = arith.addi %rem3A_235, %select_n3A_234 : i32
    %select_n3A_245 = arith.select %and3A_243, %add3A_244, %rem3A_235 : i32
    %eq3A_246 = vector.broadcast %select_n3A_245 : i32 to vector<1x128xi32>
    %eq3A_247 = arith.cmpi eq, %iota3A, %eq3A_246 : vector<1x128xi32>
    %convert_element_type3A_248 = arith.extui %eq3A_247 : vector<1x128xi1> to vector<1x128xi32>
    %convert_element_type3A_249 = arith.sitofp %convert_element_type3A_248 : vector<1x128xi32> to vector<1x128xf32>
    %swap3A_250 = arith.index_cast %rem3A_0 : i32 to index
    %swap3A_251 = arith.constant 3 : index
    %swap3A_252 = arith.index_cast %select_n3A_229 : i32 to index
    %swap3A_253 = arith.constant 0 : index
    %swap3A_254 = vector.load %arg3[%swap3A_250, %swap3A_251, %swap3A_252, %swap3A_253] : memref<4x32x256x128xf32, #tpu.memory_space<vmem>>, vector<1x1x1x128xf32>
    %swap3A_255 = vector.shape_cast %swap3A_254 : vector<1x1x1x128xf32> to vector<1x128xf32>
    %swap3A_256 = vector.shape_cast %convert_element_type3A_249 : vector<1x128xf32> to vector<1x1x1x128xf32>
    tpu.vector_store %arg3[%swap3A_250, %swap3A_251, %swap3A_252, %swap3A_253], %swap3A_256 {strides = array<i32>} : memref<4x32x256x128xf32, #tpu.memory_space<vmem>>, vector<1x1x1x128xf32>,
    %get3A_257 = arith.index_cast %select_n3A_229 : i32 to index
    %get3A_258 = arith.constant 0 : index
    %get3A_259 = vector.load %arg4[%get3A_257, %get3A_258] : memref<256x128xf32, #tpu.memory_space<vmem>>, vector<1x128xf32>
    %eq3A_260 = vector.broadcast %select_n3A_245 : i32 to vector<1x128xi32>
    %eq3A_261 = arith.cmpi eq, %iota3A, %eq3A_260 : vector<1x128xi32>
    %jit3A_262 = arith.constant 0.000000e+00 : f32
    %broadcast_in_dim3A_263 = vector.broadcast %jit3A_262 : f32 to vector<1x128xf32>
    %select_n3A_264 = arith.select %eq3A_261, %broadcast_in_dim3A_263, %get3A_259 : vector<1x128xi1>, vector<1x128xf32>
    %swap3A_265 = arith.index_cast %select_n3A_229 : i32 to index
    %swap3A_266 = arith.constant 0 : index
    %swap3A_267 = vector.load %arg4[%swap3A_265, %swap3A_266] : memref<256x128xf32, #tpu.memory_space<vmem>>, vector<1x128xf32>
    tpu.vector_store %arg4[%swap3A_265, %swap3A_266], %select_n3A_264 {strides = array<i32>} : memref<256x128xf32, #tpu.memory_space<vmem>>, vector<1x128xf32>,
    %get3A_268 = arith.constant 0 : index
    %get3A_269 = arith.constant 0 : index
    %get3A_270 = arith.constant 4 : index
    %get3A_271 = memref.load %arg1[%get3A_268, %get3A_269, %get3A_270] : memref<1x1x32xi32, #tpu.memory_space<smem>>
    %jit3A_272 = arith.constant 128 : i32
    %div3A_273 = arith.divsi %get3A_271, %jit3A_272 : i32
    %sign3A_274 = arith.constant 0 : i32
    %sign3A_275 = arith.cmpi sgt, %get3A_271, %sign3A_274 : i32
    %sign3A_276 = arith.extui %sign3A_275 : i1 to i32
    %sign3A_277 = arith.constant 0 : i32
    %sign3A_278 = arith.cmpi slt, %get3A_271, %sign3A_277 : i32
    %sign3A_279 = arith.extui %sign3A_278 : i1 to i32
    %sign3A_280 = arith.subi %sign3A_276, %sign3A_279 : i32
    %sign3A_281 = arith.constant 0 : i32
    %sign3A_282 = arith.cmpi sgt, %jit3A_272, %sign3A_281 : i32
    %sign3A_283 = arith.extui %sign3A_282 : i1 to i32
    %sign3A_284 = arith.constant 0 : i32
    %sign3A_285 = arith.cmpi slt, %jit3A_272, %sign3A_284 : i32
    %sign3A_286 = arith.extui %sign3A_285 : i1 to i32
    %sign3A_287 = arith.subi %sign3A_283, %sign3A_286 : i32
    %ne3A_288 = arith.cmpi ne, %sign3A_280, %sign3A_287 : i32
    %rem3A_289 = arith.remsi %get3A_271, %jit3A_272 : i32
    %ne3A_290 = arith.constant 0 : i32
    %ne3A_291 = arith.cmpi ne, %rem3A_289, %ne3A_290 : i32
    %and3A_292 = arith.andi %ne3A_288, %ne3A_291 : i1
    %sub3A_293 = arith.constant 1 : i32
    %sub3A_294 = arith.subi %div3A_273, %sub3A_293 : i32
    %select_n3A_295 = arith.select %and3A_292, %sub3A_294, %div3A_273 : i32
    %jit3A_296 = arith.constant 128 : i32
    %eq3A_297 = arith.constant 0 : i32
    %eq3A_298 = arith.cmpi eq, %jit3A_296, %eq3A_297 : i32
    %jit3A_299 = arith.constant 1 : i32
    %select_n3A_300 = arith.select %eq3A_298, %jit3A_299, %jit3A_296 : i32
    %rem3A_301 = arith.remsi %get3A_271, %select_n3A_300 : i32
    %ne3A_302 = arith.constant 0 : i32
    %ne3A_303 = arith.cmpi ne, %rem3A_301, %ne3A_302 : i32
    %lt3A_304 = arith.constant 0 : i32
    %lt3A_305 = arith.cmpi slt, %rem3A_301, %lt3A_304 : i32
    %lt3A_306 = arith.constant 0 : i32
    %lt3A_307 = arith.cmpi slt, %select_n3A_300, %lt3A_306 : i32
    %ne3A_308 = arith.xori %lt3A_305, %lt3A_307 : i1
    %and3A_309 = arith.andi %ne3A_308, %ne3A_303 : i1
    %add3A_310 = arith.addi %rem3A_301, %select_n3A_300 : i32
    %select_n3A_311 = arith.select %and3A_309, %add3A_310, %rem3A_301 : i32
    %eq3A_312 = vector.broadcast %select_n3A_311 : i32 to vector<1x128xi32>
    %eq3A_313 = arith.cmpi eq, %iota3A, %eq3A_312 : vector<1x128xi32>
    %convert_element_type3A_314 = arith.extui %eq3A_313 : vector<1x128xi1> to vector<1x128xi32>
    %convert_element_type3A_315 = arith.sitofp %convert_element_type3A_314 : vector<1x128xi32> to vector<1x128xf32>
    %swap3A_316 = arith.index_cast %rem3A_0 : i32 to index
    %swap3A_317 = arith.constant 4 : index
    %swap3A_318 = arith.index_cast %select_n3A_295 : i32 to index
    %swap3A_319 = arith.constant 0 : index
    %swap3A_320 = vector.load %arg3[%swap3A_316, %swap3A_317, %swap3A_318, %swap3A_319] : memref<4x32x256x128xf32, #tpu.memory_space<vmem>>, vector<1x1x1x128xf32>
    %swap3A_321 = vector.shape_cast %swap3A_320 : vector<1x1x1x128xf32> to vector<1x128xf32>
    %swap3A_322 = vector.shape_cast %convert_element_type3A_315 : vector<1x128xf32> to vector<1x1x1x128xf32>
    tpu.vector_store %arg3[%swap3A_316, %swap3A_317, %swap3A_318, %swap3A_319], %swap3A_322 {strides = array<i32>} : memref<4x32x256x128xf32, #tpu.memory_space<vmem>>, vector<1x1x1x128xf32>,
    %get3A_323 = arith.index_cast %select_n3A_295 : i32 to index
    %get3A_324 = arith.constant 0 : index
    %get3A_325 = vector.load %arg4[%get3A_323, %get3A_324] : memref<256x128xf32, #tpu.memory_space<vmem>>, vector<1x128xf32>
    %eq3A_326 = vector.broadcast %select_n3A_311 : i32 to vector<1x128xi32>
    %eq3A_327 = arith.cmpi eq, %iota3A, %eq3A_326 : vector<1x128xi32>
    %jit3A_328 = arith.constant 0.000000e+00 : f32
    %broadcast_in_dim3A_329 = vector.broadcast %jit3A_328 : f32 to vector<1x128xf32>
    %select_n3A_330 = arith.select %eq3A_327, %broadcast_in_dim3A_329, %get3A_325 : vector<1x128xi1>, vector<1x128xf32>
    %swap3A_331 = arith.index_cast %select_n3A_295 : i32 to index
    %swap3A_332 = arith.constant 0 : index
    %swap3A_333 = vector.load %arg4[%swap3A_331, %swap3A_332] : memref<256x128xf32, #tpu.memory_space<vmem>>, vector<1x128xf32>
    tpu.vector_store %arg4[%swap3A_331, %swap3A_332], %select_n3A_330 {strides = array<i32>} : memref<256x128xf32, #tpu.memory_space<vmem>>, vector<1x128xf32>,
    %get3A_334 = arith.constant 0 : index
    %get3A_335 = arith.constant 0 : index
    %get3A_336 = arith.constant 5 : index
    %get3A_337 = memref.load %arg1[%get3A_334, %get3A_335, %get3A_336] : memref<1x1x32xi32, #tpu.memory_space<smem>>
    %jit3A_338 = arith.constant 128 : i32
    %div3A_339 = arith.divsi %get3A_337, %jit3A_338 : i32
    %sign3A_340 = arith.constant 0 : i32
    %sign3A_341 = arith.cmpi sgt, %get3A_337, %sign3A_340 : i32
    %sign3A_342 = arith.extui %sign3A_341 : i1 to i32
    %sign3A_343 = arith.constant 0 : i32
    %sign3A_344 = arith.cmpi slt, %get3A_337, %sign3A_343 : i32
    %sign3A_345 = arith.extui %sign3A_344 : i1 to i32
    %sign3A_346 = arith.subi %sign3A_342, %sign3A_345 : i32
    %sign3A_347 = arith.constant 0 : i32
    %sign3A_348 = arith.cmpi sgt, %jit3A_338, %sign3A_347 : i32
    %sign3A_349 = arith.extui %sign3A_348 : i1 to i32
    %sign3A_350 = arith.constant 0 : i32
    %sign3A_351 = arith.cmpi slt, %jit3A_338, %sign3A_350 : i32
    %sign3A_352 = arith.extui %sign3A_351 : i1 to i32
    %sign3A_353 = arith.subi %sign3A_349, %sign3A_352 : i32
    %ne3A_354 = arith.cmpi ne, %sign3A_346, %sign3A_353 : i32
    %rem3A_355 = arith.remsi %get3A_337, %jit3A_338 : i32
    %ne3A_356 = arith.constant 0 : i32
    %ne3A_357 = arith.cmpi ne, %rem3A_355, %ne3A_356 : i32
    %and3A_358 = arith.andi %ne3A_354, %ne3A_357 : i1
    %sub3A_359 = arith.constant 1 : i32
    %sub3A_360 = arith.subi %div3A_339, %sub3A_359 : i32
    %select_n3A_361 = arith.select %and3A_358, %sub3A_360, %div3A_339 : i32
    %jit3A_362 = arith.constant 128 : i32
    %eq3A_363 = arith.constant 0 : i32
    %eq3A_364 = arith.cmpi eq, %jit3A_362, %eq3A_363 : i32
    %jit3A_365 = arith.constant 1 : i32
    %select_n3A_366 = arith.select %eq3A_364, %jit3A_365, %jit3A_362 : i32
    %rem3A_367 = arith.remsi %get3A_337, %select_n3A_366 : i32
    %ne3A_368 = arith.constant 0 : i32
    %ne3A_369 = arith.cmpi ne, %rem3A_367, %ne3A_368 : i32
    %lt3A_370 = arith.constant 0 : i32
    %lt3A_371 = arith.cmpi slt, %rem3A_367, %lt3A_370 : i32
    %lt3A_372 = arith.constant 0 : i32
    %lt3A_373 = arith.cmpi slt, %select_n3A_366, %lt3A_372 : i32
    %ne3A_374 = arith.xori %lt3A_371, %lt3A_373 : i1
    %and3A_375 = arith.andi %ne3A_374, %ne3A_369 : i1
    %add3A_376 = arith.addi %rem3A_367, %select_n3A_366 : i32
    %select_n3A_377 = arith.select %and3A_375, %add3A_376, %rem3A_367 : i32
    %eq3A_378 = vector.broadcast %select_n3A_377 : i32 to vector<1x128xi32>
    %eq3A_379 = arith.cmpi eq, %iota3A, %eq3A_378 : vector<1x128xi32>
    %convert_element_type3A_380 = arith.extui %eq3A_379 : vector<1x128xi1> to vector<1x128xi32>
    %convert_element_type3A_381 = arith.sitofp %convert_element_type3A_380 : vector<1x128xi32> to vector<1x128xf32>
    %swap3A_382 = arith.index_cast %rem3A_0 : i32 to index
    %swap3A_383 = arith.constant 5 : index
    %swap3A_384 = arith.index_cast %select_n3A_361 : i32 to index
    %swap3A_385 = arith.constant 0 : index
    %swap3A_386 = vector.load %arg3[%swap3A_382, %swap3A_383, %swap3A_384, %swap3A_385] : memref<4x32x256x128xf32, #tpu.memory_space<vmem>>, vector<1x1x1x128xf32>
    %swap3A_387 = vector.shape_cast %swap3A_386 : vector<1x1x1x128xf32> to vector<1x128xf32>
    %swap3A_388 = vector.shape_cast %convert_element_type3A_381 : vector<1x128xf32> to vector<1x1x1x128xf32>
    tpu.vector_store %arg3[%swap3A_382, %swap3A_383, %swap3A_384, %swap3A_385], %swap3A_388 {strides = array<i32>} : memref<4x32x256x128xf32, #tpu.memory_space<vmem>>, vector<1x1x1x128xf32>,
    %get3A_389 = arith.index_cast %select_n3A_361 : i32 to index
    %get3A_390 = arith.constant 0 : index
    %get3A_391 = vector.load %arg4[%get3A_389, %get3A_390] : memref<256x128xf32, #tpu.memory_space<vmem>>, vector<1x128xf32>
    %eq3A_392 = vector.broadcast %select_n3A_377 : i32 to vector<1x128xi32>
    %eq3A_393 = arith.cmpi eq, %iota3A, %eq3A_392 : vector<1x128xi32>
    %jit3A_394 = arith.constant 0.000000e+00 : f32
    %broadcast_in_dim3A_395 = vector.broadcast %jit3A_394 : f32 to vector<1x128xf32>
    %select_n3A_396 = arith.select %eq3A_393, %broadcast_in_dim3A_395, %get3A_391 : vector<1x128xi1>, vector<1x128xf32>
    %swap3A_397 = arith.index_cast %select_n3A_361 : i32 to index
    %swap3A_398 = arith.constant 0 : index
    %swap3A_399 = vector.load %arg4[%swap3A_397, %swap3A_398] : memref<256x128xf32, #tpu.memory_space<vmem>>, vector<1x128xf32>
    tpu.vector_store %arg4[%swap3A_397, %swap3A_398], %select_n3A_396 {strides = array<i32>} : memref<256x128xf32, #tpu.memory_space<vmem>>, vector<1x128xf32>,
    %get3A_400 = arith.constant 0 : index
    %get3A_401 = arith.constant 0 : index
    %get3A_402 = arith.constant 6 : index
    %get3A_403 = memref.load %arg1[%get3A_400, %get3A_401, %get3A_402] : memref<1x1x32xi32, #tpu.memory_space<smem>>
    %jit3A_404 = arith.constant 128 : i32
    %div3A_405 = arith.divsi %get3A_403, %jit3A_404 : i32
    %sign3A_406 = arith.constant 0 : i32
    %sign3A_407 = arith.cmpi sgt, %get3A_403, %sign3A_406 : i32
    %sign3A_408 = arith.extui %sign3A_407 : i1 to i32
    %sign3A_409 = arith.constant 0 : i32
    %sign3A_410 = arith.cmpi slt, %get3A_403, %sign3A_409 : i32
    %sign3A_411 = arith.extui %sign3A_410 : i1 to i32
    %sign3A_412 = arith.subi %sign3A_408, %sign3A_411 : i32
    %sign3A_413 = arith.constant 0 : i32
    %sign3A_414 = arith.cmpi sgt, %jit3A_404, %sign3A_413 : i32
    %sign3A_415 = arith.extui %sign3A_414 : i1 to i32
    %sign3A_416 = arith.constant 0 : i32
    %sign3A_417 = arith.cmpi slt, %jit3A_404, %sign3A_416 : i32
    %sign3A_418 = arith.extui %sign3A_417 : i1 to i32
    %sign3A_419 = arith.subi %sign3A_415, %sign3A_418 : i32
    %ne3A_420 = arith.cmpi ne, %sign3A_412, %sign3A_419 : i32
    %rem3A_421 = arith.remsi %get3A_403, %jit3A_404 : i32
    %ne3A_422 = arith.constant 0 : i32
    %ne3A_423 = arith.cmpi ne, %rem3A_421, %ne3A_422 : i32
    %and3A_424 = arith.andi %ne3A_420, %ne3A_423 : i1
    %sub3A_425 = arith.constant 1 : i32
    %sub3A_426 = arith.subi %div3A_405, %sub3A_425 : i32
    %select_n3A_427 = arith.select %and3A_424, %sub3A_426, %div3A_405 : i32
    %jit3A_428 = arith.constant 128 : i32
    %eq3A_429 = arith.constant 0 : i32
    %eq3A_430 = arith.cmpi eq, %jit3A_428, %eq3A_429 : i32
    %jit3A_431 = arith.constant 1 : i32
    %select_n3A_432 = arith.select %eq3A_430, %jit3A_431, %jit3A_428 : i32
    %rem3A_433 = arith.remsi %get3A_403, %select_n3A_432 : i32
    %ne3A_434 = arith.constant 0 : i32
    %ne3A_435 = arith.cmpi ne, %rem3A_433, %ne3A_434 : i32
    %lt3A_436 = arith.constant 0 : i32
    %lt3A_437 = arith.cmpi slt, %rem3A_433, %lt3A_436 : i32
    %lt3A_438 = arith.constant 0 : i32
    %lt3A_439 = arith.cmpi slt, %select_n3A_432, %lt3A_438 : i32
    %ne3A_440 = arith.xori %lt3A_437, %lt3A_439 : i1
    %and3A_441 = arith.andi %ne3A_440, %ne3A_435 : i1
    %add3A_442 = arith.addi %rem3A_433, %select_n3A_432 : i32
    %select_n3A_443 = arith.select %and3A_441, %add3A_442, %rem3A_433 : i32
    %eq3A_444 = vector.broadcast %select_n3A_443 : i32 to vector<1x128xi32>
    %eq3A_445 = arith.cmpi eq, %iota3A, %eq3A_444 : vector<1x128xi32>
    %convert_element_type3A_446 = arith.extui %eq3A_445 : vector<1x128xi1> to vector<1x128xi32>
    %convert_element_type3A_447 = arith.sitofp %convert_element_type3A_446 : vector<1x128xi32> to vector<1x128xf32>
    %swap3A_448 = arith.index_cast %rem3A_0 : i32 to index
    %swap3A_449 = arith.constant 6 : index
    %swap3A_450 = arith.index_cast %select_n3A_427 : i32 to index
    %swap3A_451 = arith.constant 0 : index
    %swap3A_452 = vector.load %arg3[%swap3A_448, %swap3A_449, %swap3A_450, %swap3A_451] : memref<4x32x256x128xf32, #tpu.memory_space<vmem>>, vector<1x1x1x128xf32>
    %swap3A_453 = vector.shape_cast %swap3A_452 : vector<1x1x1x128xf32> to vector<1x128xf32>
    %swap3A_454 = vector.shape_cast %convert_element_type3A_447 : vector<1x128xf32> to vector<1x1x1x128xf32>
    tpu.vector_store %arg3[%swap3A_448, %swap3A_449, %swap3A_450, %swap3A_451], %swap3A_454 {strides = array<i32>} : memref<4x32x256x128xf32, #tpu.memory_space<vmem>>, vector<1x1x1x128xf32>,
    %get3A_455 = arith.index_cast %select_n3A_427 : i32 to index
    %get3A_456 = arith.constant 0 : index
    %get3A_457 = vector.load %arg4[%get3A_455, %get3A_456] : memref<256x128xf32, #tpu.memory_space<vmem>>, vector<1x128xf32>
    %eq3A_458 = vector.broadcast %select_n3A_443 : i32 to vector<1x128xi32>
    %eq3A_459 = arith.cmpi eq, %iota3A, %eq3A_458 : vector<1x128xi32>
    %jit3A_460 = arith.constant 0.000000e+00 : f32
    %broadcast_in_dim3A_461 = vector.broadcast %jit3A_460 : f32 to vector<1x128xf32>
    %select_n3A_462 = arith.select %eq3A_459, %broadcast_in_dim3A_461, %get3A_457 : vector<1x128xi1>, vector<1x128xf32>
    %swap3A_463 = arith.index_cast %select_n3A_427 : i32 to index
    %swap3A_464 = arith.constant 0 : index
    %swap3A_465 = vector.load %arg4[%swap3A_463, %swap3A_464] : memref<256x128xf32, #tpu.memory_space<vmem>>, vector<1x128xf32>
    tpu.vector_store %arg4[%swap3A_463, %swap3A_464], %select_n3A_462 {strides = array<i32>} : memref<256x128xf32, #tpu.memory_space<vmem>>, vector<1x128xf32>,
    %get3A_466 = arith.constant 0 : index
    %get3A_467 = arith.constant 0 : index
    %get3A_468 = arith.constant 7 : index
    %get3A_469 = memref.load %arg1[%get3A_466, %get3A_467, %get3A_468] : memref<1x1x32xi32, #tpu.memory_space<smem>>
    %jit3A_470 = arith.constant 128 : i32
    %div3A_471 = arith.divsi %get3A_469, %jit3A_470 : i32
    %sign3A_472 = arith.constant 0 : i32
    %sign3A_473 = arith.cmpi sgt, %get3A_469, %sign3A_472 : i32
    %sign3A_474 = arith.extui %sign3A_473 : i1 to i32
    %sign3A_475 = arith.constant 0 : i32
    %sign3A_476 = arith.cmpi slt, %get3A_469, %sign3A_475 : i32
    %sign3A_477 = arith.extui %sign3A_476 : i1 to i32
    %sign3A_478 = arith.subi %sign3A_474, %sign3A_477 : i32
    %sign3A_479 = arith.constant 0 : i32
    %sign3A_480 = arith.cmpi sgt, %jit3A_470, %sign3A_479 : i32
    %sign3A_481 = arith.extui %sign3A_480 : i1 to i32
    %sign3A_482 = arith.constant 0 : i32
    %sign3A_483 = arith.cmpi slt, %jit3A_470, %sign3A_482 : i32
    %sign3A_484 = arith.extui %sign3A_483 : i1 to i32
    %sign3A_485 = arith.subi %sign3A_481, %sign3A_484 : i32
    %ne3A_486 = arith.cmpi ne, %sign3A_478, %sign3A_485 : i32
    %rem3A_487 = arith.remsi %get3A_469, %jit3A_470 : i32
    %ne3A_488 = arith.constant 0 : i32
    %ne3A_489 = arith.cmpi ne, %rem3A_487, %ne3A_488 : i32
    %and3A_490 = arith.andi %ne3A_486, %ne3A_489 : i1
    %sub3A_491 = arith.constant 1 : i32
    %sub3A_492 = arith.subi %div3A_471, %sub3A_491 : i32
    %select_n3A_493 = arith.select %and3A_490, %sub3A_492, %div3A_471 : i32
    %jit3A_494 = arith.constant 128 : i32
    %eq3A_495 = arith.constant 0 : i32
    %eq3A_496 = arith.cmpi eq, %jit3A_494, %eq3A_495 : i32
    %jit3A_497 = arith.constant 1 : i32
    %select_n3A_498 = arith.select %eq3A_496, %jit3A_497, %jit3A_494 : i32
    %rem3A_499 = arith.remsi %get3A_469, %select_n3A_498 : i32
    %ne3A_500 = arith.constant 0 : i32
    %ne3A_501 = arith.cmpi ne, %rem3A_499, %ne3A_500 : i32
    %lt3A_502 = arith.constant 0 : i32
    %lt3A_503 = arith.cmpi slt, %rem3A_499, %lt3A_502 : i32
    %lt3A_504 = arith.constant 0 : i32
    %lt3A_505 = arith.cmpi slt, %select_n3A_498, %lt3A_504 : i32
    %ne3A_506 = arith.xori %lt3A_503, %lt3A_505 : i1
    %and3A_507 = arith.andi %ne3A_506, %ne3A_501 : i1
    %add3A_508 = arith.addi %rem3A_499, %select_n3A_498 : i32
    %select_n3A_509 = arith.select %and3A_507, %add3A_508, %rem3A_499 : i32
    %eq3A_510 = vector.broadcast %select_n3A_509 : i32 to vector<1x128xi32>
    %eq3A_511 = arith.cmpi eq, %iota3A, %eq3A_510 : vector<1x128xi32>
    %convert_element_type3A_512 = arith.extui %eq3A_511 : vector<1x128xi1> to vector<1x128xi32>
    %convert_element_type3A_513 = arith.sitofp %convert_element_type3A_512 : vector<1x128xi32> to vector<1x128xf32>
    %swap3A_514 = arith.index_cast %rem3A_0 : i32 to index
    %swap3A_515 = arith.constant 7 : index
    %swap3A_516 = arith.index_cast %select_n3A_493 : i32 to index
    %swap3A_517 = arith.constant 0 : index
    %swap3A_518 = vector.load %arg3[%swap3A_514, %swap3A_515, %swap3A_516, %swap3A_517] : memref<4x32x256x128xf32, #tpu.memory_space<vmem>>, vector<1x1x1x128xf32>
    %swap3A_519 = vector.shape_cast %swap3A_518 : vector<1x1x1x128xf32> to vector<1x128xf32>
    %swap3A_520 = vector.shape_cast %convert_element_type3A_513 : vector<1x128xf32> to vector<1x1x1x128xf32>
    tpu.vector_store %arg3[%swap3A_514, %swap3A_515, %swap3A_516, %swap3A_517], %swap3A_520 {strides = array<i32>} : memref<4x32x256x128xf32, #tpu.memory_space<vmem>>, vector<1x1x1x128xf32>,
    %get3A_521 = arith.index_cast %select_n3A_493 : i32 to index
    %get3A_522 = arith.constant 0 : index
    %get3A_523 = vector.load %arg4[%get3A_521, %get3A_522] : memref<256x128xf32, #tpu.memory_space<vmem>>, vector<1x128xf32>
    %eq3A_524 = vector.broadcast %select_n3A_509 : i32 to vector<1x128xi32>
    %eq3A_525 = arith.cmpi eq, %iota3A, %eq3A_524 : vector<1x128xi32>
    %jit3A_526 = arith.constant 0.000000e+00 : f32
    %broadcast_in_dim3A_527 = vector.broadcast %jit3A_526 : f32 to vector<1x128xf32>
    %select_n3A_528 = arith.select %eq3A_525, %broadcast_in_dim3A_527, %get3A_523 : vector<1x128xi1>, vector<1x128xf32>
    %swap3A_529 = arith.index_cast %select_n3A_493 : i32 to index
    %swap3A_530 = arith.constant 0 : index
    %swap3A_531 = vector.load %arg4[%swap3A_529, %swap3A_530] : memref<256x128xf32, #tpu.memory_space<vmem>>, vector<1x128xf32>
    tpu.vector_store %arg4[%swap3A_529, %swap3A_530], %select_n3A_528 {strides = array<i32>} : memref<256x128xf32, #tpu.memory_space<vmem>>, vector<1x128xf32>,
    %get3A_532 = arith.constant 0 : index
    %get3A_533 = arith.constant 0 : index
    %get3A_534 = arith.constant 8 : index
    %get3A_535 = memref.load %arg1[%get3A_532, %get3A_533, %get3A_534] : memref<1x1x32xi32, #tpu.memory_space<smem>>
    %jit3A_536 = arith.constant 128 : i32
    %div3A_537 = arith.divsi %get3A_535, %jit3A_536 : i32
    %sign3A_538 = arith.constant 0 : i32
    %sign3A_539 = arith.cmpi sgt, %get3A_535, %sign3A_538 : i32
    %sign3A_540 = arith.extui %sign3A_539 : i1 to i32
    %sign3A_541 = arith.constant 0 : i32
    %sign3A_542 = arith.cmpi slt, %get3A_535, %sign3A_541 : i32
    %sign3A_543 = arith.extui %sign3A_542 : i1 to i32
    %sign3A_544 = arith.subi %sign3A_540, %sign3A_543 : i32
    %sign3A_545 = arith.constant 0 : i32
    %sign3A_546 = arith.cmpi sgt, %jit3A_536, %sign3A_545 : i32
    %sign3A_547 = arith.extui %sign3A_546 : i1 to i32
    %sign3A_548 = arith.constant 0 : i32
    %sign3A_549 = arith.cmpi slt, %jit3A_536, %sign3A_548 : i32
    %sign3A_550 = arith.extui %sign3A_549 : i1 to i32
    %sign3A_551 = arith.subi %sign3A_547, %sign3A_550 : i32
    %ne3A_552 = arith.cmpi ne, %sign3A_544, %sign3A_551 : i32
    %rem3A_553 = arith.remsi %get3A_535, %jit3A_536 : i32
    %ne3A_554 = arith.constant 0 : i32
    %ne3A_555 = arith.cmpi ne, %rem3A_553, %ne3A_554 : i32
    %and3A_556 = arith.andi %ne3A_552, %ne3A_555 : i1
    %sub3A_557 = arith.constant 1 : i32
    %sub3A_558 = arith.subi %div3A_537, %sub3A_557 : i32
    %select_n3A_559 = arith.select %and3A_556, %sub3A_558, %div3A_537 : i32
    %jit3A_560 = arith.constant 128 : i32
    %eq3A_561 = arith.constant 0 : i32
    %eq3A_562 = arith.cmpi eq, %jit3A_560, %eq3A_561 : i32
    %jit3A_563 = arith.constant 1 : i32
    %select_n3A_564 = arith.select %eq3A_562, %jit3A_563, %jit3A_560 : i32
    %rem3A_565 = arith.remsi %get3A_535, %select_n3A_564 : i32
    %ne3A_566 = arith.constant 0 : i32
    %ne3A_567 = arith.cmpi ne, %rem3A_565, %ne3A_566 : i32
    %lt3A_568 = arith.constant 0 : i32
    %lt3A_569 = arith.cmpi slt, %rem3A_565, %lt3A_568 : i32
    %lt3A_570 = arith.constant 0 : i32
    %lt3A_571 = arith.cmpi slt, %select_n3A_564, %lt3A_570 : i32
    %ne3A_572 = arith.xori %lt3A_569, %lt3A_571 : i1
    %and3A_573 = arith.andi %ne3A_572, %ne3A_567 : i1
    %add3A_574 = arith.addi %rem3A_565, %select_n3A_564 : i32
    %select_n3A_575 = arith.select %and3A_573, %add3A_574, %rem3A_565 : i32
    %eq3A_576 = vector.broadcast %select_n3A_575 : i32 to vector<1x128xi32>
    %eq3A_577 = arith.cmpi eq, %iota3A, %eq3A_576 : vector<1x128xi32>
    %convert_element_type3A_578 = arith.extui %eq3A_577 : vector<1x128xi1> to vector<1x128xi32>
    %convert_element_type3A_579 = arith.sitofp %convert_element_type3A_578 : vector<1x128xi32> to vector<1x128xf32>
    %swap3A_580 = arith.index_cast %rem3A_0 : i32 to index
    %swap3A_581 = arith.constant 8 : index
    %swap3A_582 = arith.index_cast %select_n3A_559 : i32 to index
    %swap3A_583 = arith.constant 0 : index
    %swap3A_584 = vector.load %arg3[%swap3A_580, %swap3A_581, %swap3A_582, %swap3A_583] : memref<4x32x256x128xf32, #tpu.memory_space<vmem>>, vector<1x1x1x128xf32>
    %swap3A_585 = vector.shape_cast %swap3A_584 : vector<1x1x1x128xf32> to vector<1x128xf32>
    %swap3A_586 = vector.shape_cast %convert_element_type3A_579 : vector<1x128xf32> to vector<1x1x1x128xf32>
    tpu.vector_store %arg3[%swap3A_580, %swap3A_581, %swap3A_582, %swap3A_583], %swap3A_586 {strides = array<i32>} : memref<4x32x256x128xf32, #tpu.memory_space<vmem>>, vector<1x1x1x128xf32>,
    %get3A_587 = arith.index_cast %select_n3A_559 : i32 to index
    %get3A_588 = arith.constant 0 : index
    %get3A_589 = vector.load %arg4[%get3A_587, %get3A_588] : memref<256x128xf32, #tpu.memory_space<vmem>>, vector<1x128xf32>
    %eq3A_590 = vector.broadcast %select_n3A_575 : i32 to vector<1x128xi32>
    %eq3A_591 = arith.cmpi eq, %iota3A, %eq3A_590 : vector<1x128xi32>
    %jit3A_592 = arith.constant 0.000000e+00 : f32
    %broadcast_in_dim3A_593 = vector.broadcast %jit3A_592 : f32 to vector<1x128xf32>
    %select_n3A_594 = arith.select %eq3A_591, %broadcast_in_dim3A_593, %get3A_589 : vector<1x128xi1>, vector<1x128xf32>
    %swap3A_595 = arith.index_cast %select_n3A_559 : i32 to index
    %swap3A_596 = arith.constant 0 : index
    %swap3A_597 = vector.load %arg4[%swap3A_595, %swap3A_596] : memref<256x128xf32, #tpu.memory_space<vmem>>, vector<1x128xf32>
    tpu.vector_store %arg4[%swap3A_595, %swap3A_596], %select_n3A_594 {strides = array<i32>} : memref<256x128xf32, #tpu.memory_space<vmem>>, vector<1x128xf32>,
    %get3A_598 = arith.constant 0 : index
    %get3A_599 = arith.constant 0 : index
    %get3A_600 = arith.constant 9 : index
    %get3A_601 = memref.load %arg1[%get3A_598, %get3A_599, %get3A_600] : memref<1x1x32xi32, #tpu.memory_space<smem>>
    %jit3A_602 = arith.constant 128 : i32
    %div3A_603 = arith.divsi %get3A_601, %jit3A_602 : i32
    %sign3A_604 = arith.constant 0 : i32
    %sign3A_605 = arith.cmpi sgt, %get3A_601, %sign3A_604 : i32
    %sign3A_606 = arith.extui %sign3A_605 : i1 to i32
    %sign3A_607 = arith.constant 0 : i32
    %sign3A_608 = arith.cmpi slt, %get3A_601, %sign3A_607 : i32
    %sign3A_609 = arith.extui %sign3A_608 : i1 to i32
    %sign3A_610 = arith.subi %sign3A_606, %sign3A_609 : i32
    %sign3A_611 = arith.constant 0 : i32
    %sign3A_612 = arith.cmpi sgt, %jit3A_602, %sign3A_611 : i32
    %sign3A_613 = arith.extui %sign3A_612 : i1 to i32
    %sign3A_614 = arith.constant 0 : i32
    %sign3A_615 = arith.cmpi slt, %jit3A_602, %sign3A_614 : i32
    %sign3A_616 = arith.extui %sign3A_615 : i1 to i32
    %sign3A_617 = arith.subi %sign3A_613, %sign3A_616 : i32
    %ne3A_618 = arith.cmpi ne, %sign3A_610, %sign3A_617 : i32
    %rem3A_619 = arith.remsi %get3A_601, %jit3A_602 : i32
    %ne3A_620 = arith.constant 0 : i32
    %ne3A_621 = arith.cmpi ne, %rem3A_619, %ne3A_620 : i32
    %and3A_622 = arith.andi %ne3A_618, %ne3A_621 : i1
    %sub3A_623 = arith.constant 1 : i32
    %sub3A_624 = arith.subi %div3A_603, %sub3A_623 : i32
    %select_n3A_625 = arith.select %and3A_622, %sub3A_624, %div3A_603 : i32
    %jit3A_626 = arith.constant 128 : i32
    %eq3A_627 = arith.constant 0 : i32
    %eq3A_628 = arith.cmpi eq, %jit3A_626, %eq3A_627 : i32
    %jit3A_629 = arith.constant 1 : i32
    %select_n3A_630 = arith.select %eq3A_628, %jit3A_629, %jit3A_626 : i32
    %rem3A_631 = arith.remsi %get3A_601, %select_n3A_630 : i32
    %ne3A_632 = arith.constant 0 : i32
    %ne3A_633 = arith.cmpi ne, %rem3A_631, %ne3A_632 : i32
    %lt3A_634 = arith.constant 0 : i32
    %lt3A_635 = arith.cmpi slt, %rem3A_631, %lt3A_634 : i32
    %lt3A_636 = arith.constant 0 : i32
    %lt3A_637 = arith.cmpi slt, %select_n3A_630, %lt3A_636 : i32
    %ne3A_638 = arith.xori %lt3A_635, %lt3A_637 : i1
    %and3A_639 = arith.andi %ne3A_638, %ne3A_633 : i1
    %add3A_640 = arith.addi %rem3A_631, %select_n3A_630 : i32
    %select_n3A_641 = arith.select %and3A_639, %add3A_640, %rem3A_631 : i32
    %eq3A_642 = vector.broadcast %select_n3A_641 : i32 to vector<1x128xi32>
    %eq3A_643 = arith.cmpi eq, %iota3A, %eq3A_642 : vector<1x128xi32>
    %convert_element_type3A_644 = arith.extui %eq3A_643 : vector<1x128xi1> to vector<1x128xi32>
    %convert_element_type3A_645 = arith.sitofp %convert_element_type3A_644 : vector<1x128xi32> to vector<1x128xf32>
    %swap3A_646 = arith.index_cast %rem3A_0 : i32 to index
    %swap3A_647 = arith.constant 9 : index
    %swap3A_648 = arith.index_cast %select_n3A_625 : i32 to index
    %swap3A_649 = arith.constant 0 : index
    %swap3A_650 = vector.load %arg3[%swap3A_646, %swap3A_647, %swap3A_648, %swap3A_649] : memref<4x32x256x128xf32, #tpu.memory_space<vmem>>, vector<1x1x1x128xf32>
    %swap3A_651 = vector.shape_cast %swap3A_650 : vector<1x1x1x128xf32> to vector<1x128xf32>
    %swap3A_652 = vector.shape_cast %convert_element_type3A_645 : vector<1x128xf32> to vector<1x1x1x128xf32>
    tpu.vector_store %arg3[%swap3A_646, %swap3A_647, %swap3A_648, %swap3A_649], %swap3A_652 {strides = array<i32>} : memref<4x32x256x128xf32, #tpu.memory_space<vmem>>, vector<1x1x1x128xf32>,
    %get3A_653 = arith.index_cast %select_n3A_625 : i32 to index
    %get3A_654 = arith.constant 0 : index
    %get3A_655 = vector.load %arg4[%get3A_653, %get3A_654] : memref<256x128xf32, #tpu.memory_space<vmem>>, vector<1x128xf32>
    %eq3A_656 = vector.broadcast %select_n3A_641 : i32 to vector<1x128xi32>
    %eq3A_657 = arith.cmpi eq, %iota3A, %eq3A_656 : vector<1x128xi32>
    %jit3A_658 = arith.constant 0.000000e+00 : f32
    %broadcast_in_dim3A_659 = vector.broadcast %jit3A_658 : f32 to vector<1x128xf32>
    %select_n3A_660 = arith.select %eq3A_657, %broadcast_in_dim3A_659, %get3A_655 : vector<1x128xi1>, vector<1x128xf32>
    %swap3A_661 = arith.index_cast %select_n3A_625 : i32 to index
    %swap3A_662 = arith.constant 0 : index
    %swap3A_663 = vector.load %arg4[%swap3A_661, %swap3A_662] : memref<256x128xf32, #tpu.memory_space<vmem>>, vector<1x128xf32>
    tpu.vector_store %arg4[%swap3A_661, %swap3A_662], %select_n3A_660 {strides = array<i32>} : memref<256x128xf32, #tpu.memory_space<vmem>>, vector<1x128xf32>,
    %get3A_664 = arith.constant 0 : index
    %get3A_665 = arith.constant 0 : index
    %get3A_666 = arith.constant 10 : index
    %get3A_667 = memref.load %arg1[%get3A_664, %get3A_665, %get3A_666] : memref<1x1x32xi32, #tpu.memory_space<smem>>
    %jit3A_668 = arith.constant 128 : i32
    %div3A_669 = arith.divsi %get3A_667, %jit3A_668 : i32
    %sign3A_670 = arith.constant 0 : i32
    %sign3A_671 = arith.cmpi sgt, %get3A_667, %sign3A_670 : i32
    %sign3A_672 = arith.extui %sign3A_671 : i1 to i32
    %sign3A_673 = arith.constant 0 : i32
    %sign3A_674 = arith.cmpi slt, %get3A_667, %sign3A_673 : i32
    %sign3A_675 = arith.extui %sign3A_674 : i1 to i32
    %sign3A_676 = arith.subi %sign3A_672, %sign3A_675 : i32
    %sign3A_677 = arith.constant 0 : i32
    %sign3A_678 = arith.cmpi sgt, %jit3A_668, %sign3A_677 : i32
    %sign3A_679 = arith.extui %sign3A_678 : i1 to i32
    %sign3A_680 = arith.constant 0 : i32
    %sign3A_681 = arith.cmpi slt, %jit3A_668, %sign3A_680 : i32
    %sign3A_682 = arith.extui %sign3A_681 : i1 to i32
    %sign3A_683 = arith.subi %sign3A_679, %sign3A_682 : i32
    %ne3A_684 = arith.cmpi ne, %sign3A_676, %sign3A_683 : i32
    %rem3A_685 = arith.remsi %get3A_667, %jit3A_668 : i32
    %ne3A_686 = arith.constant 0 : i32
    %ne3A_687 = arith.cmpi ne, %rem3A_685, %ne3A_686 : i32
    %and3A_688 = arith.andi %ne3A_684, %ne3A_687 : i1
    %sub3A_689 = arith.constant 1 : i32
    %sub3A_690 = arith.subi %div3A_669, %sub3A_689 : i32
    %select_n3A_691 = arith.select %and3A_688, %sub3A_690, %div3A_669 : i32
    %jit3A_692 = arith.constant 128 : i32
    %eq3A_693 = arith.constant 0 : i32
    %eq3A_694 = arith.cmpi eq, %jit3A_692, %eq3A_693 : i32
    %jit3A_695 = arith.constant 1 : i32
    %select_n3A_696 = arith.select %eq3A_694, %jit3A_695, %jit3A_692 : i32
    %rem3A_697 = arith.remsi %get3A_667, %select_n3A_696 : i32
    %ne3A_698 = arith.constant 0 : i32
    %ne3A_699 = arith.cmpi ne, %rem3A_697, %ne3A_698 : i32
    %lt3A_700 = arith.constant 0 : i32
    %lt3A_701 = arith.cmpi slt, %rem3A_697, %lt3A_700 : i32
    %lt3A_702 = arith.constant 0 : i32
    %lt3A_703 = arith.cmpi slt, %select_n3A_696, %lt3A_702 : i32
    %ne3A_704 = arith.xori %lt3A_701, %lt3A_703 : i1
    %and3A_705 = arith.andi %ne3A_704, %ne3A_699 : i1
    %add3A_706 = arith.addi %rem3A_697, %select_n3A_696 : i32
    %select_n3A_707 = arith.select %and3A_705, %add3A_706, %rem3A_697 : i32
    %eq3A_708 = vector.broadcast %select_n3A_707 : i32 to vector<1x128xi32>
    %eq3A_709 = arith.cmpi eq, %iota3A, %eq3A_708 : vector<1x128xi32>
    %convert_element_type3A_710 = arith.extui %eq3A_709 : vector<1x128xi1> to vector<1x128xi32>
    %convert_element_type3A_711 = arith.sitofp %convert_element_type3A_710 : vector<1x128xi32> to vector<1x128xf32>
    %swap3A_712 = arith.index_cast %rem3A_0 : i32 to index
    %swap3A_713 = arith.constant 10 : index
    %swap3A_714 = arith.index_cast %select_n3A_691 : i32 to index
    %swap3A_715 = arith.constant 0 : index
    %swap3A_716 = vector.load %arg3[%swap3A_712, %swap3A_713, %swap3A_714, %swap3A_715] : memref<4x32x256x128xf32, #tpu.memory_space<vmem>>, vector<1x1x1x128xf32>
    %swap3A_717 = vector.shape_cast %swap3A_716 : vector<1x1x1x128xf32> to vector<1x128xf32>
    %swap3A_718 = vector.shape_cast %convert_element_type3A_711 : vector<1x128xf32> to vector<1x1x1x128xf32>
    tpu.vector_store %arg3[%swap3A_712, %swap3A_713, %swap3A_714, %swap3A_715], %swap3A_718 {strides = array<i32>} : memref<4x32x256x128xf32, #tpu.memory_space<vmem>>, vector<1x1x1x128xf32>,
    %get3A_719 = arith.index_cast %select_n3A_691 : i32 to index
    %get3A_720 = arith.constant 0 : index
    %get3A_721 = vector.load %arg4[%get3A_719, %get3A_720] : memref<256x128xf32, #tpu.memory_space<vmem>>, vector<1x128xf32>
    %eq3A_722 = vector.broadcast %select_n3A_707 : i32 to vector<1x128xi32>
    %eq3A_723 = arith.cmpi eq, %iota3A, %eq3A_722 : vector<1x128xi32>
    %jit3A_724 = arith.constant 0.000000e+00 : f32
    %broadcast_in_dim3A_725 = vector.broadcast %jit3A_724 : f32 to vector<1x128xf32>
    %select_n3A_726 = arith.select %eq3A_723, %broadcast_in_dim3A_725, %get3A_721 : vector<1x128xi1>, vector<1x128xf32>
    %swap3A_727 = arith.index_cast %select_n3A_691 : i32 to index
    %swap3A_728 = arith.constant 0 : index
    %swap3A_729 = vector.load %arg4[%swap3A_727, %swap3A_728] : memref<256x128xf32, #tpu.memory_space<vmem>>, vector<1x128xf32>
    tpu.vector_store %arg4[%swap3A_727, %swap3A_728], %select_n3A_726 {strides = array<i32>} : memref<256x128xf32, #tpu.memory_space<vmem>>, vector<1x128xf32>,
    %get3A_730 = arith.constant 0 : index
    %get3A_731 = arith.constant 0 : index
    %get3A_732 = arith.constant 11 : index
    %get3A_733 = memref.load %arg1[%get3A_730, %get3A_731, %get3A_732] : memref<1x1x32xi32, #tpu.memory_space<smem>>
    %jit3A_734 = arith.constant 128 : i32
    %div3A_735 = arith.divsi %get3A_733, %jit3A_734 : i32
    %sign3A_736 = arith.constant 0 : i32
    %sign3A_737 = arith.cmpi sgt, %get3A_733, %sign3A_736 : i32
    %sign3A_738 = arith.extui %sign3A_737 : i1 to i32
    %sign3A_739 = arith.constant 0 : i32
    %sign3A_740 = arith.cmpi slt, %get3A_733, %sign3A_739 : i32
    %sign3A_741 = arith.extui %sign3A_740 : i1 to i32
    %sign3A_742 = arith.subi %sign3A_738, %sign3A_741 : i32
    %sign3A_743 = arith.constant 0 : i32
    %sign3A_744 = arith.cmpi sgt, %jit3A_734, %sign3A_743 : i32
    %sign3A_745 = arith.extui %sign3A_744 : i1 to i32
    %sign3A_746 = arith.constant 0 : i32
    %sign3A_747 = arith.cmpi slt, %jit3A_734, %sign3A_746 : i32
    %sign3A_748 = arith.extui %sign3A_747 : i1 to i32
    %sign3A_749 = arith.subi %sign3A_745, %sign3A_748 : i32
    %ne3A_750 = arith.cmpi ne, %sign3A_742, %sign3A_749 : i32
    %rem3A_751 = arith.remsi %get3A_733, %jit3A_734 : i32
    %ne3A_752 = arith.constant 0 : i32
    %ne3A_753 = arith.cmpi ne, %rem3A_751, %ne3A_752 : i32
    %and3A_754 = arith.andi %ne3A_750, %ne3A_753 : i1
    %sub3A_755 = arith.constant 1 : i32
    %sub3A_756 = arith.subi %div3A_735, %sub3A_755 : i32
    %select_n3A_757 = arith.select %and3A_754, %sub3A_756, %div3A_735 : i32
    %jit3A_758 = arith.constant 128 : i32
    %eq3A_759 = arith.constant 0 : i32
    %eq3A_760 = arith.cmpi eq, %jit3A_758, %eq3A_759 : i32
    %jit3A_761 = arith.constant 1 : i32
    %select_n3A_762 = arith.select %eq3A_760, %jit3A_761, %jit3A_758 : i32
    %rem3A_763 = arith.remsi %get3A_733, %select_n3A_762 : i32
    %ne3A_764 = arith.constant 0 : i32
    %ne3A_765 = arith.cmpi ne, %rem3A_763, %ne3A_764 : i32
    %lt3A_766 = arith.constant 0 : i32
    %lt3A_767 = arith.cmpi slt, %rem3A_763, %lt3A_766 : i32
    %lt3A_768 = arith.constant 0 : i32
    %lt3A_769 = arith.cmpi slt, %select_n3A_762, %lt3A_768 : i32
    %ne3A_770 = arith.xori %lt3A_767, %lt3A_769 : i1
    %and3A_771 = arith.andi %ne3A_770, %ne3A_765 : i1
    %add3A_772 = arith.addi %rem3A_763, %select_n3A_762 : i32
    %select_n3A_773 = arith.select %and3A_771, %add3A_772, %rem3A_763 : i32
    %eq3A_774 = vector.broadcast %select_n3A_773 : i32 to vector<1x128xi32>
    %eq3A_775 = arith.cmpi eq, %iota3A, %eq3A_774 : vector<1x128xi32>
    %convert_element_type3A_776 = arith.extui %eq3A_775 : vector<1x128xi1> to vector<1x128xi32>
    %convert_element_type3A_777 = arith.sitofp %convert_element_type3A_776 : vector<1x128xi32> to vector<1x128xf32>
    %swap3A_778 = arith.index_cast %rem3A_0 : i32 to index
    %swap3A_779 = arith.constant 11 : index
    %swap3A_780 = arith.index_cast %select_n3A_757 : i32 to index
    %swap3A_781 = arith.constant 0 : index
    %swap3A_782 = vector.load %arg3[%swap3A_778, %swap3A_779, %swap3A_780, %swap3A_781] : memref<4x32x256x128xf32, #tpu.memory_space<vmem>>, vector<1x1x1x128xf32>
    %swap3A_783 = vector.shape_cast %swap3A_782 : vector<1x1x1x128xf32> to vector<1x128xf32>
    %swap3A_784 = vector.shape_cast %convert_element_type3A_777 : vector<1x128xf32> to vector<1x1x1x128xf32>
    tpu.vector_store %arg3[%swap3A_778, %swap3A_779, %swap3A_780, %swap3A_781], %swap3A_784 {strides = array<i32>} : memref<4x32x256x128xf32, #tpu.memory_space<vmem>>, vector<1x1x1x128xf32>,
    %get3A_785 = arith.index_cast %select_n3A_757 : i32 to index
    %get3A_786 = arith.constant 0 : index
    %get3A_787 = vector.load %arg4[%get3A_785, %get3A_786] : memref<256x128xf32, #tpu.memory_space<vmem>>, vector<1x128xf32>
    %eq3A_788 = vector.broadcast %select_n3A_773 : i32 to vector<1x128xi32>
    %eq3A_789 = arith.cmpi eq, %iota3A, %eq3A_788 : vector<1x128xi32>
    %jit3A_790 = arith.constant 0.000000e+00 : f32
    %broadcast_in_dim3A_791 = vector.broadcast %jit3A_790 : f32 to vector<1x128xf32>
    %select_n3A_792 = arith.select %eq3A_789, %broadcast_in_dim3A_791, %get3A_787 : vector<1x128xi1>, vector<1x128xf32>
    %swap3A_793 = arith.index_cast %select_n3A_757 : i32 to index
    %swap3A_794 = arith.constant 0 : index
    %swap3A_795 = vector.load %arg4[%swap3A_793, %swap3A_794] : memref<256x128xf32, #tpu.memory_space<vmem>>, vector<1x128xf32>
    tpu.vector_store %arg4[%swap3A_793, %swap3A_794], %select_n3A_792 {strides = array<i32>} : memref<256x128xf32, #tpu.memory_space<vmem>>, vector<1x128xf32>,
    %get3A_796 = arith.constant 0 : index
    %get3A_797 = arith.constant 0 : index
    %get3A_798 = arith.constant 12 : index
    %get3A_799 = memref.load %arg1[%get3A_796, %get3A_797, %get3A_798] : memref<1x1x32xi32, #tpu.memory_space<smem>>
    %jit3A_800 = arith.constant 128 : i32
    %div3A_801 = arith.divsi %get3A_799, %jit3A_800 : i32
    %sign3A_802 = arith.constant 0 : i32
    %sign3A_803 = arith.cmpi sgt, %get3A_799, %sign3A_802 : i32
    %sign3A_804 = arith.extui %sign3A_803 : i1 to i32
    %sign3A_805 = arith.constant 0 : i32
    %sign3A_806 = arith.cmpi slt, %get3A_799, %sign3A_805 : i32
    %sign3A_807 = arith.extui %sign3A_806 : i1 to i32
    %sign3A_808 = arith.subi %sign3A_804, %sign3A_807 : i32
    %sign3A_809 = arith.constant 0 : i32
    %sign3A_810 = arith.cmpi sgt, %jit3A_800, %sign3A_809 : i32
    %sign3A_811 = arith.extui %sign3A_810 : i1 to i32
    %sign3A_812 = arith.constant 0 : i32
    %sign3A_813 = arith.cmpi slt, %jit3A_800, %sign3A_812 : i32
    %sign3A_814 = arith.extui %sign3A_813 : i1 to i32
    %sign3A_815 = arith.subi %sign3A_811, %sign3A_814 : i32
    %ne3A_816 = arith.cmpi ne, %sign3A_808, %sign3A_815 : i32
    %rem3A_817 = arith.remsi %get3A_799, %jit3A_800 : i32
    %ne3A_818 = arith.constant 0 : i32
    %ne3A_819 = arith.cmpi ne, %rem3A_817, %ne3A_818 : i32
    %and3A_820 = arith.andi %ne3A_816, %ne3A_819 : i1
    %sub3A_821 = arith.constant 1 : i32
    %sub3A_822 = arith.subi %div3A_801, %sub3A_821 : i32
    %select_n3A_823 = arith.select %and3A_820, %sub3A_822, %div3A_801 : i32
    %jit3A_824 = arith.constant 128 : i32
    %eq3A_825 = arith.constant 0 : i32
    %eq3A_826 = arith.cmpi eq, %jit3A_824, %eq3A_825 : i32
    %jit3A_827 = arith.constant 1 : i32
    %select_n3A_828 = arith.select %eq3A_826, %jit3A_827, %jit3A_824 : i32
    %rem3A_829 = arith.remsi %get3A_799, %select_n3A_828 : i32
    %ne3A_830 = arith.constant 0 : i32
    %ne3A_831 = arith.cmpi ne, %rem3A_829, %ne3A_830 : i32
    %lt3A_832 = arith.constant 0 : i32
    %lt3A_833 = arith.cmpi slt, %rem3A_829, %lt3A_832 : i32
    %lt3A_834 = arith.constant 0 : i32
    %lt3A_835 = arith.cmpi slt, %select_n3A_828, %lt3A_834 : i32
    %ne3A_836 = arith.xori %lt3A_833, %lt3A_835 : i1
    %and3A_837 = arith.andi %ne3A_836, %ne3A_831 : i1
    %add3A_838 = arith.addi %rem3A_829, %select_n3A_828 : i32
    %select_n3A_839 = arith.select %and3A_837, %add3A_838, %rem3A_829 : i32
    %eq3A_840 = vector.broadcast %select_n3A_839 : i32 to vector<1x128xi32>
    %eq3A_841 = arith.cmpi eq, %iota3A, %eq3A_840 : vector<1x128xi32>
    %convert_element_type3A_842 = arith.extui %eq3A_841 : vector<1x128xi1> to vector<1x128xi32>
    %convert_element_type3A_843 = arith.sitofp %convert_element_type3A_842 : vector<1x128xi32> to vector<1x128xf32>
    %swap3A_844 = arith.index_cast %rem3A_0 : i32 to index
    %swap3A_845 = arith.constant 12 : index
    %swap3A_846 = arith.index_cast %select_n3A_823 : i32 to index
    %swap3A_847 = arith.constant 0 : index
    %swap3A_848 = vector.load %arg3[%swap3A_844, %swap3A_845, %swap3A_846, %swap3A_847] : memref<4x32x256x128xf32, #tpu.memory_space<vmem>>, vector<1x1x1x128xf32>
    %swap3A_849 = vector.shape_cast %swap3A_848 : vector<1x1x1x128xf32> to vector<1x128xf32>
    %swap3A_850 = vector.shape_cast %convert_element_type3A_843 : vector<1x128xf32> to vector<1x1x1x128xf32>
    tpu.vector_store %arg3[%swap3A_844, %swap3A_845, %swap3A_846, %swap3A_847], %swap3A_850 {strides = array<i32>} : memref<4x32x256x128xf32, #tpu.memory_space<vmem>>, vector<1x1x1x128xf32>,
    %get3A_851 = arith.index_cast %select_n3A_823 : i32 to index
    %get3A_852 = arith.constant 0 : index
    %get3A_853 = vector.load %arg4[%get3A_851, %get3A_852] : memref<256x128xf32, #tpu.memory_space<vmem>>, vector<1x128xf32>
    %eq3A_854 = vector.broadcast %select_n3A_839 : i32 to vector<1x128xi32>
    %eq3A_855 = arith.cmpi eq, %iota3A, %eq3A_854 : vector<1x128xi32>
    %jit3A_856 = arith.constant 0.000000e+00 : f32
    %broadcast_in_dim3A_857 = vector.broadcast %jit3A_856 : f32 to vector<1x128xf32>
    %select_n3A_858 = arith.select %eq3A_855, %broadcast_in_dim3A_857, %get3A_853 : vector<1x128xi1>, vector<1x128xf32>
    %swap3A_859 = arith.index_cast %select_n3A_823 : i32 to index
    %swap3A_860 = arith.constant 0 : index
    %swap3A_861 = vector.load %arg4[%swap3A_859, %swap3A_860] : memref<256x128xf32, #tpu.memory_space<vmem>>, vector<1x128xf32>
    tpu.vector_store %arg4[%swap3A_859, %swap3A_860], %select_n3A_858 {strides = array<i32>} : memref<256x128xf32, #tpu.memory_space<vmem>>, vector<1x128xf32>,
    %get3A_862 = arith.constant 0 : index
    %get3A_863 = arith.constant 0 : index
    %get3A_864 = arith.constant 13 : index
    %get3A_865 = memref.load %arg1[%get3A_862, %get3A_863, %get3A_864] : memref<1x1x32xi32, #tpu.memory_space<smem>>
    %jit3A_866 = arith.constant 128 : i32
    %div3A_867 = arith.divsi %get3A_865, %jit3A_866 : i32
    %sign3A_868 = arith.constant 0 : i32
    %sign3A_869 = arith.cmpi sgt, %get3A_865, %sign3A_868 : i32
    %sign3A_870 = arith.extui %sign3A_869 : i1 to i32
    %sign3A_871 = arith.constant 0 : i32
    %sign3A_872 = arith.cmpi slt, %get3A_865, %sign3A_871 : i32
    %sign3A_873 = arith.extui %sign3A_872 : i1 to i32
    %sign3A_874 = arith.subi %sign3A_870, %sign3A_873 : i32
    %sign3A_875 = arith.constant 0 : i32
    %sign3A_876 = arith.cmpi sgt, %jit3A_866, %sign3A_875 : i32
    %sign3A_877 = arith.extui %sign3A_876 : i1 to i32
    %sign3A_878 = arith.constant 0 : i32
    %sign3A_879 = arith.cmpi slt, %jit3A_866, %sign3A_878 : i32
    %sign3A_880 = arith.extui %sign3A_879 : i1 to i32
    %sign3A_881 = arith.subi %sign3A_877, %sign3A_880 : i32
    %ne3A_882 = arith.cmpi ne, %sign3A_874, %sign3A_881 : i32
    %rem3A_883 = arith.remsi %get3A_865, %jit3A_866 : i32
    %ne3A_884 = arith.constant 0 : i32
    %ne3A_885 = arith.cmpi ne, %rem3A_883, %ne3A_884 : i32
    %and3A_886 = arith.andi %ne3A_882, %ne3A_885 : i1
    %sub3A_887 = arith.constant 1 : i32
    %sub3A_888 = arith.subi %div3A_867, %sub3A_887 : i32
    %select_n3A_889 = arith.select %and3A_886, %sub3A_888, %div3A_867 : i32
    %jit3A_890 = arith.constant 128 : i32
    %eq3A_891 = arith.constant 0 : i32
    %eq3A_892 = arith.cmpi eq, %jit3A_890, %eq3A_891 : i32
    %jit3A_893 = arith.constant 1 : i32
    %select_n3A_894 = arith.select %eq3A_892, %jit3A_893, %jit3A_890 : i32
    %rem3A_895 = arith.remsi %get3A_865, %select_n3A_894 : i32
    %ne3A_896 = arith.constant 0 : i32
    %ne3A_897 = arith.cmpi ne, %rem3A_895, %ne3A_896 : i32
    %lt3A_898 = arith.constant 0 : i32
    %lt3A_899 = arith.cmpi slt, %rem3A_895, %lt3A_898 : i32
    %lt3A_900 = arith.constant 0 : i32
    %lt3A_901 = arith.cmpi slt, %select_n3A_894, %lt3A_900 : i32
    %ne3A_902 = arith.xori %lt3A_899, %lt3A_901 : i1
    %and3A_903 = arith.andi %ne3A_902, %ne3A_897 : i1
    %add3A_904 = arith.addi %rem3A_895, %select_n3A_894 : i32
    %select_n3A_905 = arith.select %and3A_903, %add3A_904, %rem3A_895 : i32
    %eq3A_906 = vector.broadcast %select_n3A_905 : i32 to vector<1x128xi32>
    %eq3A_907 = arith.cmpi eq, %iota3A, %eq3A_906 : vector<1x128xi32>
    %convert_element_type3A_908 = arith.extui %eq3A_907 : vector<1x128xi1> to vector<1x128xi32>
    %convert_element_type3A_909 = arith.sitofp %convert_element_type3A_908 : vector<1x128xi32> to vector<1x128xf32>
    %swap3A_910 = arith.index_cast %rem3A_0 : i32 to index
    %swap3A_911 = arith.constant 13 : index
    %swap3A_912 = arith.index_cast %select_n3A_889 : i32 to index
    %swap3A_913 = arith.constant 0 : index
    %swap3A_914 = vector.load %arg3[%swap3A_910, %swap3A_911, %swap3A_912, %swap3A_913] : memref<4x32x256x128xf32, #tpu.memory_space<vmem>>, vector<1x1x1x128xf32>
    %swap3A_915 = vector.shape_cast %swap3A_914 : vector<1x1x1x128xf32> to vector<1x128xf32>
    %swap3A_916 = vector.shape_cast %convert_element_type3A_909 : vector<1x128xf32> to vector<1x1x1x128xf32>
    tpu.vector_store %arg3[%swap3A_910, %swap3A_911, %swap3A_912, %swap3A_913], %swap3A_916 {strides = array<i32>} : memref<4x32x256x128xf32, #tpu.memory_space<vmem>>, vector<1x1x1x128xf32>,
    %get3A_917 = arith.index_cast %select_n3A_889 : i32 to index
    %get3A_918 = arith.constant 0 : index
    %get3A_919 = vector.load %arg4[%get3A_917, %get3A_918] : memref<256x128xf32, #tpu.memory_space<vmem>>, vector<1x128xf32>
    %eq3A_920 = vector.broadcast %select_n3A_905 : i32 to vector<1x128xi32>
    %eq3A_921 = arith.cmpi eq, %iota3A, %eq3A_920 : vector<1x128xi32>
    %jit3A_922 = arith.constant 0.000000e+00 : f32
    %broadcast_in_dim3A_923 = vector.broadcast %jit3A_922 : f32 to vector<1x128xf32>
    %select_n3A_924 = arith.select %eq3A_921, %broadcast_in_dim3A_923, %get3A_919 : vector<1x128xi1>, vector<1x128xf32>
    %swap3A_925 = arith.index_cast %select_n3A_889 : i32 to index
    %swap3A_926 = arith.constant 0 : index
    %swap3A_927 = vector.load %arg4[%swap3A_925, %swap3A_926] : memref<256x128xf32, #tpu.memory_space<vmem>>, vector<1x128xf32>
    tpu.vector_store %arg4[%swap3A_925, %swap3A_926], %select_n3A_924 {strides = array<i32>} : memref<256x128xf32, #tpu.memory_space<vmem>>, vector<1x128xf32>,
    %get3A_928 = arith.constant 0 : index
    %get3A_929 = arith.constant 0 : index
    %get3A_930 = arith.constant 14 : index
    %get3A_931 = memref.load %arg1[%get3A_928, %get3A_929, %get3A_930] : memref<1x1x32xi32, #tpu.memory_space<smem>>
    %jit3A_932 = arith.constant 128 : i32
    %div3A_933 = arith.divsi %get3A_931, %jit3A_932 : i32
    %sign3A_934 = arith.constant 0 : i32
    %sign3A_935 = arith.cmpi sgt, %get3A_931, %sign3A_934 : i32
    %sign3A_936 = arith.extui %sign3A_935 : i1 to i32
    %sign3A_937 = arith.constant 0 : i32
    %sign3A_938 = arith.cmpi slt, %get3A_931, %sign3A_937 : i32
    %sign3A_939 = arith.extui %sign3A_938 : i1 to i32
    %sign3A_940 = arith.subi %sign3A_936, %sign3A_939 : i32
    %sign3A_941 = arith.constant 0 : i32
    %sign3A_942 = arith.cmpi sgt, %jit3A_932, %sign3A_941 : i32
    %sign3A_943 = arith.extui %sign3A_942 : i1 to i32
    %sign3A_944 = arith.constant 0 : i32
    %sign3A_945 = arith.cmpi slt, %jit3A_932, %sign3A_944 : i32
    %sign3A_946 = arith.extui %sign3A_945 : i1 to i32
    %sign3A_947 = arith.subi %sign3A_943, %sign3A_946 : i32
    %ne3A_948 = arith.cmpi ne, %sign3A_940, %sign3A_947 : i32
    %rem3A_949 = arith.remsi %get3A_931, %jit3A_932 : i32
    %ne3A_950 = arith.constant 0 : i32
    %ne3A_951 = arith.cmpi ne, %rem3A_949, %ne3A_950 : i32
    %and3A_952 = arith.andi %ne3A_948, %ne3A_951 : i1
    %sub3A_953 = arith.constant 1 : i32
    %sub3A_954 = arith.subi %div3A_933, %sub3A_953 : i32
    %select_n3A_955 = arith.select %and3A_952, %sub3A_954, %div3A_933 : i32
    %jit3A_956 = arith.constant 128 : i32
    %eq3A_957 = arith.constant 0 : i32
    %eq3A_958 = arith.cmpi eq, %jit3A_956, %eq3A_957 : i32
    %jit3A_959 = arith.constant 1 : i32
    %select_n3A_960 = arith.select %eq3A_958, %jit3A_959, %jit3A_956 : i32
    %rem3A_961 = arith.remsi %get3A_931, %select_n3A_960 : i32
    %ne3A_962 = arith.constant 0 : i32
    %ne3A_963 = arith.cmpi ne, %rem3A_961, %ne3A_962 : i32
    %lt3A_964 = arith.constant 0 : i32
    %lt3A_965 = arith.cmpi slt, %rem3A_961, %lt3A_964 : i32
    %lt3A_966 = arith.constant 0 : i32
    %lt3A_967 = arith.cmpi slt, %select_n3A_960, %lt3A_966 : i32
    %ne3A_968 = arith.xori %lt3A_965, %lt3A_967 : i1
    %and3A_969 = arith.andi %ne3A_968, %ne3A_963 : i1
    %add3A_970 = arith.addi %rem3A_961, %select_n3A_960 : i32
    %select_n3A_971 = arith.select %and3A_969, %add3A_970, %rem3A_961 : i32
    %eq3A_972 = vector.broadcast %select_n3A_971 : i32 to vector<1x128xi32>
    %eq3A_973 = arith.cmpi eq, %iota3A, %eq3A_972 : vector<1x128xi32>
    %convert_element_type3A_974 = arith.extui %eq3A_973 : vector<1x128xi1> to vector<1x128xi32>
    %convert_element_type3A_975 = arith.sitofp %convert_element_type3A_974 : vector<1x128xi32> to vector<1x128xf32>
    %swap3A_976 = arith.index_cast %rem3A_0 : i32 to index
    %swap3A_977 = arith.constant 14 : index
    %swap3A_978 = arith.index_cast %select_n3A_955 : i32 to index
    %swap3A_979 = arith.constant 0 : index
    %swap3A_980 = vector.load %arg3[%swap3A_976, %swap3A_977, %swap3A_978, %swap3A_979] : memref<4x32x256x128xf32, #tpu.memory_space<vmem>>, vector<1x1x1x128xf32>
    %swap3A_981 = vector.shape_cast %swap3A_980 : vector<1x1x1x128xf32> to vector<1x128xf32>
    %swap3A_982 = vector.shape_cast %convert_element_type3A_975 : vector<1x128xf32> to vector<1x1x1x128xf32>
    tpu.vector_store %arg3[%swap3A_976, %swap3A_977, %swap3A_978, %swap3A_979], %swap3A_982 {strides = array<i32>} : memref<4x32x256x128xf32, #tpu.memory_space<vmem>>, vector<1x1x1x128xf32>,
    %get3A_983 = arith.index_cast %select_n3A_955 : i32 to index
    %get3A_984 = arith.constant 0 : index
    %get3A_985 = vector.load %arg4[%get3A_983, %get3A_984] : memref<256x128xf32, #tpu.memory_space<vmem>>, vector<1x128xf32>
    %eq3A_986 = vector.broadcast %select_n3A_971 : i32 to vector<1x128xi32>
    %eq3A_987 = arith.cmpi eq, %iota3A, %eq3A_986 : vector<1x128xi32>
    %jit3A_988 = arith.constant 0.000000e+00 : f32
    %broadcast_in_dim3A_989 = vector.broadcast %jit3A_988 : f32 to vector<1x128xf32>
    %select_n3A_990 = arith.select %eq3A_987, %broadcast_in_dim3A_989, %get3A_985 : vector<1x128xi1>, vector<1x128xf32>
    %swap3A_991 = arith.index_cast %select_n3A_955 : i32 to index
    %swap3A_992 = arith.constant 0 : index
    %swap3A_993 = vector.load %arg4[%swap3A_991, %swap3A_992] : memref<256x128xf32, #tpu.memory_space<vmem>>, vector<1x128xf32>
    tpu.vector_store %arg4[%swap3A_991, %swap3A_992], %select_n3A_990 {strides = array<i32>} : memref<256x128xf32, #tpu.memory_space<vmem>>, vector<1x128xf32>,
    %get3A_994 = arith.constant 0 : index
    %get3A_995 = arith.constant 0 : index
    %get3A_996 = arith.constant 15 : index
    %get3A_997 = memref.load %arg1[%get3A_994, %get3A_995, %get3A_996] : memref<1x1x32xi32, #tpu.memory_space<smem>>
    %jit3A_998 = arith.constant 128 : i32
    %div3A_999 = arith.divsi %get3A_997, %jit3A_998 : i32
    %sign3A_1000 = arith.constant 0 : i32
    %sign3A_1001 = arith.cmpi sgt, %get3A_997, %sign3A_1000 : i32
    %sign3A_1002 = arith.extui %sign3A_1001 : i1 to i32
    %sign3A_1003 = arith.constant 0 : i32
    %sign3A_1004 = arith.cmpi slt, %get3A_997, %sign3A_1003 : i32
    %sign3A_1005 = arith.extui %sign3A_1004 : i1 to i32
    %sign3A_1006 = arith.subi %sign3A_1002, %sign3A_1005 : i32
    %sign3A_1007 = arith.constant 0 : i32
    %sign3A_1008 = arith.cmpi sgt, %jit3A_998, %sign3A_1007 : i32
    %sign3A_1009 = arith.extui %sign3A_1008 : i1 to i32
    %sign3A_1010 = arith.constant 0 : i32
    %sign3A_1011 = arith.cmpi slt, %jit3A_998, %sign3A_1010 : i32
    %sign3A_1012 = arith.extui %sign3A_1011 : i1 to i32
    %sign3A_1013 = arith.subi %sign3A_1009, %sign3A_1012 : i32
    %ne3A_1014 = arith.cmpi ne, %sign3A_1006, %sign3A_1013 : i32
    %rem3A_1015 = arith.remsi %get3A_997, %jit3A_998 : i32
    %ne3A_1016 = arith.constant 0 : i32
    %ne3A_1017 = arith.cmpi ne, %rem3A_1015, %ne3A_1016 : i32
    %and3A_1018 = arith.andi %ne3A_1014, %ne3A_1017 : i1
    %sub3A_1019 = arith.constant 1 : i32
    %sub3A_1020 = arith.subi %div3A_999, %sub3A_1019 : i32
    %select_n3A_1021 = arith.select %and3A_1018, %sub3A_1020, %div3A_999 : i32
    %jit3A_1022 = arith.constant 128 : i32
    %eq3A_1023 = arith.constant 0 : i32
    %eq3A_1024 = arith.cmpi eq, %jit3A_1022, %eq3A_1023 : i32
    %jit3A_1025 = arith.constant 1 : i32
    %select_n3A_1026 = arith.select %eq3A_1024, %jit3A_1025, %jit3A_1022 : i32
    %rem3A_1027 = arith.remsi %get3A_997, %select_n3A_1026 : i32
    %ne3A_1028 = arith.constant 0 : i32
    %ne3A_1029 = arith.cmpi ne, %rem3A_1027, %ne3A_1028 : i32
    %lt3A_1030 = arith.constant 0 : i32
    %lt3A_1031 = arith.cmpi slt, %rem3A_1027, %lt3A_1030 : i32
    %lt3A_1032 = arith.constant 0 : i32
    %lt3A_1033 = arith.cmpi slt, %select_n3A_1026, %lt3A_1032 : i32
    %ne3A_1034 = arith.xori %lt3A_1031, %lt3A_1033 : i1
    %and3A_1035 = arith.andi %ne3A_1034, %ne3A_1029 : i1
    %add3A_1036 = arith.addi %rem3A_1027, %select_n3A_1026 : i32
    %select_n3A_1037 = arith.select %and3A_1035, %add3A_1036, %rem3A_1027 : i32
    %eq3A_1038 = vector.broadcast %select_n3A_1037 : i32 to vector<1x128xi32>
    %eq3A_1039 = arith.cmpi eq, %iota3A, %eq3A_1038 : vector<1x128xi32>
    %convert_element_type3A_1040 = arith.extui %eq3A_1039 : vector<1x128xi1> to vector<1x128xi32>
    %convert_element_type3A_1041 = arith.sitofp %convert_element_type3A_1040 : vector<1x128xi32> to vector<1x128xf32>
    %swap3A_1042 = arith.index_cast %rem3A_0 : i32 to index
    %swap3A_1043 = arith.constant 15 : index
    %swap3A_1044 = arith.index_cast %select_n3A_1021 : i32 to index
    %swap3A_1045 = arith.constant 0 : index
    %swap3A_1046 = vector.load %arg3[%swap3A_1042, %swap3A_1043, %swap3A_1044, %swap3A_1045] : memref<4x32x256x128xf32, #tpu.memory_space<vmem>>, vector<1x1x1x128xf32>
    %swap3A_1047 = vector.shape_cast %swap3A_1046 : vector<1x1x1x128xf32> to vector<1x128xf32>
    %swap3A_1048 = vector.shape_cast %convert_element_type3A_1041 : vector<1x128xf32> to vector<1x1x1x128xf32>
    tpu.vector_store %arg3[%swap3A_1042, %swap3A_1043, %swap3A_1044, %swap3A_1045], %swap3A_1048 {strides = array<i32>} : memref<4x32x256x128xf32, #tpu.memory_space<vmem>>, vector<1x1x1x128xf32>,
    %get3A_1049 = arith.index_cast %select_n3A_1021 : i32 to index
    %get3A_1050 = arith.constant 0 : index
    %get3A_1051 = vector.load %arg4[%get3A_1049, %get3A_1050] : memref<256x128xf32, #tpu.memory_space<vmem>>, vector<1x128xf32>
    %eq3A_1052 = vector.broadcast %select_n3A_1037 : i32 to vector<1x128xi32>
    %eq3A_1053 = arith.cmpi eq, %iota3A, %eq3A_1052 : vector<1x128xi32>
    %jit3A_1054 = arith.constant 0.000000e+00 : f32
    %broadcast_in_dim3A_1055 = vector.broadcast %jit3A_1054 : f32 to vector<1x128xf32>
    %select_n3A_1056 = arith.select %eq3A_1053, %broadcast_in_dim3A_1055, %get3A_1051 : vector<1x128xi1>, vector<1x128xf32>
    %swap3A_1057 = arith.index_cast %select_n3A_1021 : i32 to index
    %swap3A_1058 = arith.constant 0 : index
    %swap3A_1059 = vector.load %arg4[%swap3A_1057, %swap3A_1058] : memref<256x128xf32, #tpu.memory_space<vmem>>, vector<1x128xf32>
    tpu.vector_store %arg4[%swap3A_1057, %swap3A_1058], %select_n3A_1056 {strides = array<i32>} : memref<256x128xf32, #tpu.memory_space<vmem>>, vector<1x128xf32>,
    %get3A_1060 = arith.constant 0 : index
    %get3A_1061 = arith.constant 0 : index
    %get3A_1062 = arith.constant 16 : index
    %get3A_1063 = memref.load %arg1[%get3A_1060, %get3A_1061, %get3A_1062] : memref<1x1x32xi32, #tpu.memory_space<smem>>
    %jit3A_1064 = arith.constant 128 : i32
    %div3A_1065 = arith.divsi %get3A_1063, %jit3A_1064 : i32
    %sign3A_1066 = arith.constant 0 : i32
    %sign3A_1067 = arith.cmpi sgt, %get3A_1063, %sign3A_1066 : i32
    %sign3A_1068 = arith.extui %sign3A_1067 : i1 to i32
    %sign3A_1069 = arith.constant 0 : i32
    %sign3A_1070 = arith.cmpi slt, %get3A_1063, %sign3A_1069 : i32
    %sign3A_1071 = arith.extui %sign3A_1070 : i1 to i32
    %sign3A_1072 = arith.subi %sign3A_1068, %sign3A_1071 : i32
    %sign3A_1073 = arith.constant 0 : i32
    %sign3A_1074 = arith.cmpi sgt, %jit3A_1064, %sign3A_1073 : i32
    %sign3A_1075 = arith.extui %sign3A_1074 : i1 to i32
    %sign3A_1076 = arith.constant 0 : i32
    %sign3A_1077 = arith.cmpi slt, %jit3A_1064, %sign3A_1076 : i32
    %sign3A_1078 = arith.extui %sign3A_1077 : i1 to i32
    %sign3A_1079 = arith.subi %sign3A_1075, %sign3A_1078 : i32
    %ne3A_1080 = arith.cmpi ne, %sign3A_1072, %sign3A_1079 : i32
    %rem3A_1081 = arith.remsi %get3A_1063, %jit3A_1064 : i32
    %ne3A_1082 = arith.constant 0 : i32
    %ne3A_1083 = arith.cmpi ne, %rem3A_1081, %ne3A_1082 : i32
    %and3A_1084 = arith.andi %ne3A_1080, %ne3A_1083 : i1
    %sub3A_1085 = arith.constant 1 : i32
    %sub3A_1086 = arith.subi %div3A_1065, %sub3A_1085 : i32
    %select_n3A_1087 = arith.select %and3A_1084, %sub3A_1086, %div3A_1065 : i32
    %jit3A_1088 = arith.constant 128 : i32
    %eq3A_1089 = arith.constant 0 : i32
    %eq3A_1090 = arith.cmpi eq, %jit3A_1088, %eq3A_1089 : i32
    %jit3A_1091 = arith.constant 1 : i32
    %select_n3A_1092 = arith.select %eq3A_1090, %jit3A_1091, %jit3A_1088 : i32
    %rem3A_1093 = arith.remsi %get3A_1063, %select_n3A_1092 : i32
    %ne3A_1094 = arith.constant 0 : i32
    %ne3A_1095 = arith.cmpi ne, %rem3A_1093, %ne3A_1094 : i32
    %lt3A_1096 = arith.constant 0 : i32
    %lt3A_1097 = arith.cmpi slt, %rem3A_1093, %lt3A_1096 : i32
    %lt3A_1098 = arith.constant 0 : i32
    %lt3A_1099 = arith.cmpi slt, %select_n3A_1092, %lt3A_1098 : i32
    %ne3A_1100 = arith.xori %lt3A_1097, %lt3A_1099 : i1
    %and3A_1101 = arith.andi %ne3A_1100, %ne3A_1095 : i1
    %add3A_1102 = arith.addi %rem3A_1093, %select_n3A_1092 : i32
    %select_n3A_1103 = arith.select %and3A_1101, %add3A_1102, %rem3A_1093 : i32
    %eq3A_1104 = vector.broadcast %select_n3A_1103 : i32 to vector<1x128xi32>
    %eq3A_1105 = arith.cmpi eq, %iota3A, %eq3A_1104 : vector<1x128xi32>
    %convert_element_type3A_1106 = arith.extui %eq3A_1105 : vector<1x128xi1> to vector<1x128xi32>
    %convert_element_type3A_1107 = arith.sitofp %convert_element_type3A_1106 : vector<1x128xi32> to vector<1x128xf32>
    %swap3A_1108 = arith.index_cast %rem3A_0 : i32 to index
    %swap3A_1109 = arith.constant 16 : index
    %swap3A_1110 = arith.index_cast %select_n3A_1087 : i32 to index
    %swap3A_1111 = arith.constant 0 : index
    %swap3A_1112 = vector.load %arg3[%swap3A_1108, %swap3A_1109, %swap3A_1110, %swap3A_1111] : memref<4x32x256x128xf32, #tpu.memory_space<vmem>>, vector<1x1x1x128xf32>
    %swap3A_1113 = vector.shape_cast %swap3A_1112 : vector<1x1x1x128xf32> to vector<1x128xf32>
    %swap3A_1114 = vector.shape_cast %convert_element_type3A_1107 : vector<1x128xf32> to vector<1x1x1x128xf32>
    tpu.vector_store %arg3[%swap3A_1108, %swap3A_1109, %swap3A_1110, %swap3A_1111], %swap3A_1114 {strides = array<i32>} : memref<4x32x256x128xf32, #tpu.memory_space<vmem>>, vector<1x1x1x128xf32>,
    %get3A_1115 = arith.index_cast %select_n3A_1087 : i32 to index
    %get3A_1116 = arith.constant 0 : index
    %get3A_1117 = vector.load %arg4[%get3A_1115, %get3A_1116] : memref<256x128xf32, #tpu.memory_space<vmem>>, vector<1x128xf32>
    %eq3A_1118 = vector.broadcast %select_n3A_1103 : i32 to vector<1x128xi32>
    %eq3A_1119 = arith.cmpi eq, %iota3A, %eq3A_1118 : vector<1x128xi32>
    %jit3A_1120 = arith.constant 0.000000e+00 : f32
    %broadcast_in_dim3A_1121 = vector.broadcast %jit3A_1120 : f32 to vector<1x128xf32>
    %select_n3A_1122 = arith.select %eq3A_1119, %broadcast_in_dim3A_1121, %get3A_1117 : vector<1x128xi1>, vector<1x128xf32>
    %swap3A_1123 = arith.index_cast %select_n3A_1087 : i32 to index
    %swap3A_1124 = arith.constant 0 : index
    %swap3A_1125 = vector.load %arg4[%swap3A_1123, %swap3A_1124] : memref<256x128xf32, #tpu.memory_space<vmem>>, vector<1x128xf32>
    tpu.vector_store %arg4[%swap3A_1123, %swap3A_1124], %select_n3A_1122 {strides = array<i32>} : memref<256x128xf32, #tpu.memory_space<vmem>>, vector<1x128xf32>,
    %get3A_1126 = arith.constant 0 : index
    %get3A_1127 = arith.constant 0 : index
    %get3A_1128 = arith.constant 17 : index
    %get3A_1129 = memref.load %arg1[%get3A_1126, %get3A_1127, %get3A_1128] : memref<1x1x32xi32, #tpu.memory_space<smem>>
    %jit3A_1130 = arith.constant 128 : i32
    %div3A_1131 = arith.divsi %get3A_1129, %jit3A_1130 : i32
    %sign3A_1132 = arith.constant 0 : i32
    %sign3A_1133 = arith.cmpi sgt, %get3A_1129, %sign3A_1132 : i32
    %sign3A_1134 = arith.extui %sign3A_1133 : i1 to i32
    %sign3A_1135 = arith.constant 0 : i32
    %sign3A_1136 = arith.cmpi slt, %get3A_1129, %sign3A_1135 : i32
    %sign3A_1137 = arith.extui %sign3A_1136 : i1 to i32
    %sign3A_1138 = arith.subi %sign3A_1134, %sign3A_1137 : i32
    %sign3A_1139 = arith.constant 0 : i32
    %sign3A_1140 = arith.cmpi sgt, %jit3A_1130, %sign3A_1139 : i32
    %sign3A_1141 = arith.extui %sign3A_1140 : i1 to i32
    %sign3A_1142 = arith.constant 0 : i32
    %sign3A_1143 = arith.cmpi slt, %jit3A_1130, %sign3A_1142 : i32
    %sign3A_1144 = arith.extui %sign3A_1143 : i1 to i32
    %sign3A_1145 = arith.subi %sign3A_1141, %sign3A_1144 : i32
    %ne3A_1146 = arith.cmpi ne, %sign3A_1138, %sign3A_1145 : i32
    %rem3A_1147 = arith.remsi %get3A_1129, %jit3A_1130 : i32
    %ne3A_1148 = arith.constant 0 : i32
    %ne3A_1149 = arith.cmpi ne, %rem3A_1147, %ne3A_1148 : i32
    %and3A_1150 = arith.andi %ne3A_1146, %ne3A_1149 : i1
    %sub3A_1151 = arith.constant 1 : i32
    %sub3A_1152 = arith.subi %div3A_1131, %sub3A_1151 : i32
    %select_n3A_1153 = arith.select %and3A_1150, %sub3A_1152, %div3A_1131 : i32
    %jit3A_1154 = arith.constant 128 : i32
    %eq3A_1155 = arith.constant 0 : i32
    %eq3A_1156 = arith.cmpi eq, %jit3A_1154, %eq3A_1155 : i32
    %jit3A_1157 = arith.constant 1 : i32
    %select_n3A_1158 = arith.select %eq3A_1156, %jit3A_1157, %jit3A_1154 : i32
    %rem3A_1159 = arith.remsi %get3A_1129, %select_n3A_1158 : i32
    %ne3A_1160 = arith.constant 0 : i32
    %ne3A_1161 = arith.cmpi ne, %rem3A_1159, %ne3A_1160 : i32
    %lt3A_1162 = arith.constant 0 : i32
    %lt3A_1163 = arith.cmpi slt, %rem3A_1159, %lt3A_1162 : i32
    %lt3A_1164 = arith.constant 0 : i32
    %lt3A_1165 = arith.cmpi slt, %select_n3A_1158, %lt3A_1164 : i32
    %ne3A_1166 = arith.xori %lt3A_1163, %lt3A_1165 : i1
    %and3A_1167 = arith.andi %ne3A_1166, %ne3A_1161 : i1
    %add3A_1168 = arith.addi %rem3A_1159, %select_n3A_1158 : i32
    %select_n3A_1169 = arith.select %and3A_1167, %add3A_1168, %rem3A_1159 : i32
    %eq3A_1170 = vector.broadcast %select_n3A_1169 : i32 to vector<1x128xi32>
    %eq3A_1171 = arith.cmpi eq, %iota3A, %eq3A_1170 : vector<1x128xi32>
    %convert_element_type3A_1172 = arith.extui %eq3A_1171 : vector<1x128xi1> to vector<1x128xi32>
    %convert_element_type3A_1173 = arith.sitofp %convert_element_type3A_1172 : vector<1x128xi32> to vector<1x128xf32>
    %swap3A_1174 = arith.index_cast %rem3A_0 : i32 to index
    %swap3A_1175 = arith.constant 17 : index
    %swap3A_1176 = arith.index_cast %select_n3A_1153 : i32 to index
    %swap3A_1177 = arith.constant 0 : index
    %swap3A_1178 = vector.load %arg3[%swap3A_1174, %swap3A_1175, %swap3A_1176, %swap3A_1177] : memref<4x32x256x128xf32, #tpu.memory_space<vmem>>, vector<1x1x1x128xf32>
    %swap3A_1179 = vector.shape_cast %swap3A_1178 : vector<1x1x1x128xf32> to vector<1x128xf32>
    %swap3A_1180 = vector.shape_cast %convert_element_type3A_1173 : vector<1x128xf32> to vector<1x1x1x128xf32>
    tpu.vector_store %arg3[%swap3A_1174, %swap3A_1175, %swap3A_1176, %swap3A_1177], %swap3A_1180 {strides = array<i32>} : memref<4x32x256x128xf32, #tpu.memory_space<vmem>>, vector<1x1x1x128xf32>,
    %get3A_1181 = arith.index_cast %select_n3A_1153 : i32 to index
    %get3A_1182 = arith.constant 0 : index
    %get3A_1183 = vector.load %arg4[%get3A_1181, %get3A_1182] : memref<256x128xf32, #tpu.memory_space<vmem>>, vector<1x128xf32>
    %eq3A_1184 = vector.broadcast %select_n3A_1169 : i32 to vector<1x128xi32>
    %eq3A_1185 = arith.cmpi eq, %iota3A, %eq3A_1184 : vector<1x128xi32>
    %jit3A_1186 = arith.constant 0.000000e+00 : f32
    %broadcast_in_dim3A_1187 = vector.broadcast %jit3A_1186 : f32 to vector<1x128xf32>
    %select_n3A_1188 = arith.select %eq3A_1185, %broadcast_in_dim3A_1187, %get3A_1183 : vector<1x128xi1>, vector<1x128xf32>
    %swap3A_1189 = arith.index_cast %select_n3A_1153 : i32 to index
    %swap3A_1190 = arith.constant 0 : index
    %swap3A_1191 = vector.load %arg4[%swap3A_1189, %swap3A_1190] : memref<256x128xf32, #tpu.memory_space<vmem>>, vector<1x128xf32>
    tpu.vector_store %arg4[%swap3A_1189, %swap3A_1190], %select_n3A_1188 {strides = array<i32>} : memref<256x128xf32, #tpu.memory_space<vmem>>, vector<1x128xf32>,
    %get3A_1192 = arith.constant 0 : index
    %get3A_1193 = arith.constant 0 : index
    %get3A_1194 = arith.constant 18 : index
    %get3A_1195 = memref.load %arg1[%get3A_1192, %get3A_1193, %get3A_1194] : memref<1x1x32xi32, #tpu.memory_space<smem>>
    %jit3A_1196 = arith.constant 128 : i32
    %div3A_1197 = arith.divsi %get3A_1195, %jit3A_1196 : i32
    %sign3A_1198 = arith.constant 0 : i32
    %sign3A_1199 = arith.cmpi sgt, %get3A_1195, %sign3A_1198 : i32
    %sign3A_1200 = arith.extui %sign3A_1199 : i1 to i32
    %sign3A_1201 = arith.constant 0 : i32
    %sign3A_1202 = arith.cmpi slt, %get3A_1195, %sign3A_1201 : i32
    %sign3A_1203 = arith.extui %sign3A_1202 : i1 to i32
    %sign3A_1204 = arith.subi %sign3A_1200, %sign3A_1203 : i32
    %sign3A_1205 = arith.constant 0 : i32
    %sign3A_1206 = arith.cmpi sgt, %jit3A_1196, %sign3A_1205 : i32
    %sign3A_1207 = arith.extui %sign3A_1206 : i1 to i32
    %sign3A_1208 = arith.constant 0 : i32
    %sign3A_1209 = arith.cmpi slt, %jit3A_1196, %sign3A_1208 : i32
    %sign3A_1210 = arith.extui %sign3A_1209 : i1 to i32
    %sign3A_1211 = arith.subi %sign3A_1207, %sign3A_1210 : i32
    %ne3A_1212 = arith.cmpi ne, %sign3A_1204, %sign3A_1211 : i32
    %rem3A_1213 = arith.remsi %get3A_1195, %jit3A_1196 : i32
    %ne3A_1214 = arith.constant 0 : i32
    %ne3A_1215 = arith.cmpi ne, %rem3A_1213, %ne3A_1214 : i32
    %and3A_1216 = arith.andi %ne3A_1212, %ne3A_1215 : i1
    %sub3A_1217 = arith.constant 1 : i32
    %sub3A_1218 = arith.subi %div3A_1197, %sub3A_1217 : i32
    %select_n3A_1219 = arith.select %and3A_1216, %sub3A_1218, %div3A_1197 : i32
    %jit3A_1220 = arith.constant 128 : i32
    %eq3A_1221 = arith.constant 0 : i32
    %eq3A_1222 = arith.cmpi eq, %jit3A_1220, %eq3A_1221 : i32
    %jit3A_1223 = arith.constant 1 : i32
    %select_n3A_1224 = arith.select %eq3A_1222, %jit3A_1223, %jit3A_1220 : i32
    %rem3A_1225 = arith.remsi %get3A_1195, %select_n3A_1224 : i32
    %ne3A_1226 = arith.constant 0 : i32
    %ne3A_1227 = arith.cmpi ne, %rem3A_1225, %ne3A_1226 : i32
    %lt3A_1228 = arith.constant 0 : i32
    %lt3A_1229 = arith.cmpi slt, %rem3A_1225, %lt3A_1228 : i32
    %lt3A_1230 = arith.constant 0 : i32
    %lt3A_1231 = arith.cmpi slt, %select_n3A_1224, %lt3A_1230 : i32
    %ne3A_1232 = arith.xori %lt3A_1229, %lt3A_1231 : i1
    %and3A_1233 = arith.andi %ne3A_1232, %ne3A_1227 : i1
    %add3A_1234 = arith.addi %rem3A_1225, %select_n3A_1224 : i32
    %select_n3A_1235 = arith.select %and3A_1233, %add3A_1234, %rem3A_1225 : i32
    %eq3A_1236 = vector.broadcast %select_n3A_1235 : i32 to vector<1x128xi32>
    %eq3A_1237 = arith.cmpi eq, %iota3A, %eq3A_1236 : vector<1x128xi32>
    %convert_element_type3A_1238 = arith.extui %eq3A_1237 : vector<1x128xi1> to vector<1x128xi32>
    %convert_element_type3A_1239 = arith.sitofp %convert_element_type3A_1238 : vector<1x128xi32> to vector<1x128xf32>
    %swap3A_1240 = arith.index_cast %rem3A_0 : i32 to index
    %swap3A_1241 = arith.constant 18 : index
    %swap3A_1242 = arith.index_cast %select_n3A_1219 : i32 to index
    %swap3A_1243 = arith.constant 0 : index
    %swap3A_1244 = vector.load %arg3[%swap3A_1240, %swap3A_1241, %swap3A_1242, %swap3A_1243] : memref<4x32x256x128xf32, #tpu.memory_space<vmem>>, vector<1x1x1x128xf32>
    %swap3A_1245 = vector.shape_cast %swap3A_1244 : vector<1x1x1x128xf32> to vector<1x128xf32>
    %swap3A_1246 = vector.shape_cast %convert_element_type3A_1239 : vector<1x128xf32> to vector<1x1x1x128xf32>
    tpu.vector_store %arg3[%swap3A_1240, %swap3A_1241, %swap3A_1242, %swap3A_1243], %swap3A_1246 {strides = array<i32>} : memref<4x32x256x128xf32, #tpu.memory_space<vmem>>, vector<1x1x1x128xf32>,
    %get3A_1247 = arith.index_cast %select_n3A_1219 : i32 to index
    %get3A_1248 = arith.constant 0 : index
    %get3A_1249 = vector.load %arg4[%get3A_1247, %get3A_1248] : memref<256x128xf32, #tpu.memory_space<vmem>>, vector<1x128xf32>
    %eq3A_1250 = vector.broadcast %select_n3A_1235 : i32 to vector<1x128xi32>
    %eq3A_1251 = arith.cmpi eq, %iota3A, %eq3A_1250 : vector<1x128xi32>
    %jit3A_1252 = arith.constant 0.000000e+00 : f32
    %broadcast_in_dim3A_1253 = vector.broadcast %jit3A_1252 : f32 to vector<1x128xf32>
    %select_n3A_1254 = arith.select %eq3A_1251, %broadcast_in_dim3A_1253, %get3A_1249 : vector<1x128xi1>, vector<1x128xf32>
    %swap3A_1255 = arith.index_cast %select_n3A_1219 : i32 to index
    %swap3A_1256 = arith.constant 0 : index
    %swap3A_1257 = vector.load %arg4[%swap3A_1255, %swap3A_1256] : memref<256x128xf32, #tpu.memory_space<vmem>>, vector<1x128xf32>
    tpu.vector_store %arg4[%swap3A_1255, %swap3A_1256], %select_n3A_1254 {strides = array<i32>} : memref<256x128xf32, #tpu.memory_space<vmem>>, vector<1x128xf32>,
    %get3A_1258 = arith.constant 0 : index
    %get3A_1259 = arith.constant 0 : index
    %get3A_1260 = arith.constant 19 : index
    %get3A_1261 = memref.load %arg1[%get3A_1258, %get3A_1259, %get3A_1260] : memref<1x1x32xi32, #tpu.memory_space<smem>>
    %jit3A_1262 = arith.constant 128 : i32
    %div3A_1263 = arith.divsi %get3A_1261, %jit3A_1262 : i32
    %sign3A_1264 = arith.constant 0 : i32
    %sign3A_1265 = arith.cmpi sgt, %get3A_1261, %sign3A_1264 : i32
    %sign3A_1266 = arith.extui %sign3A_1265 : i1 to i32
    %sign3A_1267 = arith.constant 0 : i32
    %sign3A_1268 = arith.cmpi slt, %get3A_1261, %sign3A_1267 : i32
    %sign3A_1269 = arith.extui %sign3A_1268 : i1 to i32
    %sign3A_1270 = arith.subi %sign3A_1266, %sign3A_1269 : i32
    %sign3A_1271 = arith.constant 0 : i32
    %sign3A_1272 = arith.cmpi sgt, %jit3A_1262, %sign3A_1271 : i32
    %sign3A_1273 = arith.extui %sign3A_1272 : i1 to i32
    %sign3A_1274 = arith.constant 0 : i32
    %sign3A_1275 = arith.cmpi slt, %jit3A_1262, %sign3A_1274 : i32
    %sign3A_1276 = arith.extui %sign3A_1275 : i1 to i32
    %sign3A_1277 = arith.subi %sign3A_1273, %sign3A_1276 : i32
    %ne3A_1278 = arith.cmpi ne, %sign3A_1270, %sign3A_1277 : i32
    %rem3A_1279 = arith.remsi %get3A_1261, %jit3A_1262 : i32
    %ne3A_1280 = arith.constant 0 : i32
    %ne3A_1281 = arith.cmpi ne, %rem3A_1279, %ne3A_1280 : i32
    %and3A_1282 = arith.andi %ne3A_1278, %ne3A_1281 : i1
    %sub3A_1283 = arith.constant 1 : i32
    %sub3A_1284 = arith.subi %div3A_1263, %sub3A_1283 : i32
    %select_n3A_1285 = arith.select %and3A_1282, %sub3A_1284, %div3A_1263 : i32
    %jit3A_1286 = arith.constant 128 : i32
    %eq3A_1287 = arith.constant 0 : i32
    %eq3A_1288 = arith.cmpi eq, %jit3A_1286, %eq3A_1287 : i32
    %jit3A_1289 = arith.constant 1 : i32
    %select_n3A_1290 = arith.select %eq3A_1288, %jit3A_1289, %jit3A_1286 : i32
    %rem3A_1291 = arith.remsi %get3A_1261, %select_n3A_1290 : i32
    %ne3A_1292 = arith.constant 0 : i32
    %ne3A_1293 = arith.cmpi ne, %rem3A_1291, %ne3A_1292 : i32
    %lt3A_1294 = arith.constant 0 : i32
    %lt3A_1295 = arith.cmpi slt, %rem3A_1291, %lt3A_1294 : i32
    %lt3A_1296 = arith.constant 0 : i32
    %lt3A_1297 = arith.cmpi slt, %select_n3A_1290, %lt3A_1296 : i32
    %ne3A_1298 = arith.xori %lt3A_1295, %lt3A_1297 : i1
    %and3A_1299 = arith.andi %ne3A_1298, %ne3A_1293 : i1
    %add3A_1300 = arith.addi %rem3A_1291, %select_n3A_1290 : i32
    %select_n3A_1301 = arith.select %and3A_1299, %add3A_1300, %rem3A_1291 : i32
    %eq3A_1302 = vector.broadcast %select_n3A_1301 : i32 to vector<1x128xi32>
    %eq3A_1303 = arith.cmpi eq, %iota3A, %eq3A_1302 : vector<1x128xi32>
    %convert_element_type3A_1304 = arith.extui %eq3A_1303 : vector<1x128xi1> to vector<1x128xi32>
    %convert_element_type3A_1305 = arith.sitofp %convert_element_type3A_1304 : vector<1x128xi32> to vector<1x128xf32>
    %swap3A_1306 = arith.index_cast %rem3A_0 : i32 to index
    %swap3A_1307 = arith.constant 19 : index
    %swap3A_1308 = arith.index_cast %select_n3A_1285 : i32 to index
    %swap3A_1309 = arith.constant 0 : index
    %swap3A_1310 = vector.load %arg3[%swap3A_1306, %swap3A_1307, %swap3A_1308, %swap3A_1309] : memref<4x32x256x128xf32, #tpu.memory_space<vmem>>, vector<1x1x1x128xf32>
    %swap3A_1311 = vector.shape_cast %swap3A_1310 : vector<1x1x1x128xf32> to vector<1x128xf32>
    %swap3A_1312 = vector.shape_cast %convert_element_type3A_1305 : vector<1x128xf32> to vector<1x1x1x128xf32>
    tpu.vector_store %arg3[%swap3A_1306, %swap3A_1307, %swap3A_1308, %swap3A_1309], %swap3A_1312 {strides = array<i32>} : memref<4x32x256x128xf32, #tpu.memory_space<vmem>>, vector<1x1x1x128xf32>,
    %get3A_1313 = arith.index_cast %select_n3A_1285 : i32 to index
    %get3A_1314 = arith.constant 0 : index
    %get3A_1315 = vector.load %arg4[%get3A_1313, %get3A_1314] : memref<256x128xf32, #tpu.memory_space<vmem>>, vector<1x128xf32>
    %eq3A_1316 = vector.broadcast %select_n3A_1301 : i32 to vector<1x128xi32>
    %eq3A_1317 = arith.cmpi eq, %iota3A, %eq3A_1316 : vector<1x128xi32>
    %jit3A_1318 = arith.constant 0.000000e+00 : f32
    %broadcast_in_dim3A_1319 = vector.broadcast %jit3A_1318 : f32 to vector<1x128xf32>
    %select_n3A_1320 = arith.select %eq3A_1317, %broadcast_in_dim3A_1319, %get3A_1315 : vector<1x128xi1>, vector<1x128xf32>
    %swap3A_1321 = arith.index_cast %select_n3A_1285 : i32 to index
    %swap3A_1322 = arith.constant 0 : index
    %swap3A_1323 = vector.load %arg4[%swap3A_1321, %swap3A_1322] : memref<256x128xf32, #tpu.memory_space<vmem>>, vector<1x128xf32>
    tpu.vector_store %arg4[%swap3A_1321, %swap3A_1322], %select_n3A_1320 {strides = array<i32>} : memref<256x128xf32, #tpu.memory_space<vmem>>, vector<1x128xf32>,
    %get3A_1324 = arith.constant 0 : index
    %get3A_1325 = arith.constant 0 : index
    %get3A_1326 = arith.constant 20 : index
    %get3A_1327 = memref.load %arg1[%get3A_1324, %get3A_1325, %get3A_1326] : memref<1x1x32xi32, #tpu.memory_space<smem>>
    %jit3A_1328 = arith.constant 128 : i32
    %div3A_1329 = arith.divsi %get3A_1327, %jit3A_1328 : i32
    %sign3A_1330 = arith.constant 0 : i32
    %sign3A_1331 = arith.cmpi sgt, %get3A_1327, %sign3A_1330 : i32
    %sign3A_1332 = arith.extui %sign3A_1331 : i1 to i32
    %sign3A_1333 = arith.constant 0 : i32
    %sign3A_1334 = arith.cmpi slt, %get3A_1327, %sign3A_1333 : i32
    %sign3A_1335 = arith.extui %sign3A_1334 : i1 to i32
    %sign3A_1336 = arith.subi %sign3A_1332, %sign3A_1335 : i32
    %sign3A_1337 = arith.constant 0 : i32
    %sign3A_1338 = arith.cmpi sgt, %jit3A_1328, %sign3A_1337 : i32
    %sign3A_1339 = arith.extui %sign3A_1338 : i1 to i32
    %sign3A_1340 = arith.constant 0 : i32
    %sign3A_1341 = arith.cmpi slt, %jit3A_1328, %sign3A_1340 : i32
    %sign3A_1342 = arith.extui %sign3A_1341 : i1 to i32
    %sign3A_1343 = arith.subi %sign3A_1339, %sign3A_1342 : i32
    %ne3A_1344 = arith.cmpi ne, %sign3A_1336, %sign3A_1343 : i32
    %rem3A_1345 = arith.remsi %get3A_1327, %jit3A_1328 : i32
    %ne3A_1346 = arith.constant 0 : i32
    %ne3A_1347 = arith.cmpi ne, %rem3A_1345, %ne3A_1346 : i32
    %and3A_1348 = arith.andi %ne3A_1344, %ne3A_1347 : i1
    %sub3A_1349 = arith.constant 1 : i32
    %sub3A_1350 = arith.subi %div3A_1329, %sub3A_1349 : i32
    %select_n3A_1351 = arith.select %and3A_1348, %sub3A_1350, %div3A_1329 : i32
    %jit3A_1352 = arith.constant 128 : i32
    %eq3A_1353 = arith.constant 0 : i32
    %eq3A_1354 = arith.cmpi eq, %jit3A_1352, %eq3A_1353 : i32
    %jit3A_1355 = arith.constant 1 : i32
    %select_n3A_1356 = arith.select %eq3A_1354, %jit3A_1355, %jit3A_1352 : i32
    %rem3A_1357 = arith.remsi %get3A_1327, %select_n3A_1356 : i32
    %ne3A_1358 = arith.constant 0 : i32
    %ne3A_1359 = arith.cmpi ne, %rem3A_1357, %ne3A_1358 : i32
    %lt3A_1360 = arith.constant 0 : i32
    %lt3A_1361 = arith.cmpi slt, %rem3A_1357, %lt3A_1360 : i32
    %lt3A_1362 = arith.constant 0 : i32
    %lt3A_1363 = arith.cmpi slt, %select_n3A_1356, %lt3A_1362 : i32
    %ne3A_1364 = arith.xori %lt3A_1361, %lt3A_1363 : i1
    %and3A_1365 = arith.andi %ne3A_1364, %ne3A_1359 : i1
    %add3A_1366 = arith.addi %rem3A_1357, %select_n3A_1356 : i32
    %select_n3A_1367 = arith.select %and3A_1365, %add3A_1366, %rem3A_1357 : i32
    %eq3A_1368 = vector.broadcast %select_n3A_1367 : i32 to vector<1x128xi32>
    %eq3A_1369 = arith.cmpi eq, %iota3A, %eq3A_1368 : vector<1x128xi32>
    %convert_element_type3A_1370 = arith.extui %eq3A_1369 : vector<1x128xi1> to vector<1x128xi32>
    %convert_element_type3A_1371 = arith.sitofp %convert_element_type3A_1370 : vector<1x128xi32> to vector<1x128xf32>
    %swap3A_1372 = arith.index_cast %rem3A_0 : i32 to index
    %swap3A_1373 = arith.constant 20 : index
    %swap3A_1374 = arith.index_cast %select_n3A_1351 : i32 to index
    %swap3A_1375 = arith.constant 0 : index
    %swap3A_1376 = vector.load %arg3[%swap3A_1372, %swap3A_1373, %swap3A_1374, %swap3A_1375] : memref<4x32x256x128xf32, #tpu.memory_space<vmem>>, vector<1x1x1x128xf32>
    %swap3A_1377 = vector.shape_cast %swap3A_1376 : vector<1x1x1x128xf32> to vector<1x128xf32>
    %swap3A_1378 = vector.shape_cast %convert_element_type3A_1371 : vector<1x128xf32> to vector<1x1x1x128xf32>
    tpu.vector_store %arg3[%swap3A_1372, %swap3A_1373, %swap3A_1374, %swap3A_1375], %swap3A_1378 {strides = array<i32>} : memref<4x32x256x128xf32, #tpu.memory_space<vmem>>, vector<1x1x1x128xf32>,
    %get3A_1379 = arith.index_cast %select_n3A_1351 : i32 to index
    %get3A_1380 = arith.constant 0 : index
    %get3A_1381 = vector.load %arg4[%get3A_1379, %get3A_1380] : memref<256x128xf32, #tpu.memory_space<vmem>>, vector<1x128xf32>
    %eq3A_1382 = vector.broadcast %select_n3A_1367 : i32 to vector<1x128xi32>
    %eq3A_1383 = arith.cmpi eq, %iota3A, %eq3A_1382 : vector<1x128xi32>
    %jit3A_1384 = arith.constant 0.000000e+00 : f32
    %broadcast_in_dim3A_1385 = vector.broadcast %jit3A_1384 : f32 to vector<1x128xf32>
    %select_n3A_1386 = arith.select %eq3A_1383, %broadcast_in_dim3A_1385, %get3A_1381 : vector<1x128xi1>, vector<1x128xf32>
    %swap3A_1387 = arith.index_cast %select_n3A_1351 : i32 to index
    %swap3A_1388 = arith.constant 0 : index
    %swap3A_1389 = vector.load %arg4[%swap3A_1387, %swap3A_1388] : memref<256x128xf32, #tpu.memory_space<vmem>>, vector<1x128xf32>
    tpu.vector_store %arg4[%swap3A_1387, %swap3A_1388], %select_n3A_1386 {strides = array<i32>} : memref<256x128xf32, #tpu.memory_space<vmem>>, vector<1x128xf32>,
    %get3A_1390 = arith.constant 0 : index
    %get3A_1391 = arith.constant 0 : index
    %get3A_1392 = arith.constant 21 : index
    %get3A_1393 = memref.load %arg1[%get3A_1390, %get3A_1391, %get3A_1392] : memref<1x1x32xi32, #tpu.memory_space<smem>>
    %jit3A_1394 = arith.constant 128 : i32
    %div3A_1395 = arith.divsi %get3A_1393, %jit3A_1394 : i32
    %sign3A_1396 = arith.constant 0 : i32
    %sign3A_1397 = arith.cmpi sgt, %get3A_1393, %sign3A_1396 : i32
    %sign3A_1398 = arith.extui %sign3A_1397 : i1 to i32
    %sign3A_1399 = arith.constant 0 : i32
    %sign3A_1400 = arith.cmpi slt, %get3A_1393, %sign3A_1399 : i32
    %sign3A_1401 = arith.extui %sign3A_1400 : i1 to i32
    %sign3A_1402 = arith.subi %sign3A_1398, %sign3A_1401 : i32
    %sign3A_1403 = arith.constant 0 : i32
    %sign3A_1404 = arith.cmpi sgt, %jit3A_1394, %sign3A_1403 : i32
    %sign3A_1405 = arith.extui %sign3A_1404 : i1 to i32
    %sign3A_1406 = arith.constant 0 : i32
    %sign3A_1407 = arith.cmpi slt, %jit3A_1394, %sign3A_1406 : i32
    %sign3A_1408 = arith.extui %sign3A_1407 : i1 to i32
    %sign3A_1409 = arith.subi %sign3A_1405, %sign3A_1408 : i32
    %ne3A_1410 = arith.cmpi ne, %sign3A_1402, %sign3A_1409 : i32
    %rem3A_1411 = arith.remsi %get3A_1393, %jit3A_1394 : i32
    %ne3A_1412 = arith.constant 0 : i32
    %ne3A_1413 = arith.cmpi ne, %rem3A_1411, %ne3A_1412 : i32
    %and3A_1414 = arith.andi %ne3A_1410, %ne3A_1413 : i1
    %sub3A_1415 = arith.constant 1 : i32
    %sub3A_1416 = arith.subi %div3A_1395, %sub3A_1415 : i32
    %select_n3A_1417 = arith.select %and3A_1414, %sub3A_1416, %div3A_1395 : i32
    %jit3A_1418 = arith.constant 128 : i32
    %eq3A_1419 = arith.constant 0 : i32
    %eq3A_1420 = arith.cmpi eq, %jit3A_1418, %eq3A_1419 : i32
    %jit3A_1421 = arith.constant 1 : i32
    %select_n3A_1422 = arith.select %eq3A_1420, %jit3A_1421, %jit3A_1418 : i32
    %rem3A_1423 = arith.remsi %get3A_1393, %select_n3A_1422 : i32
    %ne3A_1424 = arith.constant 0 : i32
    %ne3A_1425 = arith.cmpi ne, %rem3A_1423, %ne3A_1424 : i32
    %lt3A_1426 = arith.constant 0 : i32
    %lt3A_1427 = arith.cmpi slt, %rem3A_1423, %lt3A_1426 : i32
    %lt3A_1428 = arith.constant 0 : i32
    %lt3A_1429 = arith.cmpi slt, %select_n3A_1422, %lt3A_1428 : i32
    %ne3A_1430 = arith.xori %lt3A_1427, %lt3A_1429 : i1
    %and3A_1431 = arith.andi %ne3A_1430, %ne3A_1425 : i1
    %add3A_1432 = arith.addi %rem3A_1423, %select_n3A_1422 : i32
    %select_n3A_1433 = arith.select %and3A_1431, %add3A_1432, %rem3A_1423 : i32
    %eq3A_1434 = vector.broadcast %select_n3A_1433 : i32 to vector<1x128xi32>
    %eq3A_1435 = arith.cmpi eq, %iota3A, %eq3A_1434 : vector<1x128xi32>
    %convert_element_type3A_1436 = arith.extui %eq3A_1435 : vector<1x128xi1> to vector<1x128xi32>
    %convert_element_type3A_1437 = arith.sitofp %convert_element_type3A_1436 : vector<1x128xi32> to vector<1x128xf32>
    %swap3A_1438 = arith.index_cast %rem3A_0 : i32 to index
    %swap3A_1439 = arith.constant 21 : index
    %swap3A_1440 = arith.index_cast %select_n3A_1417 : i32 to index
    %swap3A_1441 = arith.constant 0 : index
    %swap3A_1442 = vector.load %arg3[%swap3A_1438, %swap3A_1439, %swap3A_1440, %swap3A_1441] : memref<4x32x256x128xf32, #tpu.memory_space<vmem>>, vector<1x1x1x128xf32>
    %swap3A_1443 = vector.shape_cast %swap3A_1442 : vector<1x1x1x128xf32> to vector<1x128xf32>
    %swap3A_1444 = vector.shape_cast %convert_element_type3A_1437 : vector<1x128xf32> to vector<1x1x1x128xf32>
    tpu.vector_store %arg3[%swap3A_1438, %swap3A_1439, %swap3A_1440, %swap3A_1441], %swap3A_1444 {strides = array<i32>} : memref<4x32x256x128xf32, #tpu.memory_space<vmem>>, vector<1x1x1x128xf32>,
    %get3A_1445 = arith.index_cast %select_n3A_1417 : i32 to index
    %get3A_1446 = arith.constant 0 : index
    %get3A_1447 = vector.load %arg4[%get3A_1445, %get3A_1446] : memref<256x128xf32, #tpu.memory_space<vmem>>, vector<1x128xf32>
    %eq3A_1448 = vector.broadcast %select_n3A_1433 : i32 to vector<1x128xi32>
    %eq3A_1449 = arith.cmpi eq, %iota3A, %eq3A_1448 : vector<1x128xi32>
    %jit3A_1450 = arith.constant 0.000000e+00 : f32
    %broadcast_in_dim3A_1451 = vector.broadcast %jit3A_1450 : f32 to vector<1x128xf32>
    %select_n3A_1452 = arith.select %eq3A_1449, %broadcast_in_dim3A_1451, %get3A_1447 : vector<1x128xi1>, vector<1x128xf32>
    %swap3A_1453 = arith.index_cast %select_n3A_1417 : i32 to index
    %swap3A_1454 = arith.constant 0 : index
    %swap3A_1455 = vector.load %arg4[%swap3A_1453, %swap3A_1454] : memref<256x128xf32, #tpu.memory_space<vmem>>, vector<1x128xf32>
    tpu.vector_store %arg4[%swap3A_1453, %swap3A_1454], %select_n3A_1452 {strides = array<i32>} : memref<256x128xf32, #tpu.memory_space<vmem>>, vector<1x128xf32>,
    %get3A_1456 = arith.constant 0 : index
    %get3A_1457 = arith.constant 0 : index
    %get3A_1458 = arith.constant 22 : index
    %get3A_1459 = memref.load %arg1[%get3A_1456, %get3A_1457, %get3A_1458] : memref<1x1x32xi32, #tpu.memory_space<smem>>
    %jit3A_1460 = arith.constant 128 : i32
    %div3A_1461 = arith.divsi %get3A_1459, %jit3A_1460 : i32
    %sign3A_1462 = arith.constant 0 : i32
    %sign3A_1463 = arith.cmpi sgt, %get3A_1459, %sign3A_1462 : i32
    %sign3A_1464 = arith.extui %sign3A_1463 : i1 to i32
    %sign3A_1465 = arith.constant 0 : i32
    %sign3A_1466 = arith.cmpi slt, %get3A_1459, %sign3A_1465 : i32
    %sign3A_1467 = arith.extui %sign3A_1466 : i1 to i32
    %sign3A_1468 = arith.subi %sign3A_1464, %sign3A_1467 : i32
    %sign3A_1469 = arith.constant 0 : i32
    %sign3A_1470 = arith.cmpi sgt, %jit3A_1460, %sign3A_1469 : i32
    %sign3A_1471 = arith.extui %sign3A_1470 : i1 to i32
    %sign3A_1472 = arith.constant 0 : i32
    %sign3A_1473 = arith.cmpi slt, %jit3A_1460, %sign3A_1472 : i32
    %sign3A_1474 = arith.extui %sign3A_1473 : i1 to i32
    %sign3A_1475 = arith.subi %sign3A_1471, %sign3A_1474 : i32
    %ne3A_1476 = arith.cmpi ne, %sign3A_1468, %sign3A_1475 : i32
    %rem3A_1477 = arith.remsi %get3A_1459, %jit3A_1460 : i32
    %ne3A_1478 = arith.constant 0 : i32
    %ne3A_1479 = arith.cmpi ne, %rem3A_1477, %ne3A_1478 : i32
    %and3A_1480 = arith.andi %ne3A_1476, %ne3A_1479 : i1
    %sub3A_1481 = arith.constant 1 : i32
    %sub3A_1482 = arith.subi %div3A_1461, %sub3A_1481 : i32
    %select_n3A_1483 = arith.select %and3A_1480, %sub3A_1482, %div3A_1461 : i32
    %jit3A_1484 = arith.constant 128 : i32
    %eq3A_1485 = arith.constant 0 : i32
    %eq3A_1486 = arith.cmpi eq, %jit3A_1484, %eq3A_1485 : i32
    %jit3A_1487 = arith.constant 1 : i32
    %select_n3A_1488 = arith.select %eq3A_1486, %jit3A_1487, %jit3A_1484 : i32
    %rem3A_1489 = arith.remsi %get3A_1459, %select_n3A_1488 : i32
    %ne3A_1490 = arith.constant 0 : i32
    %ne3A_1491 = arith.cmpi ne, %rem3A_1489, %ne3A_1490 : i32
    %lt3A_1492 = arith.constant 0 : i32
    %lt3A_1493 = arith.cmpi slt, %rem3A_1489, %lt3A_1492 : i32
    %lt3A_1494 = arith.constant 0 : i32
    %lt3A_1495 = arith.cmpi slt, %select_n3A_1488, %lt3A_1494 : i32
    %ne3A_1496 = arith.xori %lt3A_1493, %lt3A_1495 : i1
    %and3A_1497 = arith.andi %ne3A_1496, %ne3A_1491 : i1
    %add3A_1498 = arith.addi %rem3A_1489, %select_n3A_1488 : i32
    %select_n3A_1499 = arith.select %and3A_1497, %add3A_1498, %rem3A_1489 : i32
    %eq3A_1500 = vector.broadcast %select_n3A_1499 : i32 to vector<1x128xi32>
    %eq3A_1501 = arith.cmpi eq, %iota3A, %eq3A_1500 : vector<1x128xi32>
    %convert_element_type3A_1502 = arith.extui %eq3A_1501 : vector<1x128xi1> to vector<1x128xi32>
    %convert_element_type3A_1503 = arith.sitofp %convert_element_type3A_1502 : vector<1x128xi32> to vector<1x128xf32>
    %swap3A_1504 = arith.index_cast %rem3A_0 : i32 to index
    %swap3A_1505 = arith.constant 22 : index
    %swap3A_1506 = arith.index_cast %select_n3A_1483 : i32 to index
    %swap3A_1507 = arith.constant 0 : index
    %swap3A_1508 = vector.load %arg3[%swap3A_1504, %swap3A_1505, %swap3A_1506, %swap3A_1507] : memref<4x32x256x128xf32, #tpu.memory_space<vmem>>, vector<1x1x1x128xf32>
    %swap3A_1509 = vector.shape_cast %swap3A_1508 : vector<1x1x1x128xf32> to vector<1x128xf32>
    %swap3A_1510 = vector.shape_cast %convert_element_type3A_1503 : vector<1x128xf32> to vector<1x1x1x128xf32>
    tpu.vector_store %arg3[%swap3A_1504, %swap3A_1505, %swap3A_1506, %swap3A_1507], %swap3A_1510 {strides = array<i32>} : memref<4x32x256x128xf32, #tpu.memory_space<vmem>>, vector<1x1x1x128xf32>,
    %get3A_1511 = arith.index_cast %select_n3A_1483 : i32 to index
    %get3A_1512 = arith.constant 0 : index
    %get3A_1513 = vector.load %arg4[%get3A_1511, %get3A_1512] : memref<256x128xf32, #tpu.memory_space<vmem>>, vector<1x128xf32>
    %eq3A_1514 = vector.broadcast %select_n3A_1499 : i32 to vector<1x128xi32>
    %eq3A_1515 = arith.cmpi eq, %iota3A, %eq3A_1514 : vector<1x128xi32>
    %jit3A_1516 = arith.constant 0.000000e+00 : f32
    %broadcast_in_dim3A_1517 = vector.broadcast %jit3A_1516 : f32 to vector<1x128xf32>
    %select_n3A_1518 = arith.select %eq3A_1515, %broadcast_in_dim3A_1517, %get3A_1513 : vector<1x128xi1>, vector<1x128xf32>
    %swap3A_1519 = arith.index_cast %select_n3A_1483 : i32 to index
    %swap3A_1520 = arith.constant 0 : index
    %swap3A_1521 = vector.load %arg4[%swap3A_1519, %swap3A_1520] : memref<256x128xf32, #tpu.memory_space<vmem>>, vector<1x128xf32>
    tpu.vector_store %arg4[%swap3A_1519, %swap3A_1520], %select_n3A_1518 {strides = array<i32>} : memref<256x128xf32, #tpu.memory_space<vmem>>, vector<1x128xf32>,
    %get3A_1522 = arith.constant 0 : index
    %get3A_1523 = arith.constant 0 : index
    %get3A_1524 = arith.constant 23 : index
    %get3A_1525 = memref.load %arg1[%get3A_1522, %get3A_1523, %get3A_1524] : memref<1x1x32xi32, #tpu.memory_space<smem>>
    %jit3A_1526 = arith.constant 128 : i32
    %div3A_1527 = arith.divsi %get3A_1525, %jit3A_1526 : i32
    %sign3A_1528 = arith.constant 0 : i32
    %sign3A_1529 = arith.cmpi sgt, %get3A_1525, %sign3A_1528 : i32
    %sign3A_1530 = arith.extui %sign3A_1529 : i1 to i32
    %sign3A_1531 = arith.constant 0 : i32
    %sign3A_1532 = arith.cmpi slt, %get3A_1525, %sign3A_1531 : i32
    %sign3A_1533 = arith.extui %sign3A_1532 : i1 to i32
    %sign3A_1534 = arith.subi %sign3A_1530, %sign3A_1533 : i32
    %sign3A_1535 = arith.constant 0 : i32
    %sign3A_1536 = arith.cmpi sgt, %jit3A_1526, %sign3A_1535 : i32
    %sign3A_1537 = arith.extui %sign3A_1536 : i1 to i32
    %sign3A_1538 = arith.constant 0 : i32
    %sign3A_1539 = arith.cmpi slt, %jit3A_1526, %sign3A_1538 : i32
    %sign3A_1540 = arith.extui %sign3A_1539 : i1 to i32
    %sign3A_1541 = arith.subi %sign3A_1537, %sign3A_1540 : i32
    %ne3A_1542 = arith.cmpi ne, %sign3A_1534, %sign3A_1541 : i32
    %rem3A_1543 = arith.remsi %get3A_1525, %jit3A_1526 : i32
    %ne3A_1544 = arith.constant 0 : i32
    %ne3A_1545 = arith.cmpi ne, %rem3A_1543, %ne3A_1544 : i32
    %and3A_1546 = arith.andi %ne3A_1542, %ne3A_1545 : i1
    %sub3A_1547 = arith.constant 1 : i32
    %sub3A_1548 = arith.subi %div3A_1527, %sub3A_1547 : i32
    %select_n3A_1549 = arith.select %and3A_1546, %sub3A_1548, %div3A_1527 : i32
    %jit3A_1550 = arith.constant 128 : i32
    %eq3A_1551 = arith.constant 0 : i32
    %eq3A_1552 = arith.cmpi eq, %jit3A_1550, %eq3A_1551 : i32
    %jit3A_1553 = arith.constant 1 : i32
    %select_n3A_1554 = arith.select %eq3A_1552, %jit3A_1553, %jit3A_1550 : i32
    %rem3A_1555 = arith.remsi %get3A_1525, %select_n3A_1554 : i32
    %ne3A_1556 = arith.constant 0 : i32
    %ne3A_1557 = arith.cmpi ne, %rem3A_1555, %ne3A_1556 : i32
    %lt3A_1558 = arith.constant 0 : i32
    %lt3A_1559 = arith.cmpi slt, %rem3A_1555, %lt3A_1558 : i32
    %lt3A_1560 = arith.constant 0 : i32
    %lt3A_1561 = arith.cmpi slt, %select_n3A_1554, %lt3A_1560 : i32
    %ne3A_1562 = arith.xori %lt3A_1559, %lt3A_1561 : i1
    %and3A_1563 = arith.andi %ne3A_1562, %ne3A_1557 : i1
    %add3A_1564 = arith.addi %rem3A_1555, %select_n3A_1554 : i32
    %select_n3A_1565 = arith.select %and3A_1563, %add3A_1564, %rem3A_1555 : i32
    %eq3A_1566 = vector.broadcast %select_n3A_1565 : i32 to vector<1x128xi32>
    %eq3A_1567 = arith.cmpi eq, %iota3A, %eq3A_1566 : vector<1x128xi32>
    %convert_element_type3A_1568 = arith.extui %eq3A_1567 : vector<1x128xi1> to vector<1x128xi32>
    %convert_element_type3A_1569 = arith.sitofp %convert_element_type3A_1568 : vector<1x128xi32> to vector<1x128xf32>
    %swap3A_1570 = arith.index_cast %rem3A_0 : i32 to index
    %swap3A_1571 = arith.constant 23 : index
    %swap3A_1572 = arith.index_cast %select_n3A_1549 : i32 to index
    %swap3A_1573 = arith.constant 0 : index
    %swap3A_1574 = vector.load %arg3[%swap3A_1570, %swap3A_1571, %swap3A_1572, %swap3A_1573] : memref<4x32x256x128xf32, #tpu.memory_space<vmem>>, vector<1x1x1x128xf32>
    %swap3A_1575 = vector.shape_cast %swap3A_1574 : vector<1x1x1x128xf32> to vector<1x128xf32>
    %swap3A_1576 = vector.shape_cast %convert_element_type3A_1569 : vector<1x128xf32> to vector<1x1x1x128xf32>
    tpu.vector_store %arg3[%swap3A_1570, %swap3A_1571, %swap3A_1572, %swap3A_1573], %swap3A_1576 {strides = array<i32>} : memref<4x32x256x128xf32, #tpu.memory_space<vmem>>, vector<1x1x1x128xf32>,
    %get3A_1577 = arith.index_cast %select_n3A_1549 : i32 to index
    %get3A_1578 = arith.constant 0 : index
    %get3A_1579 = vector.load %arg4[%get3A_1577, %get3A_1578] : memref<256x128xf32, #tpu.memory_space<vmem>>, vector<1x128xf32>
    %eq3A_1580 = vector.broadcast %select_n3A_1565 : i32 to vector<1x128xi32>
    %eq3A_1581 = arith.cmpi eq, %iota3A, %eq3A_1580 : vector<1x128xi32>
    %jit3A_1582 = arith.constant 0.000000e+00 : f32
    %broadcast_in_dim3A_1583 = vector.broadcast %jit3A_1582 : f32 to vector<1x128xf32>
    %select_n3A_1584 = arith.select %eq3A_1581, %broadcast_in_dim3A_1583, %get3A_1579 : vector<1x128xi1>, vector<1x128xf32>
    %swap3A_1585 = arith.index_cast %select_n3A_1549 : i32 to index
    %swap3A_1586 = arith.constant 0 : index
    %swap3A_1587 = vector.load %arg4[%swap3A_1585, %swap3A_1586] : memref<256x128xf32, #tpu.memory_space<vmem>>, vector<1x128xf32>
    tpu.vector_store %arg4[%swap3A_1585, %swap3A_1586], %select_n3A_1584 {strides = array<i32>} : memref<256x128xf32, #tpu.memory_space<vmem>>, vector<1x128xf32>,
    %get3A_1588 = arith.constant 0 : index
    %get3A_1589 = arith.constant 0 : index
    %get3A_1590 = arith.constant 24 : index
    %get3A_1591 = memref.load %arg1[%get3A_1588, %get3A_1589, %get3A_1590] : memref<1x1x32xi32, #tpu.memory_space<smem>>
    %jit3A_1592 = arith.constant 128 : i32
    %div3A_1593 = arith.divsi %get3A_1591, %jit3A_1592 : i32
    %sign3A_1594 = arith.constant 0 : i32
    %sign3A_1595 = arith.cmpi sgt, %get3A_1591, %sign3A_1594 : i32
    %sign3A_1596 = arith.extui %sign3A_1595 : i1 to i32
    %sign3A_1597 = arith.constant 0 : i32
    %sign3A_1598 = arith.cmpi slt, %get3A_1591, %sign3A_1597 : i32
    %sign3A_1599 = arith.extui %sign3A_1598 : i1 to i32
    %sign3A_1600 = arith.subi %sign3A_1596, %sign3A_1599 : i32
    %sign3A_1601 = arith.constant 0 : i32
    %sign3A_1602 = arith.cmpi sgt, %jit3A_1592, %sign3A_1601 : i32
    %sign3A_1603 = arith.extui %sign3A_1602 : i1 to i32
    %sign3A_1604 = arith.constant 0 : i32
    %sign3A_1605 = arith.cmpi slt, %jit3A_1592, %sign3A_1604 : i32
    %sign3A_1606 = arith.extui %sign3A_1605 : i1 to i32
    %sign3A_1607 = arith.subi %sign3A_1603, %sign3A_1606 : i32
    %ne3A_1608 = arith.cmpi ne, %sign3A_1600, %sign3A_1607 : i32
    %rem3A_1609 = arith.remsi %get3A_1591, %jit3A_1592 : i32
    %ne3A_1610 = arith.constant 0 : i32
    %ne3A_1611 = arith.cmpi ne, %rem3A_1609, %ne3A_1610 : i32
    %and3A_1612 = arith.andi %ne3A_1608, %ne3A_1611 : i1
    %sub3A_1613 = arith.constant 1 : i32
    %sub3A_1614 = arith.subi %div3A_1593, %sub3A_1613 : i32
    %select_n3A_1615 = arith.select %and3A_1612, %sub3A_1614, %div3A_1593 : i32
    %jit3A_1616 = arith.constant 128 : i32
    %eq3A_1617 = arith.constant 0 : i32
    %eq3A_1618 = arith.cmpi eq, %jit3A_1616, %eq3A_1617 : i32
    %jit3A_1619 = arith.constant 1 : i32
    %select_n3A_1620 = arith.select %eq3A_1618, %jit3A_1619, %jit3A_1616 : i32
    %rem3A_1621 = arith.remsi %get3A_1591, %select_n3A_1620 : i32
    %ne3A_1622 = arith.constant 0 : i32
    %ne3A_1623 = arith.cmpi ne, %rem3A_1621, %ne3A_1622 : i32
    %lt3A_1624 = arith.constant 0 : i32
    %lt3A_1625 = arith.cmpi slt, %rem3A_1621, %lt3A_1624 : i32
    %lt3A_1626 = arith.constant 0 : i32
    %lt3A_1627 = arith.cmpi slt, %select_n3A_1620, %lt3A_1626 : i32
    %ne3A_1628 = arith.xori %lt3A_1625, %lt3A_1627 : i1
    %and3A_1629 = arith.andi %ne3A_1628, %ne3A_1623 : i1
    %add3A_1630 = arith.addi %rem3A_1621, %select_n3A_1620 : i32
    %select_n3A_1631 = arith.select %and3A_1629, %add3A_1630, %rem3A_1621 : i32
    %eq3A_1632 = vector.broadcast %select_n3A_1631 : i32 to vector<1x128xi32>
    %eq3A_1633 = arith.cmpi eq, %iota3A, %eq3A_1632 : vector<1x128xi32>
    %convert_element_type3A_1634 = arith.extui %eq3A_1633 : vector<1x128xi1> to vector<1x128xi32>
    %convert_element_type3A_1635 = arith.sitofp %convert_element_type3A_1634 : vector<1x128xi32> to vector<1x128xf32>
    %swap3A_1636 = arith.index_cast %rem3A_0 : i32 to index
    %swap3A_1637 = arith.constant 24 : index
    %swap3A_1638 = arith.index_cast %select_n3A_1615 : i32 to index
    %swap3A_1639 = arith.constant 0 : index
    %swap3A_1640 = vector.load %arg3[%swap3A_1636, %swap3A_1637, %swap3A_1638, %swap3A_1639] : memref<4x32x256x128xf32, #tpu.memory_space<vmem>>, vector<1x1x1x128xf32>
    %swap3A_1641 = vector.shape_cast %swap3A_1640 : vector<1x1x1x128xf32> to vector<1x128xf32>
    %swap3A_1642 = vector.shape_cast %convert_element_type3A_1635 : vector<1x128xf32> to vector<1x1x1x128xf32>
    tpu.vector_store %arg3[%swap3A_1636, %swap3A_1637, %swap3A_1638, %swap3A_1639], %swap3A_1642 {strides = array<i32>} : memref<4x32x256x128xf32, #tpu.memory_space<vmem>>, vector<1x1x1x128xf32>,
    %get3A_1643 = arith.index_cast %select_n3A_1615 : i32 to index
    %get3A_1644 = arith.constant 0 : index
    %get3A_1645 = vector.load %arg4[%get3A_1643, %get3A_1644] : memref<256x128xf32, #tpu.memory_space<vmem>>, vector<1x128xf32>
    %eq3A_1646 = vector.broadcast %select_n3A_1631 : i32 to vector<1x128xi32>
    %eq3A_1647 = arith.cmpi eq, %iota3A, %eq3A_1646 : vector<1x128xi32>
    %jit3A_1648 = arith.constant 0.000000e+00 : f32
    %broadcast_in_dim3A_1649 = vector.broadcast %jit3A_1648 : f32 to vector<1x128xf32>
    %select_n3A_1650 = arith.select %eq3A_1647, %broadcast_in_dim3A_1649, %get3A_1645 : vector<1x128xi1>, vector<1x128xf32>
    %swap3A_1651 = arith.index_cast %select_n3A_1615 : i32 to index
    %swap3A_1652 = arith.constant 0 : index
    %swap3A_1653 = vector.load %arg4[%swap3A_1651, %swap3A_1652] : memref<256x128xf32, #tpu.memory_space<vmem>>, vector<1x128xf32>
    tpu.vector_store %arg4[%swap3A_1651, %swap3A_1652], %select_n3A_1650 {strides = array<i32>} : memref<256x128xf32, #tpu.memory_space<vmem>>, vector<1x128xf32>,
    %get3A_1654 = arith.constant 0 : index
    %get3A_1655 = arith.constant 0 : index
    %get3A_1656 = arith.constant 25 : index
    %get3A_1657 = memref.load %arg1[%get3A_1654, %get3A_1655, %get3A_1656] : memref<1x1x32xi32, #tpu.memory_space<smem>>
    %jit3A_1658 = arith.constant 128 : i32
    %div3A_1659 = arith.divsi %get3A_1657, %jit3A_1658 : i32
    %sign3A_1660 = arith.constant 0 : i32
    %sign3A_1661 = arith.cmpi sgt, %get3A_1657, %sign3A_1660 : i32
    %sign3A_1662 = arith.extui %sign3A_1661 : i1 to i32
    %sign3A_1663 = arith.constant 0 : i32
    %sign3A_1664 = arith.cmpi slt, %get3A_1657, %sign3A_1663 : i32
    %sign3A_1665 = arith.extui %sign3A_1664 : i1 to i32
    %sign3A_1666 = arith.subi %sign3A_1662, %sign3A_1665 : i32
    %sign3A_1667 = arith.constant 0 : i32
    %sign3A_1668 = arith.cmpi sgt, %jit3A_1658, %sign3A_1667 : i32
    %sign3A_1669 = arith.extui %sign3A_1668 : i1 to i32
    %sign3A_1670 = arith.constant 0 : i32
    %sign3A_1671 = arith.cmpi slt, %jit3A_1658, %sign3A_1670 : i32
    %sign3A_1672 = arith.extui %sign3A_1671 : i1 to i32
    %sign3A_1673 = arith.subi %sign3A_1669, %sign3A_1672 : i32
    %ne3A_1674 = arith.cmpi ne, %sign3A_1666, %sign3A_1673 : i32
    %rem3A_1675 = arith.remsi %get3A_1657, %jit3A_1658 : i32
    %ne3A_1676 = arith.constant 0 : i32
    %ne3A_1677 = arith.cmpi ne, %rem3A_1675, %ne3A_1676 : i32
    %and3A_1678 = arith.andi %ne3A_1674, %ne3A_1677 : i1
    %sub3A_1679 = arith.constant 1 : i32
    %sub3A_1680 = arith.subi %div3A_1659, %sub3A_1679 : i32
    %select_n3A_1681 = arith.select %and3A_1678, %sub3A_1680, %div3A_1659 : i32
    %jit3A_1682 = arith.constant 128 : i32
    %eq3A_1683 = arith.constant 0 : i32
    %eq3A_1684 = arith.cmpi eq, %jit3A_1682, %eq3A_1683 : i32
    %jit3A_1685 = arith.constant 1 : i32
    %select_n3A_1686 = arith.select %eq3A_1684, %jit3A_1685, %jit3A_1682 : i32
    %rem3A_1687 = arith.remsi %get3A_1657, %select_n3A_1686 : i32
    %ne3A_1688 = arith.constant 0 : i32
    %ne3A_1689 = arith.cmpi ne, %rem3A_1687, %ne3A_1688 : i32
    %lt3A_1690 = arith.constant 0 : i32
    %lt3A_1691 = arith.cmpi slt, %rem3A_1687, %lt3A_1690 : i32
    %lt3A_1692 = arith.constant 0 : i32
    %lt3A_1693 = arith.cmpi slt, %select_n3A_1686, %lt3A_1692 : i32
    %ne3A_1694 = arith.xori %lt3A_1691, %lt3A_1693 : i1
    %and3A_1695 = arith.andi %ne3A_1694, %ne3A_1689 : i1
    %add3A_1696 = arith.addi %rem3A_1687, %select_n3A_1686 : i32
    %select_n3A_1697 = arith.select %and3A_1695, %add3A_1696, %rem3A_1687 : i32
    %eq3A_1698 = vector.broadcast %select_n3A_1697 : i32 to vector<1x128xi32>
    %eq3A_1699 = arith.cmpi eq, %iota3A, %eq3A_1698 : vector<1x128xi32>
    %convert_element_type3A_1700 = arith.extui %eq3A_1699 : vector<1x128xi1> to vector<1x128xi32>
    %convert_element_type3A_1701 = arith.sitofp %convert_element_type3A_1700 : vector<1x128xi32> to vector<1x128xf32>
    %swap3A_1702 = arith.index_cast %rem3A_0 : i32 to index
    %swap3A_1703 = arith.constant 25 : index
    %swap3A_1704 = arith.index_cast %select_n3A_1681 : i32 to index
    %swap3A_1705 = arith.constant 0 : index
    %swap3A_1706 = vector.load %arg3[%swap3A_1702, %swap3A_1703, %swap3A_1704, %swap3A_1705] : memref<4x32x256x128xf32, #tpu.memory_space<vmem>>, vector<1x1x1x128xf32>
    %swap3A_1707 = vector.shape_cast %swap3A_1706 : vector<1x1x1x128xf32> to vector<1x128xf32>
    %swap3A_1708 = vector.shape_cast %convert_element_type3A_1701 : vector<1x128xf32> to vector<1x1x1x128xf32>
    tpu.vector_store %arg3[%swap3A_1702, %swap3A_1703, %swap3A_1704, %swap3A_1705], %swap3A_1708 {strides = array<i32>} : memref<4x32x256x128xf32, #tpu.memory_space<vmem>>, vector<1x1x1x128xf32>,
    %get3A_1709 = arith.index_cast %select_n3A_1681 : i32 to index
    %get3A_1710 = arith.constant 0 : index
    %get3A_1711 = vector.load %arg4[%get3A_1709, %get3A_1710] : memref<256x128xf32, #tpu.memory_space<vmem>>, vector<1x128xf32>
    %eq3A_1712 = vector.broadcast %select_n3A_1697 : i32 to vector<1x128xi32>
    %eq3A_1713 = arith.cmpi eq, %iota3A, %eq3A_1712 : vector<1x128xi32>
    %jit3A_1714 = arith.constant 0.000000e+00 : f32
    %broadcast_in_dim3A_1715 = vector.broadcast %jit3A_1714 : f32 to vector<1x128xf32>
    %select_n3A_1716 = arith.select %eq3A_1713, %broadcast_in_dim3A_1715, %get3A_1711 : vector<1x128xi1>, vector<1x128xf32>
    %swap3A_1717 = arith.index_cast %select_n3A_1681 : i32 to index
    %swap3A_1718 = arith.constant 0 : index
    %swap3A_1719 = vector.load %arg4[%swap3A_1717, %swap3A_1718] : memref<256x128xf32, #tpu.memory_space<vmem>>, vector<1x128xf32>
    tpu.vector_store %arg4[%swap3A_1717, %swap3A_1718], %select_n3A_1716 {strides = array<i32>} : memref<256x128xf32, #tpu.memory_space<vmem>>, vector<1x128xf32>,
    %get3A_1720 = arith.constant 0 : index
    %get3A_1721 = arith.constant 0 : index
    %get3A_1722 = arith.constant 26 : index
    %get3A_1723 = memref.load %arg1[%get3A_1720, %get3A_1721, %get3A_1722] : memref<1x1x32xi32, #tpu.memory_space<smem>>
    %jit3A_1724 = arith.constant 128 : i32
    %div3A_1725 = arith.divsi %get3A_1723, %jit3A_1724 : i32
    %sign3A_1726 = arith.constant 0 : i32
    %sign3A_1727 = arith.cmpi sgt, %get3A_1723, %sign3A_1726 : i32
    %sign3A_1728 = arith.extui %sign3A_1727 : i1 to i32
    %sign3A_1729 = arith.constant 0 : i32
    %sign3A_1730 = arith.cmpi slt, %get3A_1723, %sign3A_1729 : i32
    %sign3A_1731 = arith.extui %sign3A_1730 : i1 to i32
    %sign3A_1732 = arith.subi %sign3A_1728, %sign3A_1731 : i32
    %sign3A_1733 = arith.constant 0 : i32
    %sign3A_1734 = arith.cmpi sgt, %jit3A_1724, %sign3A_1733 : i32
    %sign3A_1735 = arith.extui %sign3A_1734 : i1 to i32
    %sign3A_1736 = arith.constant 0 : i32
    %sign3A_1737 = arith.cmpi slt, %jit3A_1724, %sign3A_1736 : i32
    %sign3A_1738 = arith.extui %sign3A_1737 : i1 to i32
    %sign3A_1739 = arith.subi %sign3A_1735, %sign3A_1738 : i32
    %ne3A_1740 = arith.cmpi ne, %sign3A_1732, %sign3A_1739 : i32
    %rem3A_1741 = arith.remsi %get3A_1723, %jit3A_1724 : i32
    %ne3A_1742 = arith.constant 0 : i32
    %ne3A_1743 = arith.cmpi ne, %rem3A_1741, %ne3A_1742 : i32
    %and3A_1744 = arith.andi %ne3A_1740, %ne3A_1743 : i1
    %sub3A_1745 = arith.constant 1 : i32
    %sub3A_1746 = arith.subi %div3A_1725, %sub3A_1745 : i32
    %select_n3A_1747 = arith.select %and3A_1744, %sub3A_1746, %div3A_1725 : i32
    %jit3A_1748 = arith.constant 128 : i32
    %eq3A_1749 = arith.constant 0 : i32
    %eq3A_1750 = arith.cmpi eq, %jit3A_1748, %eq3A_1749 : i32
    %jit3A_1751 = arith.constant 1 : i32
    %select_n3A_1752 = arith.select %eq3A_1750, %jit3A_1751, %jit3A_1748 : i32
    %rem3A_1753 = arith.remsi %get3A_1723, %select_n3A_1752 : i32
    %ne3A_1754 = arith.constant 0 : i32
    %ne3A_1755 = arith.cmpi ne, %rem3A_1753, %ne3A_1754 : i32
    %lt3A_1756 = arith.constant 0 : i32
    %lt3A_1757 = arith.cmpi slt, %rem3A_1753, %lt3A_1756 : i32
    %lt3A_1758 = arith.constant 0 : i32
    %lt3A_1759 = arith.cmpi slt, %select_n3A_1752, %lt3A_1758 : i32
    %ne3A_1760 = arith.xori %lt3A_1757, %lt3A_1759 : i1
    %and3A_1761 = arith.andi %ne3A_1760, %ne3A_1755 : i1
    %add3A_1762 = arith.addi %rem3A_1753, %select_n3A_1752 : i32
    %select_n3A_1763 = arith.select %and3A_1761, %add3A_1762, %rem3A_1753 : i32
    %eq3A_1764 = vector.broadcast %select_n3A_1763 : i32 to vector<1x128xi32>
    %eq3A_1765 = arith.cmpi eq, %iota3A, %eq3A_1764 : vector<1x128xi32>
    %convert_element_type3A_1766 = arith.extui %eq3A_1765 : vector<1x128xi1> to vector<1x128xi32>
    %convert_element_type3A_1767 = arith.sitofp %convert_element_type3A_1766 : vector<1x128xi32> to vector<1x128xf32>
    %swap3A_1768 = arith.index_cast %rem3A_0 : i32 to index
    %swap3A_1769 = arith.constant 26 : index
    %swap3A_1770 = arith.index_cast %select_n3A_1747 : i32 to index
    %swap3A_1771 = arith.constant 0 : index
    %swap3A_1772 = vector.load %arg3[%swap3A_1768, %swap3A_1769, %swap3A_1770, %swap3A_1771] : memref<4x32x256x128xf32, #tpu.memory_space<vmem>>, vector<1x1x1x128xf32>
    %swap3A_1773 = vector.shape_cast %swap3A_1772 : vector<1x1x1x128xf32> to vector<1x128xf32>
    %swap3A_1774 = vector.shape_cast %convert_element_type3A_1767 : vector<1x128xf32> to vector<1x1x1x128xf32>
    tpu.vector_store %arg3[%swap3A_1768, %swap3A_1769, %swap3A_1770, %swap3A_1771], %swap3A_1774 {strides = array<i32>} : memref<4x32x256x128xf32, #tpu.memory_space<vmem>>, vector<1x1x1x128xf32>,
    %get3A_1775 = arith.index_cast %select_n3A_1747 : i32 to index
    %get3A_1776 = arith.constant 0 : index
    %get3A_1777 = vector.load %arg4[%get3A_1775, %get3A_1776] : memref<256x128xf32, #tpu.memory_space<vmem>>, vector<1x128xf32>
    %eq3A_1778 = vector.broadcast %select_n3A_1763 : i32 to vector<1x128xi32>
    %eq3A_1779 = arith.cmpi eq, %iota3A, %eq3A_1778 : vector<1x128xi32>
    %jit3A_1780 = arith.constant 0.000000e+00 : f32
    %broadcast_in_dim3A_1781 = vector.broadcast %jit3A_1780 : f32 to vector<1x128xf32>
    %select_n3A_1782 = arith.select %eq3A_1779, %broadcast_in_dim3A_1781, %get3A_1777 : vector<1x128xi1>, vector<1x128xf32>
    %swap3A_1783 = arith.index_cast %select_n3A_1747 : i32 to index
    %swap3A_1784 = arith.constant 0 : index
    %swap3A_1785 = vector.load %arg4[%swap3A_1783, %swap3A_1784] : memref<256x128xf32, #tpu.memory_space<vmem>>, vector<1x128xf32>
    tpu.vector_store %arg4[%swap3A_1783, %swap3A_1784], %select_n3A_1782 {strides = array<i32>} : memref<256x128xf32, #tpu.memory_space<vmem>>, vector<1x128xf32>,
    %get3A_1786 = arith.constant 0 : index
    %get3A_1787 = arith.constant 0 : index
    %get3A_1788 = arith.constant 27 : index
    %get3A_1789 = memref.load %arg1[%get3A_1786, %get3A_1787, %get3A_1788] : memref<1x1x32xi32, #tpu.memory_space<smem>>
    %jit3A_1790 = arith.constant 128 : i32
    %div3A_1791 = arith.divsi %get3A_1789, %jit3A_1790 : i32
    %sign3A_1792 = arith.constant 0 : i32
    %sign3A_1793 = arith.cmpi sgt, %get3A_1789, %sign3A_1792 : i32
    %sign3A_1794 = arith.extui %sign3A_1793 : i1 to i32
    %sign3A_1795 = arith.constant 0 : i32
    %sign3A_1796 = arith.cmpi slt, %get3A_1789, %sign3A_1795 : i32
    %sign3A_1797 = arith.extui %sign3A_1796 : i1 to i32
    %sign3A_1798 = arith.subi %sign3A_1794, %sign3A_1797 : i32
    %sign3A_1799 = arith.constant 0 : i32
    %sign3A_1800 = arith.cmpi sgt, %jit3A_1790, %sign3A_1799 : i32
    %sign3A_1801 = arith.extui %sign3A_1800 : i1 to i32
    %sign3A_1802 = arith.constant 0 : i32
    %sign3A_1803 = arith.cmpi slt, %jit3A_1790, %sign3A_1802 : i32
    %sign3A_1804 = arith.extui %sign3A_1803 : i1 to i32
    %sign3A_1805 = arith.subi %sign3A_1801, %sign3A_1804 : i32
    %ne3A_1806 = arith.cmpi ne, %sign3A_1798, %sign3A_1805 : i32
    %rem3A_1807 = arith.remsi %get3A_1789, %jit3A_1790 : i32
    %ne3A_1808 = arith.constant 0 : i32
    %ne3A_1809 = arith.cmpi ne, %rem3A_1807, %ne3A_1808 : i32
    %and3A_1810 = arith.andi %ne3A_1806, %ne3A_1809 : i1
    %sub3A_1811 = arith.constant 1 : i32
    %sub3A_1812 = arith.subi %div3A_1791, %sub3A_1811 : i32
    %select_n3A_1813 = arith.select %and3A_1810, %sub3A_1812, %div3A_1791 : i32
    %jit3A_1814 = arith.constant 128 : i32
    %eq3A_1815 = arith.constant 0 : i32
    %eq3A_1816 = arith.cmpi eq, %jit3A_1814, %eq3A_1815 : i32
    %jit3A_1817 = arith.constant 1 : i32
    %select_n3A_1818 = arith.select %eq3A_1816, %jit3A_1817, %jit3A_1814 : i32
    %rem3A_1819 = arith.remsi %get3A_1789, %select_n3A_1818 : i32
    %ne3A_1820 = arith.constant 0 : i32
    %ne3A_1821 = arith.cmpi ne, %rem3A_1819, %ne3A_1820 : i32
    %lt3A_1822 = arith.constant 0 : i32
    %lt3A_1823 = arith.cmpi slt, %rem3A_1819, %lt3A_1822 : i32
    %lt3A_1824 = arith.constant 0 : i32
    %lt3A_1825 = arith.cmpi slt, %select_n3A_1818, %lt3A_1824 : i32
    %ne3A_1826 = arith.xori %lt3A_1823, %lt3A_1825 : i1
    %and3A_1827 = arith.andi %ne3A_1826, %ne3A_1821 : i1
    %add3A_1828 = arith.addi %rem3A_1819, %select_n3A_1818 : i32
    %select_n3A_1829 = arith.select %and3A_1827, %add3A_1828, %rem3A_1819 : i32
    %eq3A_1830 = vector.broadcast %select_n3A_1829 : i32 to vector<1x128xi32>
    %eq3A_1831 = arith.cmpi eq, %iota3A, %eq3A_1830 : vector<1x128xi32>
    %convert_element_type3A_1832 = arith.extui %eq3A_1831 : vector<1x128xi1> to vector<1x128xi32>
    %convert_element_type3A_1833 = arith.sitofp %convert_element_type3A_1832 : vector<1x128xi32> to vector<1x128xf32>
    %swap3A_1834 = arith.index_cast %rem3A_0 : i32 to index
    %swap3A_1835 = arith.constant 27 : index
    %swap3A_1836 = arith.index_cast %select_n3A_1813 : i32 to index
    %swap3A_1837 = arith.constant 0 : index
    %swap3A_1838 = vector.load %arg3[%swap3A_1834, %swap3A_1835, %swap3A_1836, %swap3A_1837] : memref<4x32x256x128xf32, #tpu.memory_space<vmem>>, vector<1x1x1x128xf32>
    %swap3A_1839 = vector.shape_cast %swap3A_1838 : vector<1x1x1x128xf32> to vector<1x128xf32>
    %swap3A_1840 = vector.shape_cast %convert_element_type3A_1833 : vector<1x128xf32> to vector<1x1x1x128xf32>
    tpu.vector_store %arg3[%swap3A_1834, %swap3A_1835, %swap3A_1836, %swap3A_1837], %swap3A_1840 {strides = array<i32>} : memref<4x32x256x128xf32, #tpu.memory_space<vmem>>, vector<1x1x1x128xf32>,
    %get3A_1841 = arith.index_cast %select_n3A_1813 : i32 to index
    %get3A_1842 = arith.constant 0 : index
    %get3A_1843 = vector.load %arg4[%get3A_1841, %get3A_1842] : memref<256x128xf32, #tpu.memory_space<vmem>>, vector<1x128xf32>
    %eq3A_1844 = vector.broadcast %select_n3A_1829 : i32 to vector<1x128xi32>
    %eq3A_1845 = arith.cmpi eq, %iota3A, %eq3A_1844 : vector<1x128xi32>
    %jit3A_1846 = arith.constant 0.000000e+00 : f32
    %broadcast_in_dim3A_1847 = vector.broadcast %jit3A_1846 : f32 to vector<1x128xf32>
    %select_n3A_1848 = arith.select %eq3A_1845, %broadcast_in_dim3A_1847, %get3A_1843 : vector<1x128xi1>, vector<1x128xf32>
    %swap3A_1849 = arith.index_cast %select_n3A_1813 : i32 to index
    %swap3A_1850 = arith.constant 0 : index
    %swap3A_1851 = vector.load %arg4[%swap3A_1849, %swap3A_1850] : memref<256x128xf32, #tpu.memory_space<vmem>>, vector<1x128xf32>
    tpu.vector_store %arg4[%swap3A_1849, %swap3A_1850], %select_n3A_1848 {strides = array<i32>} : memref<256x128xf32, #tpu.memory_space<vmem>>, vector<1x128xf32>,
    %get3A_1852 = arith.constant 0 : index
    %get3A_1853 = arith.constant 0 : index
    %get3A_1854 = arith.constant 28 : index
    %get3A_1855 = memref.load %arg1[%get3A_1852, %get3A_1853, %get3A_1854] : memref<1x1x32xi32, #tpu.memory_space<smem>>
    %jit3A_1856 = arith.constant 128 : i32
    %div3A_1857 = arith.divsi %get3A_1855, %jit3A_1856 : i32
    %sign3A_1858 = arith.constant 0 : i32
    %sign3A_1859 = arith.cmpi sgt, %get3A_1855, %sign3A_1858 : i32
    %sign3A_1860 = arith.extui %sign3A_1859 : i1 to i32
    %sign3A_1861 = arith.constant 0 : i32
    %sign3A_1862 = arith.cmpi slt, %get3A_1855, %sign3A_1861 : i32
    %sign3A_1863 = arith.extui %sign3A_1862 : i1 to i32
    %sign3A_1864 = arith.subi %sign3A_1860, %sign3A_1863 : i32
    %sign3A_1865 = arith.constant 0 : i32
    %sign3A_1866 = arith.cmpi sgt, %jit3A_1856, %sign3A_1865 : i32
    %sign3A_1867 = arith.extui %sign3A_1866 : i1 to i32
    %sign3A_1868 = arith.constant 0 : i32
    %sign3A_1869 = arith.cmpi slt, %jit3A_1856, %sign3A_1868 : i32
    %sign3A_1870 = arith.extui %sign3A_1869 : i1 to i32
    %sign3A_1871 = arith.subi %sign3A_1867, %sign3A_1870 : i32
    %ne3A_1872 = arith.cmpi ne, %sign3A_1864, %sign3A_1871 : i32
    %rem3A_1873 = arith.remsi %get3A_1855, %jit3A_1856 : i32
    %ne3A_1874 = arith.constant 0 : i32
    %ne3A_1875 = arith.cmpi ne, %rem3A_1873, %ne3A_1874 : i32
    %and3A_1876 = arith.andi %ne3A_1872, %ne3A_1875 : i1
    %sub3A_1877 = arith.constant 1 : i32
    %sub3A_1878 = arith.subi %div3A_1857, %sub3A_1877 : i32
    %select_n3A_1879 = arith.select %and3A_1876, %sub3A_1878, %div3A_1857 : i32
    %jit3A_1880 = arith.constant 128 : i32
    %eq3A_1881 = arith.constant 0 : i32
    %eq3A_1882 = arith.cmpi eq, %jit3A_1880, %eq3A_1881 : i32
    %jit3A_1883 = arith.constant 1 : i32
    %select_n3A_1884 = arith.select %eq3A_1882, %jit3A_1883, %jit3A_1880 : i32
    %rem3A_1885 = arith.remsi %get3A_1855, %select_n3A_1884 : i32
    %ne3A_1886 = arith.constant 0 : i32
    %ne3A_1887 = arith.cmpi ne, %rem3A_1885, %ne3A_1886 : i32
    %lt3A_1888 = arith.constant 0 : i32
    %lt3A_1889 = arith.cmpi slt, %rem3A_1885, %lt3A_1888 : i32
    %lt3A_1890 = arith.constant 0 : i32
    %lt3A_1891 = arith.cmpi slt, %select_n3A_1884, %lt3A_1890 : i32
    %ne3A_1892 = arith.xori %lt3A_1889, %lt3A_1891 : i1
    %and3A_1893 = arith.andi %ne3A_1892, %ne3A_1887 : i1
    %add3A_1894 = arith.addi %rem3A_1885, %select_n3A_1884 : i32
    %select_n3A_1895 = arith.select %and3A_1893, %add3A_1894, %rem3A_1885 : i32
    %eq3A_1896 = vector.broadcast %select_n3A_1895 : i32 to vector<1x128xi32>
    %eq3A_1897 = arith.cmpi eq, %iota3A, %eq3A_1896 : vector<1x128xi32>
    %convert_element_type3A_1898 = arith.extui %eq3A_1897 : vector<1x128xi1> to vector<1x128xi32>
    %convert_element_type3A_1899 = arith.sitofp %convert_element_type3A_1898 : vector<1x128xi32> to vector<1x128xf32>
    %swap3A_1900 = arith.index_cast %rem3A_0 : i32 to index
    %swap3A_1901 = arith.constant 28 : index
    %swap3A_1902 = arith.index_cast %select_n3A_1879 : i32 to index
    %swap3A_1903 = arith.constant 0 : index
    %swap3A_1904 = vector.load %arg3[%swap3A_1900, %swap3A_1901, %swap3A_1902, %swap3A_1903] : memref<4x32x256x128xf32, #tpu.memory_space<vmem>>, vector<1x1x1x128xf32>
    %swap3A_1905 = vector.shape_cast %swap3A_1904 : vector<1x1x1x128xf32> to vector<1x128xf32>
    %swap3A_1906 = vector.shape_cast %convert_element_type3A_1899 : vector<1x128xf32> to vector<1x1x1x128xf32>
    tpu.vector_store %arg3[%swap3A_1900, %swap3A_1901, %swap3A_1902, %swap3A_1903], %swap3A_1906 {strides = array<i32>} : memref<4x32x256x128xf32, #tpu.memory_space<vmem>>, vector<1x1x1x128xf32>,
    %get3A_1907 = arith.index_cast %select_n3A_1879 : i32 to index
    %get3A_1908 = arith.constant 0 : index
    %get3A_1909 = vector.load %arg4[%get3A_1907, %get3A_1908] : memref<256x128xf32, #tpu.memory_space<vmem>>, vector<1x128xf32>
    %eq3A_1910 = vector.broadcast %select_n3A_1895 : i32 to vector<1x128xi32>
    %eq3A_1911 = arith.cmpi eq, %iota3A, %eq3A_1910 : vector<1x128xi32>
    %jit3A_1912 = arith.constant 0.000000e+00 : f32
    %broadcast_in_dim3A_1913 = vector.broadcast %jit3A_1912 : f32 to vector<1x128xf32>
    %select_n3A_1914 = arith.select %eq3A_1911, %broadcast_in_dim3A_1913, %get3A_1909 : vector<1x128xi1>, vector<1x128xf32>
    %swap3A_1915 = arith.index_cast %select_n3A_1879 : i32 to index
    %swap3A_1916 = arith.constant 0 : index
    %swap3A_1917 = vector.load %arg4[%swap3A_1915, %swap3A_1916] : memref<256x128xf32, #tpu.memory_space<vmem>>, vector<1x128xf32>
    tpu.vector_store %arg4[%swap3A_1915, %swap3A_1916], %select_n3A_1914 {strides = array<i32>} : memref<256x128xf32, #tpu.memory_space<vmem>>, vector<1x128xf32>,
    %get3A_1918 = arith.constant 0 : index
    %get3A_1919 = arith.constant 0 : index
    %get3A_1920 = arith.constant 29 : index
    %get3A_1921 = memref.load %arg1[%get3A_1918, %get3A_1919, %get3A_1920] : memref<1x1x32xi32, #tpu.memory_space<smem>>
    %jit3A_1922 = arith.constant 128 : i32
    %div3A_1923 = arith.divsi %get3A_1921, %jit3A_1922 : i32
    %sign3A_1924 = arith.constant 0 : i32
    %sign3A_1925 = arith.cmpi sgt, %get3A_1921, %sign3A_1924 : i32
    %sign3A_1926 = arith.extui %sign3A_1925 : i1 to i32
    %sign3A_1927 = arith.constant 0 : i32
    %sign3A_1928 = arith.cmpi slt, %get3A_1921, %sign3A_1927 : i32
    %sign3A_1929 = arith.extui %sign3A_1928 : i1 to i32
    %sign3A_1930 = arith.subi %sign3A_1926, %sign3A_1929 : i32
    %sign3A_1931 = arith.constant 0 : i32
    %sign3A_1932 = arith.cmpi sgt, %jit3A_1922, %sign3A_1931 : i32
    %sign3A_1933 = arith.extui %sign3A_1932 : i1 to i32
    %sign3A_1934 = arith.constant 0 : i32
    %sign3A_1935 = arith.cmpi slt, %jit3A_1922, %sign3A_1934 : i32
    %sign3A_1936 = arith.extui %sign3A_1935 : i1 to i32
    %sign3A_1937 = arith.subi %sign3A_1933, %sign3A_1936 : i32
    %ne3A_1938 = arith.cmpi ne, %sign3A_1930, %sign3A_1937 : i32
    %rem3A_1939 = arith.remsi %get3A_1921, %jit3A_1922 : i32
    %ne3A_1940 = arith.constant 0 : i32
    %ne3A_1941 = arith.cmpi ne, %rem3A_1939, %ne3A_1940 : i32
    %and3A_1942 = arith.andi %ne3A_1938, %ne3A_1941 : i1
    %sub3A_1943 = arith.constant 1 : i32
    %sub3A_1944 = arith.subi %div3A_1923, %sub3A_1943 : i32
    %select_n3A_1945 = arith.select %and3A_1942, %sub3A_1944, %div3A_1923 : i32
    %jit3A_1946 = arith.constant 128 : i32
    %eq3A_1947 = arith.constant 0 : i32
    %eq3A_1948 = arith.cmpi eq, %jit3A_1946, %eq3A_1947 : i32
    %jit3A_1949 = arith.constant 1 : i32
    %select_n3A_1950 = arith.select %eq3A_1948, %jit3A_1949, %jit3A_1946 : i32
    %rem3A_1951 = arith.remsi %get3A_1921, %select_n3A_1950 : i32
    %ne3A_1952 = arith.constant 0 : i32
    %ne3A_1953 = arith.cmpi ne, %rem3A_1951, %ne3A_1952 : i32
    %lt3A_1954 = arith.constant 0 : i32
    %lt3A_1955 = arith.cmpi slt, %rem3A_1951, %lt3A_1954 : i32
    %lt3A_1956 = arith.constant 0 : i32
    %lt3A_1957 = arith.cmpi slt, %select_n3A_1950, %lt3A_1956 : i32
    %ne3A_1958 = arith.xori %lt3A_1955, %lt3A_1957 : i1
    %and3A_1959 = arith.andi %ne3A_1958, %ne3A_1953 : i1
    %add3A_1960 = arith.addi %rem3A_1951, %select_n3A_1950 : i32
    %select_n3A_1961 = arith.select %and3A_1959, %add3A_1960, %rem3A_1951 : i32
    %eq3A_1962 = vector.broadcast %select_n3A_1961 : i32 to vector<1x128xi32>
    %eq3A_1963 = arith.cmpi eq, %iota3A, %eq3A_1962 : vector<1x128xi32>
    %convert_element_type3A_1964 = arith.extui %eq3A_1963 : vector<1x128xi1> to vector<1x128xi32>
    %convert_element_type3A_1965 = arith.sitofp %convert_element_type3A_1964 : vector<1x128xi32> to vector<1x128xf32>
    %swap3A_1966 = arith.index_cast %rem3A_0 : i32 to index
    %swap3A_1967 = arith.constant 29 : index
    %swap3A_1968 = arith.index_cast %select_n3A_1945 : i32 to index
    %swap3A_1969 = arith.constant 0 : index
    %swap3A_1970 = vector.load %arg3[%swap3A_1966, %swap3A_1967, %swap3A_1968, %swap3A_1969] : memref<4x32x256x128xf32, #tpu.memory_space<vmem>>, vector<1x1x1x128xf32>
    %swap3A_1971 = vector.shape_cast %swap3A_1970 : vector<1x1x1x128xf32> to vector<1x128xf32>
    %swap3A_1972 = vector.shape_cast %convert_element_type3A_1965 : vector<1x128xf32> to vector<1x1x1x128xf32>
    tpu.vector_store %arg3[%swap3A_1966, %swap3A_1967, %swap3A_1968, %swap3A_1969], %swap3A_1972 {strides = array<i32>} : memref<4x32x256x128xf32, #tpu.memory_space<vmem>>, vector<1x1x1x128xf32>,
    %get3A_1973 = arith.index_cast %select_n3A_1945 : i32 to index
    %get3A_1974 = arith.constant 0 : index
    %get3A_1975 = vector.load %arg4[%get3A_1973, %get3A_1974] : memref<256x128xf32, #tpu.memory_space<vmem>>, vector<1x128xf32>
    %eq3A_1976 = vector.broadcast %select_n3A_1961 : i32 to vector<1x128xi32>
    %eq3A_1977 = arith.cmpi eq, %iota3A, %eq3A_1976 : vector<1x128xi32>
    %jit3A_1978 = arith.constant 0.000000e+00 : f32
    %broadcast_in_dim3A_1979 = vector.broadcast %jit3A_1978 : f32 to vector<1x128xf32>
    %select_n3A_1980 = arith.select %eq3A_1977, %broadcast_in_dim3A_1979, %get3A_1975 : vector<1x128xi1>, vector<1x128xf32>
    %swap3A_1981 = arith.index_cast %select_n3A_1945 : i32 to index
    %swap3A_1982 = arith.constant 0 : index
    %swap3A_1983 = vector.load %arg4[%swap3A_1981, %swap3A_1982] : memref<256x128xf32, #tpu.memory_space<vmem>>, vector<1x128xf32>
    tpu.vector_store %arg4[%swap3A_1981, %swap3A_1982], %select_n3A_1980 {strides = array<i32>} : memref<256x128xf32, #tpu.memory_space<vmem>>, vector<1x128xf32>,
    %get3A_1984 = arith.constant 0 : index
    %get3A_1985 = arith.constant 0 : index
    %get3A_1986 = arith.constant 30 : index
    %get3A_1987 = memref.load %arg1[%get3A_1984, %get3A_1985, %get3A_1986] : memref<1x1x32xi32, #tpu.memory_space<smem>>
    %jit3A_1988 = arith.constant 128 : i32
    %div3A_1989 = arith.divsi %get3A_1987, %jit3A_1988 : i32
    %sign3A_1990 = arith.constant 0 : i32
    %sign3A_1991 = arith.cmpi sgt, %get3A_1987, %sign3A_1990 : i32
    %sign3A_1992 = arith.extui %sign3A_1991 : i1 to i32
    %sign3A_1993 = arith.constant 0 : i32
    %sign3A_1994 = arith.cmpi slt, %get3A_1987, %sign3A_1993 : i32
    %sign3A_1995 = arith.extui %sign3A_1994 : i1 to i32
    %sign3A_1996 = arith.subi %sign3A_1992, %sign3A_1995 : i32
    %sign3A_1997 = arith.constant 0 : i32
    %sign3A_1998 = arith.cmpi sgt, %jit3A_1988, %sign3A_1997 : i32
    %sign3A_1999 = arith.extui %sign3A_1998 : i1 to i32
    %sign3A_2000 = arith.constant 0 : i32
    %sign3A_2001 = arith.cmpi slt, %jit3A_1988, %sign3A_2000 : i32
    %sign3A_2002 = arith.extui %sign3A_2001 : i1 to i32
    %sign3A_2003 = arith.subi %sign3A_1999, %sign3A_2002 : i32
    %ne3A_2004 = arith.cmpi ne, %sign3A_1996, %sign3A_2003 : i32
    %rem3A_2005 = arith.remsi %get3A_1987, %jit3A_1988 : i32
    %ne3A_2006 = arith.constant 0 : i32
    %ne3A_2007 = arith.cmpi ne, %rem3A_2005, %ne3A_2006 : i32
    %and3A_2008 = arith.andi %ne3A_2004, %ne3A_2007 : i1
    %sub3A_2009 = arith.constant 1 : i32
    %sub3A_2010 = arith.subi %div3A_1989, %sub3A_2009 : i32
    %select_n3A_2011 = arith.select %and3A_2008, %sub3A_2010, %div3A_1989 : i32
    %jit3A_2012 = arith.constant 128 : i32
    %eq3A_2013 = arith.constant 0 : i32
    %eq3A_2014 = arith.cmpi eq, %jit3A_2012, %eq3A_2013 : i32
    %jit3A_2015 = arith.constant 1 : i32
    %select_n3A_2016 = arith.select %eq3A_2014, %jit3A_2015, %jit3A_2012 : i32
    %rem3A_2017 = arith.remsi %get3A_1987, %select_n3A_2016 : i32
    %ne3A_2018 = arith.constant 0 : i32
    %ne3A_2019 = arith.cmpi ne, %rem3A_2017, %ne3A_2018 : i32
    %lt3A_2020 = arith.constant 0 : i32
    %lt3A_2021 = arith.cmpi slt, %rem3A_2017, %lt3A_2020 : i32
    %lt3A_2022 = arith.constant 0 : i32
    %lt3A_2023 = arith.cmpi slt, %select_n3A_2016, %lt3A_2022 : i32
    %ne3A_2024 = arith.xori %lt3A_2021, %lt3A_2023 : i1
    %and3A_2025 = arith.andi %ne3A_2024, %ne3A_2019 : i1
    %add3A_2026 = arith.addi %rem3A_2017, %select_n3A_2016 : i32
    %select_n3A_2027 = arith.select %and3A_2025, %add3A_2026, %rem3A_2017 : i32
    %eq3A_2028 = vector.broadcast %select_n3A_2027 : i32 to vector<1x128xi32>
    %eq3A_2029 = arith.cmpi eq, %iota3A, %eq3A_2028 : vector<1x128xi32>
    %convert_element_type3A_2030 = arith.extui %eq3A_2029 : vector<1x128xi1> to vector<1x128xi32>
    %convert_element_type3A_2031 = arith.sitofp %convert_element_type3A_2030 : vector<1x128xi32> to vector<1x128xf32>
    %swap3A_2032 = arith.index_cast %rem3A_0 : i32 to index
    %swap3A_2033 = arith.constant 30 : index
    %swap3A_2034 = arith.index_cast %select_n3A_2011 : i32 to index
    %swap3A_2035 = arith.constant 0 : index
    %swap3A_2036 = vector.load %arg3[%swap3A_2032, %swap3A_2033, %swap3A_2034, %swap3A_2035] : memref<4x32x256x128xf32, #tpu.memory_space<vmem>>, vector<1x1x1x128xf32>
    %swap3A_2037 = vector.shape_cast %swap3A_2036 : vector<1x1x1x128xf32> to vector<1x128xf32>
    %swap3A_2038 = vector.shape_cast %convert_element_type3A_2031 : vector<1x128xf32> to vector<1x1x1x128xf32>
    tpu.vector_store %arg3[%swap3A_2032, %swap3A_2033, %swap3A_2034, %swap3A_2035], %swap3A_2038 {strides = array<i32>} : memref<4x32x256x128xf32, #tpu.memory_space<vmem>>, vector<1x1x1x128xf32>,
    %get3A_2039 = arith.index_cast %select_n3A_2011 : i32 to index
    %get3A_2040 = arith.constant 0 : index
    %get3A_2041 = vector.load %arg4[%get3A_2039, %get3A_2040] : memref<256x128xf32, #tpu.memory_space<vmem>>, vector<1x128xf32>
    %eq3A_2042 = vector.broadcast %select_n3A_2027 : i32 to vector<1x128xi32>
    %eq3A_2043 = arith.cmpi eq, %iota3A, %eq3A_2042 : vector<1x128xi32>
    %jit3A_2044 = arith.constant 0.000000e+00 : f32
    %broadcast_in_dim3A_2045 = vector.broadcast %jit3A_2044 : f32 to vector<1x128xf32>
    %select_n3A_2046 = arith.select %eq3A_2043, %broadcast_in_dim3A_2045, %get3A_2041 : vector<1x128xi1>, vector<1x128xf32>
    %swap3A_2047 = arith.index_cast %select_n3A_2011 : i32 to index
    %swap3A_2048 = arith.constant 0 : index
    %swap3A_2049 = vector.load %arg4[%swap3A_2047, %swap3A_2048] : memref<256x128xf32, #tpu.memory_space<vmem>>, vector<1x128xf32>
    tpu.vector_store %arg4[%swap3A_2047, %swap3A_2048], %select_n3A_2046 {strides = array<i32>} : memref<256x128xf32, #tpu.memory_space<vmem>>, vector<1x128xf32>,
    %get3A_2050 = arith.constant 0 : index
    %get3A_2051 = arith.constant 0 : index
    %get3A_2052 = vector.load %arg4[%get3A_2050, %get3A_2051] : memref<256x128xf32, #tpu.memory_space<vmem>>, vector<256x128xf32>
    %swap3A_2053 = arith.index_cast %rem3A_0 : i32 to index
    %swap3A_2054 = arith.constant 31 : index
    %swap3A_2055 = arith.constant 0 : index
    %swap3A_2056 = arith.constant 0 : index
    %swap3A_2057 = vector.load %arg3[%swap3A_2053, %swap3A_2054, %swap3A_2055, %swap3A_2056] : memref<4x32x256x128xf32, #tpu.memory_space<vmem>>, vector<1x1x256x128xf32>
    %swap3A_2058 = vector.shape_cast %swap3A_2057 : vector<1x1x256x128xf32> to vector<256x128xf32>
    %swap3A_2059 = vector.shape_cast %get3A_2052 : vector<256x128xf32> to vector<1x1x256x128xf32>
    tpu.vector_store %arg3[%swap3A_2053, %swap3A_2054, %swap3A_2055, %swap3A_2056], %swap3A_2059 {strides = array<i32>} : memref<4x32x256x128xf32, #tpu.memory_space<vmem>>, vector<1x1x256x128xf32>,
    %dma_start3A = tpu.memref_slice %arg5[%rem3A_0] : memref<4x!tpu.dma_semaphore, #tpu.memory_space<semaphore_mem>> -> memref<1x!tpu.dma_semaphore, #tpu.memory_space<semaphore_mem>>
    %dma_start3A_2060 = tpu.memref_squeeze %dma_start3A : memref<1x!tpu.dma_semaphore, #tpu.memory_space<semaphore_mem>> -> memref<!tpu.dma_semaphore, #tpu.memory_space<semaphore_mem>>
    %dma_start3A_2061 = arith.constant 0 : i32
    %dma_start3A_2062 = arith.constant 0 : i32
    %dma_start3A_2063 = arith.constant 0 : i32
    %dma_start3A_2064 = tpu.memref_slice %arg2[%arg0, %dma_start3A_2061, %dma_start3A_2062, %dma_start3A_2063] : memref<32x32x256x128xf32, #tpu.memory_space<any>> -> memref<1x32x256x128xf32, #tpu.memory_space<any>>
    %dma_start3A_2065 = tpu.memref_squeeze %dma_start3A_2064 : memref<1x32x256x128xf32, #tpu.memory_space<any>> -> memref<32x256x128xf32, #tpu.memory_space<any>>
    %dma_start3A_2066 = arith.constant 0 : i32
    %dma_start3A_2067 = arith.constant 0 : i32
    %dma_start3A_2068 = arith.constant 0 : i32
    %dma_start3A_2069 = tpu.memref_slice %arg3[%rem3A_0, %dma_start3A_2066, %dma_start3A_2067, %dma_start3A_2068] : memref<4x32x256x128xf32, #tpu.memory_space<vmem>> -> memref<1x32x256x128xf32, #tpu.memory_space<vmem>>
    %dma_start3A_2070 = tpu.memref_squeeze %dma_start3A_2069 : memref<1x32x256x128xf32, #tpu.memory_space<vmem>> -> memref<32x256x128xf32, #tpu.memory_space<vmem>>
    tpu.enqueue_dma source(%dma_start3A_2070 : memref<32x256x128xf32, #tpu.memory_space<vmem>>) target(%dma_start3A_2065 : memref<32x256x128xf32, #tpu.memory_space<any>>) target_semaphore(%dma_start3A_2060 : memref<!tpu.dma_semaphore, #tpu.memory_space<semaphore_mem>>)
    %eq3A_2071 = arith.constant 31 : i32
    %eq3A_2072 = arith.cmpi eq, %arg0, %eq3A_2071 : i32
    %convert_element_type3A_2073 = arith.extui %eq3A_2072 : i1 to i32
    %cond3A_2074 = arith.constant 0 : i32
    %cond3A_2075 = arith.cmpi ne, %convert_element_type3A_2073, %cond3A_2074 : i32
    scf.if %cond3A_2075 {
      %dma_wait3A = arith.constant 0 : i32
      %dma_wait3A_2076 = arith.constant 0 : i32
      %dma_wait3A_2077 = tpu.memref_slice %arg5[%dma_wait3A_2076] : memref<4x!tpu.dma_semaphore, #tpu.memory_space<semaphore_mem>> -> memref<1x!tpu.dma_semaphore, #tpu.memory_space<semaphore_mem>>
      %dma_wait3A_2078 = tpu.memref_squeeze %dma_wait3A_2077 : memref<1x!tpu.dma_semaphore, #tpu.memory_space<semaphore_mem>> -> memref<!tpu.dma_semaphore, #tpu.memory_space<semaphore_mem>>
      %dma_wait3A_2079 = arith.constant 0 : i32
      %dma_wait3A_2080 = arith.constant 0 : i32
      %dma_wait3A_2081 = arith.constant 0 : i32
      %dma_wait3A_2082 = tpu.memref_slice %arg2[%arg0, %dma_wait3A_2079, %dma_wait3A_2080, %dma_wait3A_2081] : memref<32x32x256x128xf32, #tpu.memory_space<any>> -> memref<1x32x256x128xf32, #tpu.memory_space<any>>
      %dma_wait3A_2083 = tpu.memref_squeeze %dma_wait3A_2082 : memref<1x32x256x128xf32, #tpu.memory_space<any>> -> memref<32x256x128xf32, #tpu.memory_space<any>>
      %dma_wait3A_2084 = arith.constant 0 : i32
      %dma_wait3A_2085 = arith.constant 0 : i32
      %dma_wait3A_2086 = arith.constant 0 : i32
      %dma_wait3A_2087 = tpu.memref_slice %arg3[%dma_wait3A, %dma_wait3A_2084, %dma_wait3A_2085, %dma_wait3A_2086] : memref<4x32x256x128xf32, #tpu.memory_space<vmem>> -> memref<1x32x256x128xf32, #tpu.memory_space<vmem>>
      %dma_wait3A_2088 = tpu.memref_squeeze %dma_wait3A_2087 : memref<1x32x256x128xf32, #tpu.memory_space<vmem>> -> memref<32x256x128xf32, #tpu.memory_space<vmem>>
      tpu.wait_dma2 semaphore(%dma_wait3A_2078 : memref<!tpu.dma_semaphore, #tpu.memory_space<semaphore_mem>>) src(%dma_wait3A_2088 : memref<32x256x128xf32, #tpu.memory_space<vmem>>) dst(%dma_wait3A_2083 : memref<32x256x128xf32, #tpu.memory_space<any>>)
      %dma_wait3A_2089 = arith.constant 1 : i32
      %dma_wait3A_2090 = arith.constant 1 : i32
      %dma_wait3A_2091 = tpu.memref_slice %arg5[%dma_wait3A_2090] : memref<4x!tpu.dma_semaphore, #tpu.memory_space<semaphore_mem>> -> memref<1x!tpu.dma_semaphore, #tpu.memory_space<semaphore_mem>>
      %dma_wait3A_2092 = tpu.memref_squeeze %dma_wait3A_2091 : memref<1x!tpu.dma_semaphore, #tpu.memory_space<semaphore_mem>> -> memref<!tpu.dma_semaphore, #tpu.memory_space<semaphore_mem>>
      %dma_wait3A_2093 = arith.constant 0 : i32
      %dma_wait3A_2094 = arith.constant 0 : i32
      %dma_wait3A_2095 = arith.constant 0 : i32
      %dma_wait3A_2096 = tpu.memref_slice %arg2[%arg0, %dma_wait3A_2093, %dma_wait3A_2094, %dma_wait3A_2095] : memref<32x32x256x128xf32, #tpu.memory_space<any>> -> memref<1x32x256x128xf32, #tpu.memory_space<any>>
      %dma_wait3A_2097 = tpu.memref_squeeze %dma_wait3A_2096 : memref<1x32x256x128xf32, #tpu.memory_space<any>> -> memref<32x256x128xf32, #tpu.memory_space<any>>
      %dma_wait3A_2098 = arith.constant 0 : i32
      %dma_wait3A_2099 = arith.constant 0 : i32
      %dma_wait3A_2100 = arith.constant 0 : i32
      %dma_wait3A_2101 = tpu.memref_slice %arg3[%dma_wait3A_2089, %dma_wait3A_2098, %dma_wait3A_2099, %dma_wait3A_2100] : memref<4x32x256x128xf32, #tpu.memory_space<vmem>> -> memref<1x32x256x128xf32, #tpu.memory_space<vmem>>
      %dma_wait3A_2102 = tpu.memref_squeeze %dma_wait3A_2101 : memref<1x32x256x128xf32, #tpu.memory_space<vmem>> -> memref<32x256x128xf32, #tpu.memory_space<vmem>>
      tpu.wait_dma2 semaphore(%dma_wait3A_2092 : memref<!tpu.dma_semaphore, #tpu.memory_space<semaphore_mem>>) src(%dma_wait3A_2102 : memref<32x256x128xf32, #tpu.memory_space<vmem>>) dst(%dma_wait3A_2097 : memref<32x256x128xf32, #tpu.memory_space<any>>)
      %dma_wait3A_2103 = arith.constant 2 : i32
      %dma_wait3A_2104 = arith.constant 2 : i32
      %dma_wait3A_2105 = tpu.memref_slice %arg5[%dma_wait3A_2104] : memref<4x!tpu.dma_semaphore, #tpu.memory_space<semaphore_mem>> -> memref<1x!tpu.dma_semaphore, #tpu.memory_space<semaphore_mem>>
      %dma_wait3A_2106 = tpu.memref_squeeze %dma_wait3A_2105 : memref<1x!tpu.dma_semaphore, #tpu.memory_space<semaphore_mem>> -> memref<!tpu.dma_semaphore, #tpu.memory_space<semaphore_mem>>
      %dma_wait3A_2107 = arith.constant 0 : i32
      %dma_wait3A_2108 = arith.constant 0 : i32
      %dma_wait3A_2109 = arith.constant 0 : i32
      %dma_wait3A_2110 = tpu.memref_slice %arg2[%arg0, %dma_wait3A_2107, %dma_wait3A_2108, %dma_wait3A_2109] : memref<32x32x256x128xf32, #tpu.memory_space<any>> -> memref<1x32x256x128xf32, #tpu.memory_space<any>>
      %dma_wait3A_2111 = tpu.memref_squeeze %dma_wait3A_2110 : memref<1x32x256x128xf32, #tpu.memory_space<any>> -> memref<32x256x128xf32, #tpu.memory_space<any>>
      %dma_wait3A_2112 = arith.constant 0 : i32
      %dma_wait3A_2113 = arith.constant 0 : i32
      %dma_wait3A_2114 = arith.constant 0 : i32
      %dma_wait3A_2115 = tpu.memref_slice %arg3[%dma_wait3A_2103, %dma_wait3A_2112, %dma_wait3A_2113, %dma_wait3A_2114] : memref<4x32x256x128xf32, #tpu.memory_space<vmem>> -> memref<1x32x256x128xf32, #tpu.memory_space<vmem>>
      %dma_wait3A_2116 = tpu.memref_squeeze %dma_wait3A_2115 : memref<1x32x256x128xf32, #tpu.memory_space<vmem>> -> memref<32x256x128xf32, #tpu.memory_space<vmem>>
      tpu.wait_dma2 semaphore(%dma_wait3A_2106 : memref<!tpu.dma_semaphore, #tpu.memory_space<semaphore_mem>>) src(%dma_wait3A_2116 : memref<32x256x128xf32, #tpu.memory_space<vmem>>) dst(%dma_wait3A_2111 : memref<32x256x128xf32, #tpu.memory_space<any>>)
      %dma_wait3A_2117 = arith.constant 3 : i32
      %dma_wait3A_2118 = arith.constant 3 : i32
      %dma_wait3A_2119 = tpu.memref_slice %arg5[%dma_wait3A_2118] : memref<4x!tpu.dma_semaphore, #tpu.memory_space<semaphore_mem>> -> memref<1x!tpu.dma_semaphore, #tpu.memory_space<semaphore_mem>>
      %dma_wait3A_2120 = tpu.memref_squeeze %dma_wait3A_2119 : memref<1x!tpu.dma_semaphore, #tpu.memory_space<semaphore_mem>> -> memref<!tpu.dma_semaphore, #tpu.memory_space<semaphore_mem>>
      %dma_wait3A_2121 = arith.constant 0 : i32
      %dma_wait3A_2122 = arith.constant 0 : i32
      %dma_wait3A_2123 = arith.constant 0 : i32
      %dma_wait3A_2124 = tpu.memref_slice %arg2[%arg0, %dma_wait3A_2121, %dma_wait3A_2122, %dma_wait3A_2123] : memref<32x32x256x128xf32, #tpu.memory_space<any>> -> memref<1x32x256x128xf32, #tpu.memory_space<any>>
      %dma_wait3A_2125 = tpu.memref_squeeze %dma_wait3A_2124 : memref<1x32x256x128xf32, #tpu.memory_space<any>> -> memref<32x256x128xf32, #tpu.memory_space<any>>
      %dma_wait3A_2126 = arith.constant 0 : i32
      %dma_wait3A_2127 = arith.constant 0 : i32
      %dma_wait3A_2128 = arith.constant 0 : i32
      %dma_wait3A_2129 = tpu.memref_slice %arg3[%dma_wait3A_2117, %dma_wait3A_2126, %dma_wait3A_2127, %dma_wait3A_2128] : memref<4x32x256x128xf32, #tpu.memory_space<vmem>> -> memref<1x32x256x128xf32, #tpu.memory_space<vmem>>
      %dma_wait3A_2130 = tpu.memref_squeeze %dma_wait3A_2129 : memref<1x32x256x128xf32, #tpu.memory_space<vmem>> -> memref<32x256x128xf32, #tpu.memory_space<vmem>>
      tpu.wait_dma2 semaphore(%dma_wait3A_2120 : memref<!tpu.dma_semaphore, #tpu.memory_space<semaphore_mem>>) src(%dma_wait3A_2130 : memref<32x256x128xf32, #tpu.memory_space<vmem>>) dst(%dma_wait3A_2125 : memref<32x256x128xf32, #tpu.memory_space<any>>)
    } else {
    }
    return
  }
  func.func @transform_0(%arg0: i32) -> (i32, i32, i32) {
    %c0_i32 = arith.constant 0 : i32
    %c0_i32_0 = arith.constant 0 : i32
    %c0_i32_1 = arith.constant 0 : i32
    return %arg0, %c0_i32, %c0_i32_0 : i32, i32, i32
  }
}

</mosaic_0001>

<sc_bundles>
// kernel: kernel.4.cloned.1.call-start
scs
__scs_entry_jumppad:
0x0: {  	(pc) =	sbr.rel $0x88, $3  }
0x1: {  	(tag) =	ssettag $0x0;
	lr =	simm.s32 $0x1  }
0x2: {  	[smem:$0x3FA0] =	sst lr;
	_ =	strace $0xD0000000  }
0x3: {  	_ = 	snop  }
0x4: {  	_ = 	snop  }
0x5: {  	_ = 	snop  }
0x6: {  	_ = 	snop  }
0x7: {  	_ = 	snop  }
__scs_overlays_trampoline_lowered:
0x8: {  	[smem:$0x3FAF] =	sst s0  }
0x9: {  	[smem:$0x3FB0] =	sst s1  }
0xa: {  	[smem:$0x3FB1] =	sst s2  }
0xb: {  	[smem:$0x3FB2] =	sst s3  }
0xc: {  	[smem:$0x3FB3] =	sst s4  }
0xd: {  	[smem:$0x3FB4] =	sst s5  }
0xe: {  	[smem:$0x3FB5] =	sst s6  }
0xf: {  	[smem:$0x3FB6] =	sst s7  }
0x10: {  	[smem:$0x3FB7] =	sst s8  }
0x11: {  	[smem:$0x3FB8] =	sst s9;
	s0 =	simm.s32 @!p0 $0x0  }
0x12: {  	s1 =	sld [smem:$0x3F9E];
	s0 =	simm.s32 @p0 $0x1  }
0x13: {  	[smem:$0x3FB9] =	sst s0;
	s0 =	simm.s32 @!p1 $0x0  }
0x14: {  	s2 =	sld [smem:$0x3F9D];
	s0 =	simm.s32 @p1 $0x1  }
0x15: {  	[smem:$0x3FBA] =	sst s0;
	s0 =	simm.s32 @!p2 $0x0  }
0x16: {  	s3 =	sld [smem:$0x3FDB];
	s0 =	simm.s32 @p2 $0x1  }
0x17: {  	s4 =	simm.s32 $0x1BF5;
	[smem:$0x3FBC] =	sst s0  }
0x18: {  	s0 =	sld [smem:$0x3F9F];
	_ =	swait.ge [sflag:s4], $0x0  }
0x19: {  	s7 =	sld [smem:$0x3FA0]  }
0x1a: {  	s8 =	sadd.s32 $0xFFFFE003, lr  }
0x1b: {  	s9 =	sadd.s32 $0xFFFFFEF7, lr;
	s5 =	simm.s32 $0xFFFFFFFF;
	p2 =	slt.u32 s8, $0xFFFFF086  }
0x1c: {  	p1 =	slt.u32 s9, $0xF7A;
	s5 =	simm.s32 @!p2 $0x0  }
0x1d: {  	s5 =	simm.s32 @p1 $0x1;
	p0 =	seq.s32 s7, s2  }
0x1e: {  	s7 =	smul.u32 @!p0 $0xF7A, s2;
	p2 =	seq.s32 @!p0 s5, $0x0  }
0x1f: {  	s9 =	smul.u32 $0xF7A, s1;
	s8 =	simm.s32 @!p0 $0x1BF5;
	p2 =	por !p2, p0  }
0x20: {  	[sflag:s8] =	ssyncset.s32 @!p0 $0xFFFFF086;
	s6 =	sadd.s32 @!p0 s3, s7;
	s7 =	simm.s32 @!p0 $0x108  }
0x21: {  	s3 =	sadd.s32 s3, s9;
	s6 =	sadd.s32 @!p0 $0x88, s6;
	s7 =	simm.s32 @p2 $0x1082  }
0x22: {  	[simem:s7], [sflag:s8] =	dma.local @!p0 [hbm:s6], $0xF7A  }
0x23: {  	s9 =	sor.u32 $0xD0000000, s2;
	s6 =	simm.s32 $0x108;
	_ =	swait.ge @!p0 [sflag:s8], $0x0  }
0x24: {  	s3 =	sadd.s32 $0x88, s3;
	s6 =	simm.s32 @!p1 $0x1082;
	[sflag:s4] =	ssyncset.s32 $0xFFFFF086  }
0x25: {  	[simem:s6], [sflag:s4] =	dma.local [hbm:s3], $0xF7A  }
0x26: {  	[smem:$0x3FA0] =	sst s1;
	(tag) =	ssettag s2;
	_ =	strace s9  }
0x27: {  	s1 =	sld [smem:$0x3FB0]  }
0x28: {  	s2 =	sld [smem:$0x3FB1]  }
0x29: {  	s4 =	sld [smem:$0x3FB3]  }
0x2a: {  	p0 =	seq.s32 s5, $0x0;
	s5 =	sld [smem:$0x3FB4]  }
0x2b: {  	s6 =	sld [smem:$0x3FB5]  }
0x2c: {  	s7 =	sld [smem:$0x3FB6]  }
0x2d: {  	s3 =	simm.s32 $0x108;
	s8 =	sld [smem:$0x3FB7]  }
0x2e: {  	s3 =	simm.s32 @!p0 $0x1082;
	s9 =	sld [smem:$0x3FB8]  }
0x2f: {  	lr =	sadd.s32 s0, s3;
	s0 =	sld [smem:$0x3FAF]  }
0x30: {  	s3 =	sld [smem:$0x3FB2]  }
0x31: {  	[smem:$0x3FBB] =	sst s10  }
0x32: {  	s10 =	sld [smem:$0x3FB9];
	_ =	sdelay $0x3  }
0x33: {  	p0 =	seq.s32 s10, $0x1;
	s10 =	sld [smem:$0x3FBB];
	_ =	sdelay $0x3  }
0x34: {  	[smem:$0x3FBB] =	sst s10  }
0x35: {  	s10 =	sld [smem:$0x3FBA];
	_ =	sdelay $0x3  }
0x36: {  	p1 =	seq.s32 s10, $0x1;
	s10 =	sld [smem:$0x3FBB];
	_ =	sdelay $0x3  }
0x37: {  	[smem:$0x3FBB] =	sst s10  }
0x38: {  	s10 =	sld [smem:$0x3FBC]  }
0x39: {  	_ = 	snop;
	(pc) =	sbr.ind lr, $3  }
0x3a: {  	_ = 	snop  }
0x3b: {  	_ = 	snop  }
0x3c: {  	p2 =	seq.s32 s10, $0x1;
	s10 =	sld [smem:$0x3FBB]  }
0x3d: {  	_ =	shalt  }
0x3e: {  	_ =	shalt  }
0x3f: {  	_ =	shalt  }
0x40: {  	_ =	shalt  }
0x41: {  	_ =	shalt  }
0x42: {  	_ =	shalt  }
0x43: {  	_ =	shalt  }
0x44: {  	_ =	shalt  }
0x45: {  	_ =	shalt  }
0x46: {  	_ =	shalt  }
0x47: {  	_ =	shalt  }
0x48: {  	_ =	shalt  }
0x49: {  	_ =	shalt  }
0x4a: {  	_ =	shalt  }
0x4b: {  	_ =	shalt  }
0x4c: {  	_ =	shalt  }
0x4d: {  	_ =	shalt  }
0x4e: {  	_ =	shalt  }
0x4f: {  	_ =	shalt  }
0x50: {  	_ =	shalt  }
0x51: {  	_ =	shalt  }
0x52: {  	_ =	shalt  }
0x53: {  	_ =	shalt  }
0x54: {  	_ =	shalt  }
0x55: {  	_ =	shalt  }
0x56: {  	_ =	shalt  }
0x57: {  	_ =	shalt  }
0x58: {  	_ =	shalt  }
0x59: {  	_ =	shalt  }
0x5a: {  	_ =	shalt  }
0x5b: {  	_ =	shalt  }
0x5c: {  	_ =	shalt  }
0x5d: {  	_ =	shalt  }
0x5e: {  	_ =	shalt  }
0x5f: {  	_ =	shalt  }
0x60: {  	_ =	shalt  }
0x61: {  	_ =	shalt  }
0x62: {  	_ =	shalt  }
0x63: {  	_ =	shalt  }
0x64: {  	_ =	shalt  }
0x65: {  	_ =	shalt  }
0x66: {  	_ =	shalt  }
0x67: {  	_ =	shalt  }
0x68: {  	_ =	shalt  }
0x69: {  	_ =	shalt  }
0x6a: {  	_ =	shalt  }
0x6b: {  	_ =	shalt  }
0x6c: {  	_ =	shalt  }
0x6d: {  	_ =	shalt  }
0x6e: {  	_ =	shalt  }
0x6f: {  	_ =	shalt  }
0x70: {  	_ =	shalt  }
0x71: {  	_ =	shalt  }
0x72: {  	_ =	shalt  }
0x73: {  	_ =	shalt  }
0x74: {  	_ =	shalt  }
0x75: {  	_ =	shalt  }
0x76: {  	_ =	shalt  }
0x77: {  	_ =	shalt  }
0x78: {  	_ =	shalt  }
0x79: {  	_ =	shalt  }
0x7a: {  	_ =	shalt  }
0x7b: {  	_ =	shalt  }
0x7c: {  	_ =	shalt  }
0x7d: {  	_ =	shalt  }
0x7e: {  	_ =	shalt  }
0x7f: {  	_ =	shalt  }
0x80: {  	_ =	shalt  }
0x81: {  	_ =	shalt  }
0x82: {  	_ =	shalt  }
0x83: {  	_ =	shalt  }
0x84: {  	_ =	shalt  }
0x85: {  	_ =	shalt  }
0x86: {  	_ =	shalt  }
0x87: {  	_ =	shalt  }
.Lfunc_end0:
.L_simem_size_0:
called_computation_lowered:
.L_overlay_start_0:
0x88: {  	s2 =	sld [smem:$0x3FD9]  }
0x89: {  	s3 =	sld [smem:$0x3FFE];
	_ =	sdelay $0x1  }
0x8a: {  	s1 =	srdreg.scid  }
0x8b: {  	s0 =	sand.u32 $0x1, s1  }
0x8c: {  	s18 =	sshll.u32 s0, $0xA;
	s2 =	sadd.s32 s3, s2  }
0x8d: {  	s2 =	sadd.s32 s2, s18  }
0x8e: {  	[smem:$0x3FC7] =	sst s2  }
0x8f: {  	_ = 	snop  }
0x90: {  	s2 =	sld [smem:$0x3FC9]  }
0x91: {  	s19 =	sld [smem:$0x3FD0];
	(tm) =	ssettm $0x1  }
0x92: {  	s4 =	sld [smem:$0x3FFB];
	_ =	sdelay $0x3  }
0x93: {  	_ =	strace s4  }
0x94: {  	s4 =	sld [smem:$0x3FFC];
	_ =	sdelay $0x3  }
0x95: {  	_ =	strace s4  }
0x96: {  	s4 =	sld [smem:$0x3FFD];
	_ =	sdelay $0x3  }
0x97: {  	_ =	strace s4  }
0x98: {  	_ =	strace $0x8FFFFFFF  }
0x99: {  	s20 =	sld [smem:$0x3FDB];
	_ =	sdelay $0x1  }
0x9a: {  	s5 =	simm.s32 $_scs_section_size  }
0x9b: {  	s6 =	simm.s32 $_size__tile_overlayer_lowered;
	s7 =	simm.s32 $_tile_overlayer_lowered  }
0x9c: {  	s23 =	simm.s32 $0x1BFF;
	s22 =	sshll.u32 s7, $0x1;
	s4 =	sadd.s32 s5, s20  }
0x9d: {  	s8 =	simm.s32 $0x0;
	s21 =	sshll.u32 s6, $0x1;
	s6 =	sadd.s32 s22, s4  }
0x9e: {  	[timem:s8], [sflag:s23] =	dma.local [hbm:s6], s21  }
0x9f: {  	_ =	swait.ge [sflag:s23], s21  }
0xa0: {  	s5 =	ssub.s32 $0x0, s21;
	[sflag:s23] =	ssyncset.done $0x0  }
0xa1: {  	[sflag:s23] =	ssyncadd.s32 s5;
	_ =	sdelay $0x1  }
0xa2: {  	s24 =	simm.s32 $0x1B8B  }
0xa3: {  	_ =	swait.ge [sflag:s24], $0x1  }
0xa4: {  	[sflag:s24] =	ssyncset.done $0x0  }
0xa5: {  	s25 =	simm.s32 $0x1B8E;
	[sflag:s24] =	ssyncadd.s32 $0xFFFFFFFF  }
0xa6: {  	s26 =	simm.s32 $execute0_lowered;
	[smem:$0x3FD2] =	sst s25  }
0xa7: {  	s5 =	sshll.u32 s26, $0x1;
	_ =	strace $0x80000046;
	[dreg:$0x1] =	wrdreg $0xFFFFFFFF  }
0xa8: {  	s28 =	simm.s32 $_size_execute0_lowered;
	s4 =	sadd.s32 s4, s5;
	[dreg:$0x0] =	wrdreg $0x0  }
0xa9: {  	s5 =	sshll.u32 s28, $0x1;
	[dreg:$0x2] =	wrdreg s4  }
0xaa: {  	[dreg:$0x3] =	wrdreg s5  }
0xab: {  	[dreg:$0x4] =	wrdreg $0xC0  }
0xac: {  	_ =	task [dreg:s8], $0x5FFFF  }
0xad: {  	[dreg:$0x1] =	wrdreg $0xFFFFFFFF  }
0xae: {  	[dreg:$0x0] =	wrdreg $0x60  }
0xaf: {  	[dreg:$0x2] =	wrdreg s2  }
0xb0: {  	[dreg:$0x3] =	wrdreg s19  }
0xb1: {  	[dreg:$0x4] =	wrdreg $0x9  }
0xb2: {  	_ =	task.clear_ibuf [dreg:s8], $0x5FFFF;
	_ =	strace $0x90000046  }
0xb3: {  	s29 =	simm.s32 $0x9;
	_ =	strace $0x80000048  }
0xb4: {  	_ =	swait.ge [sflag:s29], $0x1  }
0xb5: {  	[sflag:s29] =	ssyncadd.s32 $0xFFFFFFFF  }
0xb6: {  	_ =	strace $0x90000048  }
0xb7: {  	_ =	sfence  }
0xb8: {  	s30 =	sld [smem:$0x0];
	_ =	sdelay $0x2  }
0xb9: {  	s31 =	sshll.u32 s1, $0xD;
	s1 =	sshrl.u32 s1, $0x2  }
0xba: {  	s3 =	sand.u32 $0x4000, s31;
	s1 =	sadd.s32 s1, s30  }
0xbb: {  	s0 =	sor.u32 s3, s0;
	s1 =	sshll.u32 s1, $0x11  }
0xbc: {  	s0 =	sor.u32 s1, s0  }
0xbd: {  	s0 =	sadd.s32 $0x8F2B, s0  }
0xbe: {  	[sflag:s0] =	ssyncadd.remote.s32 $0x1  }
0xbf: {  	_ =	sfence.sel $0xFFFF  }
0xc0: {  	[dreg:$0x0] =	wrdreg $0xFFFFFFFF;
	(pc) =	sbr.abs _section_cstart, $3  }
0xc1: {  	[dreg:$0x1] =	wrdreg $0xFFFFFFFF  }
0xc2: {  	_ =	task.clear_ibuf [dreg:s8], $0x2FFFF;
	_ =	strace $0x9FFFFFFF  }
0xc3: {  	(tm) =	ssettm $0x7FFFFFFF  }
tec
execute0_lowered:
.L_overlay_start_1:
0x0: {  	(tag) =	ssettag $0x1  }
0x1: {  	s3 =	rddreg [dreg:$0x0]  }
0x2: {  	s4 =	rddreg [dreg:$0x1]  }
0x3: {  	s0 =	rddreg [dreg:$0x2];
	s2 =	simm.s32 $0x0  }
0x4: {  	s5 =	srdreg.scid;
	s1 =	stileid.u32;
	s10 =	simm.s32 $0x10000  }
0x5: {  	s11 =	simm.s32 $0x18000;
	s12 =	simm.s32 $0x0;
	[smem:$0x7FF] =	sst s2  }
0x6: {  	s5 =	sand.u32 $0x1, s5;
	s6 =	sshll.u32 s1, $0x8;
	s7 =	sshrl.u32 s1, $0x2  }
0x7: {  	s8 =	sshll.u32 s5, $0x7;
	s6 =	sand.u32 $0x300, s6;
	_ =	strace $0x80000047  }
0x8: {  	s31 =	sshll.u32 s7, $0x12;
	s5 =	ssub.s32 $0x2, s5;
	s7 =	sshll.u32 s7, $0xA  }
.Ltmp0:
0x9: {  	s6 =	sor.u32 s8, s6;
	s9 =	sshrl.u32 s5, $0x1;
	(pc) =	sbr.rel .LBB2_1-.Ltmp0, $4  }
0xa: {  	s8 =	sor.u32 s31, s6;
	s6 =	sor.u32 s7, s6;
	s5 =	ssub.s32 s5, s9  }
0xb: {  	s7 =	simm.s32 $0x400;
	s9 =	simm.s32 $0x8000;
	s8 =	sshrl.u32 s8, $0x3  }
0xc: {  	v0 =	vimm.s32 $0x0;
	s6 =	sshrl.u32 s6, $0x3;
	s5 =	smax.u32 s5, $0x1;
	s3 =	sadd.s32 s3, s8  }
0xd: {  	v1 =	vlaneseq.u32;
	v2 =	vimm.f32 $-1.000000000e+00;
	v3 =	vimm.s32 $0x1F;
	s4 =	sadd.s32 s4, s6;
	s6 =	simm.s32 $0x80;
	s8 =	simm.s32 $0x1  }
.LBB2_14:
0xe: {  	_ =	sdelay $0x1  }
0xf: {  	s12 =	sadd.s32 $0x1, s12  }
0x10: {  	p0 =	sne.s32 s12, s5  }
.Ltmp1:
0x11: {  	[tilespmem:v3+s11+$0x0] =	vst.idx.msk $0x1, v0;
	(pc) =	sbr.rel @!p0 .LBB2_15-.Ltmp1, $4  }
0x12: {  	[hbm4b:s4+s2] =	stream.linear.scatter [tilespmem:s11], [sflag:$0x1], $0x80, $0x38;
	[tilespmem:$0x18080] =	vst v63  }
0x13: {  	_ =	swait.ge [sflag:s8], $0x80  }
0x14: {  	[sflag:s8] =	ssyncset.done $0x0  }
0x15: {  	[sflag:s8] =	ssyncadd.s32 $0xFFFFFF80  }
.LBB2_1:
0x16: {  	[tilespmem:s2], [sflag:$0x1] =	stream.strided.gather [hbm4b:s3+s6], $0x8000, s7, s6, $0x38;
	[tilespmem:$0x18080] =	vst v63  }
0x17: {  	_ =	swait.ge [sflag:s8], $0x8000  }
0x18: {  	[sflag:s8] =	ssyncset.done $0x0  }
0x19: {  	s13 =	simm.s32 $0x0;
	[sflag:s8] =	ssyncadd.s32 $0xFFFF8000  }
0x1a: {  	v4 =	vld [tilespmem:s13+$0x30]  }
0x1b: {  	v5 =	vld [tilespmem:s13+$0x0]  }
0x1c: {  	v6 =	vld [tilespmem:s13+$0x10]  }
0x1d: {  	v8 =	vld [tilespmem:s13+$0x20];
	_ =	sdelay $0x3  }
0x1e: {  	s14 =	simm.s32 $0x40;
	v4 =	vand.u32 $0x7FFFFFFF, v4  }
0x1f: {  	v12 =	vld [tilespmem:s14+$0x30];
	v7 =	vand.u32 $0x7FFFFFFF, v5;
	v10 =	vand.u32 $0x7FFFFFFF, v6;
	v8 =	vand.u32 $0x7FFFFFFF, v8  }
0x20: {  	v13 =	vld [tilespmem:s14+$0x0];
	v9 =	vmin.f32 v2, v4;
	v5 =	vmax.f32 v2, v7;
	v11 =	vmin.f32 v2, v8  }
0x21: {  	v14 =	vld [tilespmem:s14+$0x10];
	v8 =	vmax.f32 v2, v8;
	v6 =	vmax.f32 v2, v9;
	v9 =	vmin.f32 v2, v7  }
0x22: {  	v15 =	vld [tilespmem:s14+$0x20];
	v7 =	vmax.f32 v2, v10;
	v10 =	vmin.f32 v2, v10;
	v11 =	vmax.f32 v2, v11  }
0x23: {  	v18 =	vimm.f32 $-1.000000000e+00;
	s13 =	simm.s32 $0x200;
	v17 =	vmovc v5;
	v9 =	vmax.f32 v2, v9;
	v10 =	vmax.f32 v2, v10;
	v16 =	vmovc v7  }
.LBB2_2:
0x24: {  	s14 =	sshra.s32 s13, $0x2;
	p0 =	sne.s32 s13, $0x1FF00;
	s13 =	sadd.s32 $0x100, s13;
	v18 =	vmax.f32 v18, v4;
	v4 =	vand.u32 $0x7FFFFFFF, v12  }
.Ltmp2:
0x25: {  	v12 =	vld [tilespmem:s14+$0x30];
	v19 =	vand.u32 $0x7FFFFFFF, v13;
	v20 =	vmin.f32 v18, v4;
	(pc) =	sbr.rel @p0 .LBB2_2-.Ltmp2, $4  }
0x26: {  	v13 =	vld [tilespmem:s14+$0x0];
	v5 =	vmax.f32 v5, v19;
	v21 =	vand.u32 $0x7FFFFFFF, v14;
	v6 =	vmax.f32 v6, v20  }
0x27: {  	v19 =	vmin.f32 v17, v19;
	v14 =	vld [tilespmem:s14+$0x10];
	v7 =	vmax.f32 v7, v21;
	v20 =	vand.u32 $0x7FFFFFFF, v15;
	v17 =	vmovc v5  }
0x28: {  	v21 =	vmin.f32 v16, v21;
	v15 =	vld [tilespmem:s14+$0x20];
	v22 =	vmin.f32 v8, v20;
	v8 =	vmax.f32 v8, v20;
	v16 =	vmovc v7  }
0x29: {  	v9 =	vmax.f32 v9, v19;
	v10 =	vmax.f32 v10, v21;
	v11 =	vmax.f32 v11, v22  }
0x2a: {  	v12 =	vand.u32 $0x7FFFFFFF, v12;
	v4 =	vmax.f32 v18, v4  }
0x2b: {  	v13 =	vand.u32 $0x7FFFFFFF, v13;
	v18 =	vmin.f32 v4, v12  }
0x2c: {  	v4 =	vmax.f32 v4, v12;
	v5 =	vmax.f32 v5, v13;
	v14 =	vand.u32 $0x7FFFFFFF, v14  }
0x2d: {  	v6 =	vmax.f32 v6, v18;
	v13 =	vmin.f32 v17, v13;
	v7 =	vmax.f32 v7, v14  }
0x2e: {  	v15 =	vand.u32 $0x7FFFFFFF, v15;
	v14 =	vmin.f32 v16, v14;
	v9 =	vmax.f32 v9, v13  }
0x2f: {  	v60 =	vmin.f32 v8, v15;
	v61 =	vmax.f32 v8, v15;
	v10 =	vmax.f32 v10, v14  }
0x30: {  	v62 =	vmax.f32 v5, v7;
	vm0 =	vge.f32 v5, v7;
	v5 =	vmin.f32 v5, v7  }
0x31: {  	v11 =	vmax.f32 v11, v60;
	v7 =	vsel vm0, v9, v10;
	vm14 =	vge.f32 v61, v4  }
0x32: {  	v63 =	vmax.f32 v61, v4;
	v4 =	vmin.f32 v61, v4;
	v6 =	vsel vm14, v11, v6  }
0x33: {  	v5 =	vmax.f32 v5, v7;
	vm15 =	vge.f32 v62, v63;
	v4 =	vmax.f32 v4, v6  }
0x34: {  	v6 =	vmin.f32 v62, v63;
	v4 =	vsel vm15, v5, v4  }
0x35: {  	v4 =	vmax.f32 v6, v4  }
0x36: {  	(xrf0) =	vmin.scan.msk.f32 $0xffff, v4;
	_ =	sdelay $0x5  }
0x37: {  	v4, _, _ =	vpop (xrf0)  }
0x38: {  	s13 =	simm.s32 $0x0;
	s14 =	simm.s32 $0x20;
	v5 =	vimm.s32 $0x0;
	v4 =	vbroadcast v4, $0xF  }
.LBB2_4:
0x39: {  	v6 =	vld [tilespmem:s14+$0xFFFFFFE0];
	_ =	sdelay $0x4  }
0x3a: {  	v6 =	vand.u32 $0x7FFFFFFF, v6  }
0x3b: {  	vm0 =	vge.f32 v6, v4  }
0x3c: {  	v7 =	vsel vm0, $0x1, v0  }
0x3d: {  	(xrf0) =	vadd.scan.msk.s32 $0xffff, v7;
	_ =	sdelay $0x5  }
0x3e: {  	v7, _, _ =	vpop (xrf0)  }
0x3f: {  	v7 =	vadd.s32 v7, v5  }
0x40: {  	v7 =	vadd.s32 $0xFFFFFFFF, v7;
	_ =	sdelay $0x4  }
0x41: {  	[tilespmem:v7+s9+$0x0] =	vst.idx.msk vm0, v6;
	v6 =	vor.u32 s13, v1  }
0x42: {  	[tilespmem:v7+s10+$0x0] =	vst.idx.msk vm0, v6  }
0x43: {  	v6 =	vld [tilespmem:s14+$0xFFFFFFF0];
	_ =	sdelay $0x4  }
0x44: {  	v6 =	vand.u32 $0x7FFFFFFF, v6  }
0x45: {  	vm1 =	vge.f32 v6, v4  }
0x46: {  	v7 =	vsel vm1, $0x1, v0  }
0x47: {  	(xrf0) =	vadd.scan.msk.s32 $0xffff, v7;
	_ =	sdelay $0x1  }
0x48: {  	v7 =	vmpcnt.ones.xlane vm0;
	_ =	sdelay $0x3  }
0x49: {  	v5 =	vadd.s32 v5, v7;
	v7, _, _ =	vpop (xrf0)  }
0x4a: {  	v7 =	vadd.s32 v7, v5  }
0x4b: {  	v7 =	vadd.s32 $0xFFFFFFFF, v7;
	_ =	sdelay $0x3  }
0x4c: {  	s15 =	sadd.s32 $0x10, s13  }
0x4d: {  	[tilespmem:v7+s9+$0x0] =	vst.idx.msk vm1, v6;
	v6 =	vor.u32 s15, v1  }
0x4e: {  	[tilespmem:v7+s10+$0x0] =	vst.idx.msk vm1, v6  }
0x4f: {  	v6 =	vld [tilespmem:s14+$0x0];
	_ =	sdelay $0x4  }
0x50: {  	v6 =	vand.u32 $0x7FFFFFFF, v6  }
0x51: {  	vm14 =	vge.f32 v6, v4  }
0x52: {  	v7 =	vsel vm14, $0x1, v0  }
0x53: {  	(xrf0) =	vadd.scan.msk.s32 $0xffff, v7;
	_ =	sdelay $0x1  }
0x54: {  	v7 =	vmpcnt.ones.xlane vm1;
	_ =	sdelay $0x3  }
0x55: {  	v5 =	vadd.s32 v5, v7;
	v7, _, _ =	vpop (xrf0)  }
0x56: {  	v7 =	vadd.s32 v7, v5  }
0x57: {  	v7 =	vadd.s32 $0xFFFFFFFF, v7;
	_ =	sdelay $0x3  }
0x58: {  	s30 =	sadd.s32 $0x20, s13  }
0x59: {  	[tilespmem:v7+s9+$0x0] =	vst.idx.msk vm14, v6;
	v6 =	vor.u32 s30, v1  }
0x5a: {  	[tilespmem:v7+s10+$0x0] =	vst.idx.msk vm14, v6  }
0x5b: {  	v6 =	vld [tilespmem:s14+$0x10];
	_ =	sdelay $0x4  }
0x5c: {  	v6 =	vand.u32 $0x7FFFFFFF, v6  }
0x5d: {  	vm15 =	vge.f32 v6, v4  }
0x5e: {  	v7 =	vsel vm15, $0x1, v0  }
0x5f: {  	(xrf0) =	vadd.scan.msk.s32 $0xffff, v7;
	_ =	sdelay $0x1  }
0x60: {  	v7 =	vmpcnt.ones.xlane vm14;
	_ =	sdelay $0x3  }
0x61: {  	v5 =	vadd.s32 v5, v7;
	v7, _, _ =	vpop (xrf0)  }
0x62: {  	v7 =	vadd.s32 v7, v5  }
0x63: {  	v7 =	vadd.s32 $0xFFFFFFFF, v7  }
0x64: {  	p0 =	sne.s32 s13, $0x7FC0  }
.Ltmp3:
0x65: {  	_ = 	snop;
	(pc) =	sbr.rel @p0 .LBB2_4-.Ltmp3, $4  }
0x66: {  	_ = 	snop  }
0x67: {  	s31 =	sadd.s32 $0x30, s13;
	v8 =	vmpcnt.ones.xlane vm15  }
0x68: {  	[tilespmem:v7+s9+$0x0] =	vst.idx.msk vm15, v6;
	v6 =	vor.u32 s31, v1  }
0x69: {  	s13 =	sadd.s32 $0x40, s13;
	s14 =	sadd.s32 $0x40, s14;
	v5 =	vadd.s32 v5, v8;
	[tilespmem:v7+s10+$0x0] =	vst.idx.msk vm15, v6  }
0x6a: {  	v4 =	vxor.u32 $0x80000000, v5  }
0x6b: {  	(xrf0) =	vmax.scan.msk.u32 $0xffff, v4;
	_ =	sdelay $0x5  }
0x6c: {  	v4, _, _ =	vpop (xrf0)  }
0x6d: {  	(v2sf) =	vpush v4, $0xF;
	_ =	sdelay $0xe  }
0x6e: {  	s13 =	spop (v2sf)  }
0x6f: {  	v4 =	vadd.s32 v1, v5;
	s13 =	sadd.s32 $0x8000000F, s13  }
0x70: {  	vm0 =	vlt.s32 v4, $0x8000;
	s14 =	sand.u32 $0xF, s13  }
0x71: {  	s31 =	sshra.s32 s13, $0x1F;
	p1 =	slt.s32 s13, $0x1;
	p0 =	sne.s32 s14, $0x0  }
.Ltmp4:
0x72: {  	s14 =	sshrl.u32 s31, $0x1C;
	p0 =	por !p1, !p0;
	(pc) =	sbr.rel .LBB2_6-.Ltmp4, $4  }
0x73: {  	s13 =	sadd.s32 s14, s13;
	s14 =	simm.s32 $0x1;
	p0 =	por !p0, !p0  }
0x74: {  	s13 =	sshra.s32 s13, $0x4;
	s14 =	simm.s32 @!p0 $0x0  }
0x75: {  	s13 =	ssub.s32 s13, s14  }
0x76: {  	[tilespmem:v4+s9+$0x0] =	vst.idx.msk vm0, v2;
	s14 =	simm.s32 $0x0;
	p0 =	slt.s32 s13, $0x1  }
.LBB2_7:
0x77: {  	v4 =	vimm.s32 $0x80008000  }
.LBB2_13:
0x78: {  	(xrf0) =	vmin.scan.msk.u32 $0xffff, v4;
	_ =	sdelay $0x5  }
0x79: {  	v4, _, _ =	vpop (xrf0)  }
0x7a: {  	(v2sf) =	vpush v4, $0xF;
	_ =	sdelay $0xe  }
0x7b: {  	s15 =	spop (v2sf)  }
0x7c: {  	s15 =	sxor.u32 $0x80000000, s15  }
0x7d: {  	v4 =	vmov s15;
	_ =	sdelay $0x4  }
0x7e: {  	v6 =	vmov s14;
	s14 =	sadd.s32 $0x1, s14;
	v5 =	vld.idx.msk [tilespmem:v4+s10+$0x0], $0xffff  }
0x7f: {  	p1 =	sne.s32 s14, $0x1F  }
.Ltmp5:
0x80: {  	_ = 	snop;
	(pc) =	sbr.rel @!p1 .LBB2_14-.Ltmp5, $3  }
0x81: {  	_ =	sdelay $0x1  }
0x82: {  	[tilespmem:v6+s11+$0x0] =	vst.idx.msk $0x1, v5  }
0x83: {  	[tilespmem:v4+s9+$0x0] =	vst.idx.msk $0x1, v2  }
.LBB2_6:
.Ltmp6:
0x84: {  	(pc) =	sbr.rel @p0 .LBB2_7-.Ltmp6, $1  }
0x85: {  	_ =	sdelay $0x3  }
0x86: {  	p1 =	sne.s32 s13, $0x1  }
.Ltmp7:
0x87: {  	_ = 	snop;
	(pc) =	sbr.rel @!p1 .LBB2_10-.Ltmp7, $3  }
0x88: {  	_ =	sdelay $0x1  }
0x89: {  	s15 =	simm.s32 $0x8000  }
0x8a: {  	v4 =	vimm.f32 $-1.000000000e+00;
	s16 =	sadd.s32 $0xFFFFFFFF, s13;
	s17 =	simm.s32 $0x8000;
	v5 =	vld [tilespmem:s15+$0x0]  }
.LBB2_9:
0x8b: {  	p2 =	sne.s32 s16, $0x1  }
.Ltmp8:
0x8c: {  	_ = 	snop;
	(pc) =	sbr.rel @p2 .LBB2_9-.Ltmp8, $3  }
0x8d: {  	_ =	sdelay $0x1  }
0x8e: {  	s16 =	sadd.s32 $0xFFFFFFFF, s16;
	s17 =	sadd.s32 $0x10, s17;
	v4 =	vmax.f32 v4, v5  }
0x8f: {  	v5 =	vld [tilespmem:s17+$0x0]  }
.LBB2_10:
0x90: {  	_ =	sdelay $0x3  }
0x91: {  	v4 =	vmax.f32 v4, v5  }
0x92: {  	(xrf0) =	vmax.scan.msk.f32 $0xffff, v4;
	_ =	sdelay $0x3  }
0x93: {  	v6 =	vld [tilespmem:s15+$0x0]  }
.Ltmp9:
0x94: {  	_ = 	snop;
	(pc) =	sbr.rel @!p1 .LBB2_12-.Ltmp9, $4  }
0x95: {  	v4, _, _ =	vpop (xrf0)  }
0x96: {  	v5 =	vbroadcast v4, $0xF  }
0x97: {  	s15 =	simm.s32 $0x0  }
0x98: {  	s16 =	sadd.s32 $0xFFFFFFFF, s13;
	s17 =	simm.s32 $0x8010;
	v4 =	vimm.s32 $0x8000;
	vm0 =	veq.f32 v6, v5;
	v6 =	vor.u32 s15, v1  }
.LBB2_11:
0x99: {  	v7 =	vld [tilespmem:s17+$0x0];
	p1 =	sne.s32 s16, $0x1;
	s16 =	sadd.s32 $0xFFFFFFFF, s16;
	v6 =	vnsel vm0, $0x8000, v6  }
.Ltmp10:
0x9a: {  	vm0 =	vlt.s32 v4, v6;
	(pc) =	sbr.rel @p1 .LBB2_11-.Ltmp10, $3  }
0x9b: {  	v4 =	vsel vm0, v4, v6;
	_ =	sdelay $0x1  }
0x9c: {  	s15 =	sadd.s32 $0x10, s15  }
0x9d: {  	s17 =	sadd.s32 $0x10, s17;
	v6 =	vor.u32 s15, v1;
	vm0 =	veq.f32 v7, v5  }
.LBB2_12:
.Ltmp11:
0x9e: {  	(pc) =	sbr.rel .LBB2_13-.Ltmp11, $4  }
0x9f: {  	v5 =	vnsel vm0, $0x8000, v6  }
0xa0: {  	vm0 =	vlt.s32 v4, v5  }
0xa1: {  	v4 =	vsel vm0, v4, v5  }
0xa2: {  	v4 =	vxor.u32 $0x80000000, v4  }
.LBB2_15:
0xa3: {  	_ =	sfence.sel $0x180000  }
0xa4: {  	[bflag:$0x0] =	sbarrier.arrive $0xFFFF  }
0xa5: {  	p0 =	sne.s32 s1, $0x0;
	_ =	strace $0x90000047  }
0xa6: {  	s0 =	sadd.s32 @!p0 $0x100000, s0;
	[bflag:$0x2] =	sbarrier.arrive $0xFFFF  }
0xa7: {  	[sflag:s0] =	ssyncadd.tile.s32 @!p0 $0x1;
	_ =	shalt  }
.Lfunc_end2:
_tile_overlayer_lowered:
.L_overlay_start_2:
0xa8: {  	(tag) =	ssettag $0x2  }
0xa9: {  	s0 =	rddreg [dreg:$0x0];
	s2 =	stileid.u32  }
0xaa: {  	s1 =	rddreg [dreg:$0x1];
	p0 =	sne.s32 s2, $0x0  }
0xab: {  	s3 =	rddreg [dreg:$0x2];
	[bflag:$0x3] =	sbarrier.arrive $0xFFFF;
	s2 =	simm.s32 @!p0 $0x1C01  }
0xac: {  	[timem:s3], [sflag:s2] =	dma.local @!p0 [hbm:s0], s1  }
0xad: {  	s0 =	simm.s32 @!p0 $0x1  }
0xae: {  	_ =	swait.ge @!p0 [sflag:s0], s1  }
0xaf: {  	s1 =	ssub.s32 @!p0 $0x0, s1;
	[sflag:s0] =	ssyncset.done @!p0 $0x0  }
0xb0: {  	[sflag:s0] =	ssyncadd.s32 @!p0 s1  }
0xb1: {  	[bflag:$0x3] =	sbarrier.arrive $0xFFFF  }
0xb2: {  	_ =	shalt  }

</sc_bundles>
